<compile_context>
chip_gen: v7x
topology: tpu7x:2x2x1
jax: 0.10.2.dev20260603
libtpu: 0.0.44.dev20260713+nightly
codegen_flags: <defaults>
</compile_context>

<pallas_src>
import dataclasses
import functools

import jax
import jax.numpy as jnp
from jax import lax
from jax.experimental import pallas as pl
from jax.experimental.pallas import tpu as pltpu
from jax.experimental.pallas import tpu_sc as plsc

NUM = 1000000
DIM = 32
BATCH = 16384

NC = 2
NS = 16
L = 16
NW = NC * NS
BPW = BATCH // NW
NSLOT = 8
HALF = NSLOT // 2


def _compiler_params():
    cp = pltpu.CompilerParams()
    fields = pltpu.CompilerParams.__dataclass_fields__
    if "needs_layout_passes" in fields:
        cp = dataclasses.replace(cp, needs_layout_passes=False)
    return cp


def _dot_kernel(aidx_hbm, bidx_hbm, at_hbm, bt_hbm, out_hbm,
                ai_s, bi_s, a_slots, b_slots, o2_v, o_v,
                sem_a0, sem_a1, sem_b0, sem_b1):
    wid = lax.axis_index("s") * NC + lax.axis_index("c")
    base = wid * BPW

    pltpu.sync_copy(aidx_hbm.at[pl.ds(base, BPW)], ai_s.at[pl.ds(0, BPW)])
    pltpu.sync_copy(bidx_hbm.at[pl.ds(base, BPW)], bi_s.at[pl.ds(0, BPW)])

    lane = lax.iota(jnp.int32, 16)
    sems = ((sem_a0, sem_b0), (sem_a1, sem_b1))

    def load_idx(p8):
        off = pl.multiple_of(p8, 8)
        return ai_s[pl.ds(off, L)], bi_s[pl.ds(off, L)]

    def fire_half(h, va, vb, e0):
        sem_a, sem_b = sems[h]
        for b in range(HALF):
            s = h * HALF + b
            ia = va[e0 + b]
            ib = vb[e0 + b]
            coff_a = pl.multiple_of((ia >> 7) * 128, 128)
            coff_b = pl.multiple_of((ib >> 7) * 128, 128)
            dst = pl.ds(s * DIM, DIM)
            pltpu.async_copy(at_hbm.at[:, pl.ds(coff_a, 128)],
                             a_slots.at[dst], sem_a)
            pltpu.async_copy(bt_hbm.at[:, pl.ds(coff_b, 128)],
                             b_slots.at[dst], sem_b)

    def drain_half(h):
        sem_a, sem_b = sems[h]
        for b in range(HALF):
            s = h * HALF + b
            dst = pl.ds(s * DIM, DIM)
            pltpu.make_async_copy(at_hbm.at[:, pl.ds(0, 128)],
                                  a_slots.at[dst], sem_a).wait()
            pltpu.make_async_copy(bt_hbm.at[:, pl.ds(0, 128)],
                                  b_slots.at[dst], sem_b).wait()

    def compute_half(h, va, vb, e0, p0):
        for b in range(HALF):
            s = h * HALF + b
            col_a = jnp.full((L,), va[e0 + b] & 127, jnp.int32)
            col_b = jnp.full((L,), vb[e0 + b] & 127, jnp.int32)
            rows_lo = lane + (s * DIM)
            rows_hi = rows_lo + 16
            a0 = plsc.load_gather(a_slots, [rows_lo, col_a])
            a1 = plsc.load_gather(a_slots, [rows_hi, col_a])
            b0 = plsc.load_gather(b_slots, [rows_lo, col_b])
            b1 = plsc.load_gather(b_slots, [rows_hi, col_b])
            off = pl.multiple_of((p0 + b) * L, 8)
            o2_v[pl.ds(off, L)] = a0 * b0 + a1 * b1

    va0, vb0 = load_idx(0)
    fire_half(0, va0, vb0, 0)
    fire_half(1, va0, vb0, HALF)

    @pl.loop(0, BPW - NSLOT, step=NSLOT)
    def _(j0):
        vc_a, vc_b = load_idx(j0)
        vn_a, vn_b = load_idx(j0 + NSLOT)
        for h in range(2):
            drain_half(h)
            compute_half(h, vc_a, vc_b, h * HALF, j0 + h * HALF)
            fire_half(h, vn_a, vn_b, h * HALF)

    vt_a, vt_b = load_idx(BPW - NSLOT)
    for h in range(2):
        drain_half(h)
        compute_half(h, vt_a, vt_b, h * HALF, (BPW - NSLOT) + h * HALF)

    @pl.loop(0, BPW, step=L)
    def _(g):
        rows16 = (lane + g) * L
        acc = None
        for k in range(L):
            v = plsc.load_gather(o2_v, [rows16 + k])
            acc = v if acc is None else acc + v
        o_v[pl.ds(g, L)] = acc

    pltpu.sync_copy(o_v, out_hbm.at[pl.ds(base, BPW)])


@jax.jit
def kernel(aIdx, bIdx, A, B):
    aIdx = aIdx.astype(jnp.int32)
    bIdx = bIdx.astype(jnp.int32)
    At = A.T
    Bt = B.T
    mesh = plsc.VectorSubcoreMesh(core_axis_name="c", subcore_axis_name="s")
    run = functools.partial(
        pl.kernel,
        mesh=mesh,
        out_type=jax.ShapeDtypeStruct((BATCH,), jnp.float32),
        scratch_types=[
            pltpu.VMEM((BPW + L,), jnp.int32),
            pltpu.VMEM((BPW + L,), jnp.int32),
            pltpu.VMEM((NSLOT * DIM, 128), jnp.float32),
            pltpu.VMEM((NSLOT * DIM, 128), jnp.float32),
            pltpu.VMEM((BPW * L,), jnp.float32),
            pltpu.VMEM((BPW,), jnp.float32),
            pltpu.SemaphoreType.DMA,
            pltpu.SemaphoreType.DMA,
            pltpu.SemaphoreType.DMA,
            pltpu.SemaphoreType.DMA,
        ],
        compiler_params=_compiler_params(),
    )(_dot_kernel)
    return run(aIdx, bIdx, At, Bt)

# --- scband reference (transcript-rebuilt; emitter-appended) ---
"""Pipeline reference for scband-matrix-factorization-37984690766397 (READ-ONLY COPY).

The authoritative reference and input builder live on the scoring server;
editing this copy changes nothing except your own understanding.
"""

import jax, jax.numpy as jnp
import numpy as np

NUM = 1000000
DIM = 32
BATCH = 16384


def setup_inputs(seed: int = 0) -> dict:
    key = jax.random.key(seed)
    k1, k2, k3, k4 = jax.random.split(key, 4)
    aIdx = jax.random.randint(k1, (BATCH,), 0, NUM, dtype=jnp.int64 if jax.config.jax_enable_x64 else jnp.int32).astype(jnp.int32)
    bIdx = jax.random.randint(k2, (BATCH,), 0, NUM, dtype=jnp.int64 if jax.config.jax_enable_x64 else jnp.int32).astype(jnp.int32)
    A = jax.random.normal(k3, (NUM, DIM), dtype=jnp.float32)
    B = jax.random.normal(k4, (NUM, DIM), dtype=jnp.float32)
    return {"aIdx": aIdx, "bIdx": bIdx, "A": A, "B": B}


def reference(aIdx, bIdx, A, B):
    # Embedding lookups (gathers) followed by elementwise product and row-sum (dot product per pair).
    a_rows = jnp.take(A, aIdx, axis=0)  # [BATCH, DIM]
    b_rows = jnp.take(B, bIdx, axis=0)  # [BATCH, DIM]
    return (a_rows * b_rows).sum(axis=1)  # [BATCH]

if __name__ == "__main__":
    import jax
    _d = setup_inputs()
    print(jax.jit(kernel)(*tuple(_d.values())))

</pallas_src>

<mosaic_0001>
#map = affine_map<(d0, d1) -> (0)>
#map1 = affine_map<(d0, d1) -> (0, 0)>
module attributes {stable_mosaic.version = 14 : i64} {
  func.func @_dot_kernel(%arg0: i32, %arg1: i32, %arg2: memref<16384xi32, #tpu.memory_space<hbm>>, %arg3: memref<16384xi32, #tpu.memory_space<hbm>>, %arg4: memref<32x1000000xf32, #tpu.memory_space<hbm>>, %arg5: memref<32x1000000xf32, #tpu.memory_space<hbm>>, %arg6: memref<16384xf32, #tpu.memory_space<hbm>>, %arg7: memref<528xi32, #tpu.memory_space<vmem>>, %arg8: memref<528xi32, #tpu.memory_space<vmem>>, %arg9: memref<256x128xf32, #tpu.memory_space<vmem>>, %arg10: memref<256x128xf32, #tpu.memory_space<vmem>>, %arg11: memref<8192xf32, #tpu.memory_space<vmem>>, %arg12: memref<512xf32, #tpu.memory_space<vmem>>, %arg13: memref<!tpu.dma_semaphore, #tpu.memory_space<semaphore_mem>>, %arg14: memref<!tpu.dma_semaphore, #tpu.memory_space<semaphore_mem>>, %arg15: memref<!tpu.dma_semaphore, #tpu.memory_space<semaphore_mem>>, %arg16: memref<!tpu.dma_semaphore, #tpu.memory_space<semaphore_mem>>) attributes {dimension_semantics = [#tpu.dimension_semantics<core_parallel>, #tpu.dimension_semantics<subcore_parallel>], iteration_bounds = array<i64: 2, 16>, scalar_prefetch = 0 : i64, scratch_operands = 10 : i64, tpu.core_type = #tpu.core_type<sc_vector_subcore>, window_params = [{transform_indices = #map}, {transform_indices = #map}, {transform_indices = #map1}, {transform_indices = #map1}, {transform_indices = #map}]} {
    %mul3A = arith.constant 2 : i32
    %mul3A_0 = arith.muli %arg1, %mul3A : i32
    %add3A = arith.addi %mul3A_0, %arg0 : i32
    %mul3A_1 = arith.constant 512 : i32
    %mul3A_2 = arith.muli %add3A, %mul3A_1 : i32
    "tpu.region"() ({
      %run_scoped3A = tpu.sem_alloc : memref<!tpu.dma_semaphore, #tpu.memory_space<semaphore_mem>>
      %dma_start3A_693 = arith.constant 0 : i32
      %dma_start3A_694 = tpu.memref_slice %arg7[%dma_start3A_693] : memref<528xi32, #tpu.memory_space<vmem>> -> memref<512xi32, #tpu.memory_space<vmem>>
      %dma_start3A_695 = tpu.memref_slice %arg2[%mul3A_2] : memref<16384xi32, #tpu.memory_space<hbm>> -> memref<512xi32, #tpu.memory_space<hbm>>
      %dma_start3A_696 = arith.constant 0 : i32
      %dma_start3A_697 = tpu.memref_slice %arg7[%dma_start3A_696] : memref<528xi32, #tpu.memory_space<vmem>> -> memref<512xi32, #tpu.memory_space<vmem>>
      %dma_start3A_698 = tpu.memref_slice %arg2[%mul3A_2] : memref<16384xi32, #tpu.memory_space<hbm>> -> memref<512xi32, #tpu.memory_space<hbm>>
      tpu.enqueue_dma source(%dma_start3A_698 : memref<512xi32, #tpu.memory_space<hbm>>) target(%dma_start3A_697 : memref<512xi32, #tpu.memory_space<vmem>>) target_semaphore(%run_scoped3A : memref<!tpu.dma_semaphore, #tpu.memory_space<semaphore_mem>>)
      %dma_wait3A_699 = arith.constant 0 : i32
      %dma_wait3A_700 = tpu.memref_slice %arg7[%dma_wait3A_699] : memref<528xi32, #tpu.memory_space<vmem>> -> memref<512xi32, #tpu.memory_space<vmem>>
      %dma_wait3A_701 = tpu.memref_slice %arg2[%mul3A_2] : memref<16384xi32, #tpu.memory_space<hbm>> -> memref<512xi32, #tpu.memory_space<hbm>>
      %dma_wait3A_702 = arith.constant 0 : i32
      %dma_wait3A_703 = tpu.memref_slice %arg7[%dma_wait3A_702] : memref<528xi32, #tpu.memory_space<vmem>> -> memref<512xi32, #tpu.memory_space<vmem>>
      %dma_wait3A_704 = tpu.memref_slice %arg2[%mul3A_2] : memref<16384xi32, #tpu.memory_space<hbm>> -> memref<512xi32, #tpu.memory_space<hbm>>
      tpu.wait_dma2 semaphore(%run_scoped3A : memref<!tpu.dma_semaphore, #tpu.memory_space<semaphore_mem>>) src(%dma_wait3A_704 : memref<512xi32, #tpu.memory_space<hbm>>) dst(%dma_wait3A_703 : memref<512xi32, #tpu.memory_space<vmem>>)
      tpu.yield
    }) : () -> ()
    "tpu.region"() ({
      %run_scoped3A = tpu.sem_alloc : memref<!tpu.dma_semaphore, #tpu.memory_space<semaphore_mem>>
      %dma_start3A_693 = arith.constant 0 : i32
      %dma_start3A_694 = tpu.memref_slice %arg8[%dma_start3A_693] : memref<528xi32, #tpu.memory_space<vmem>> -> memref<512xi32, #tpu.memory_space<vmem>>
      %dma_start3A_695 = tpu.memref_slice %arg3[%mul3A_2] : memref<16384xi32, #tpu.memory_space<hbm>> -> memref<512xi32, #tpu.memory_space<hbm>>
      %dma_start3A_696 = arith.constant 0 : i32
      %dma_start3A_697 = tpu.memref_slice %arg8[%dma_start3A_696] : memref<528xi32, #tpu.memory_space<vmem>> -> memref<512xi32, #tpu.memory_space<vmem>>
      %dma_start3A_698 = tpu.memref_slice %arg3[%mul3A_2] : memref<16384xi32, #tpu.memory_space<hbm>> -> memref<512xi32, #tpu.memory_space<hbm>>
      tpu.enqueue_dma source(%dma_start3A_698 : memref<512xi32, #tpu.memory_space<hbm>>) target(%dma_start3A_697 : memref<512xi32, #tpu.memory_space<vmem>>) target_semaphore(%run_scoped3A : memref<!tpu.dma_semaphore, #tpu.memory_space<semaphore_mem>>)
      %dma_wait3A_699 = arith.constant 0 : i32
      %dma_wait3A_700 = tpu.memref_slice %arg8[%dma_wait3A_699] : memref<528xi32, #tpu.memory_space<vmem>> -> memref<512xi32, #tpu.memory_space<vmem>>
      %dma_wait3A_701 = tpu.memref_slice %arg3[%mul3A_2] : memref<16384xi32, #tpu.memory_space<hbm>> -> memref<512xi32, #tpu.memory_space<hbm>>
      %dma_wait3A_702 = arith.constant 0 : i32
      %dma_wait3A_703 = tpu.memref_slice %arg8[%dma_wait3A_702] : memref<528xi32, #tpu.memory_space<vmem>> -> memref<512xi32, #tpu.memory_space<vmem>>
      %dma_wait3A_704 = tpu.memref_slice %arg3[%mul3A_2] : memref<16384xi32, #tpu.memory_space<hbm>> -> memref<512xi32, #tpu.memory_space<hbm>>
      tpu.wait_dma2 semaphore(%run_scoped3A : memref<!tpu.dma_semaphore, #tpu.memory_space<semaphore_mem>>) src(%dma_wait3A_704 : memref<512xi32, #tpu.memory_space<hbm>>) dst(%dma_wait3A_703 : memref<512xi32, #tpu.memory_space<vmem>>)
      tpu.yield
    }) : () -> ()
    %iota3A = tpu.iota {dimensions = array<i32: 0>} : vector<16xi32>
    %multiple_of3A = arith.constant 0 : i32
    %multiple_of3A_3 = tpu.assume_multiple %multiple_of3A, 8 : i32
    %get3A = arith.index_cast %multiple_of3A_3 : i32 to index
    %get3A_4 = tpu.vector_load %arg7[%get3A] {strides = array<i32>} : memref<528xi32, #tpu.memory_space<vmem>>, vector<16xi32>,
    %get3A_5 = arith.index_cast %multiple_of3A_3 : i32 to index
    %get3A_6 = tpu.vector_load %arg8[%get3A_5] {strides = array<i32>} : memref<528xi32, #tpu.memory_space<vmem>>, vector<16xi32>,
    %slice3A = vector.extract_strided_slice %get3A_4 {offsets = [0], sizes = [1], strides = [1]} : vector<16xi32> to vector<1xi32>
    %squeeze3A = vector.extract %slice3A[0] : i32 from vector<1xi32>
    %slice3A_7 = vector.extract_strided_slice %get3A_6 {offsets = [0], sizes = [1], strides = [1]} : vector<16xi32> to vector<1xi32>
    %squeeze3A_8 = vector.extract %slice3A_7[0] : i32 from vector<1xi32>
    %shift_right_arithmetic3A = arith.constant 7 : i32
    %shift_right_arithmetic3A_9 = arith.shrsi %squeeze3A, %shift_right_arithmetic3A : i32
    %mul3A_10 = arith.constant 128 : i32
    %mul3A_11 = arith.muli %shift_right_arithmetic3A_9, %mul3A_10 : i32
    %multiple_of3A_12 = tpu.assume_multiple %mul3A_11, 128 : i32
    %shift_right_arithmetic3A_13 = arith.constant 7 : i32
    %shift_right_arithmetic3A_14 = arith.shrsi %squeeze3A_8, %shift_right_arithmetic3A_13 : i32
    %mul3A_15 = arith.constant 128 : i32
    %mul3A_16 = arith.muli %shift_right_arithmetic3A_14, %mul3A_15 : i32
    %multiple_of3A_17 = tpu.assume_multiple %mul3A_16, 128 : i32
    %dma_start3A = arith.constant 0 : i32
    %dma_start3A_18 = arith.constant 0 : i32
    %dma_start3A_19 = tpu.memref_slice %arg9[%dma_start3A, %dma_start3A_18] : memref<256x128xf32, #tpu.memory_space<vmem>> -> memref<32x128xf32, #tpu.memory_space<vmem>>
    %dma_start3A_20 = arith.constant 0 : i32
    %dma_start3A_21 = tpu.memref_slice %arg4[%dma_start3A_20, %multiple_of3A_12] : memref<32x1000000xf32, #tpu.memory_space<hbm>> -> memref<32x128xf32, #tpu.memory_space<hbm>>
    %dma_start3A_22 = arith.constant 0 : i32
    %dma_start3A_23 = arith.constant 0 : i32
    %dma_start3A_24 = tpu.memref_slice %arg9[%dma_start3A_22, %dma_start3A_23] : memref<256x128xf32, #tpu.memory_space<vmem>> -> memref<32x128xf32, #tpu.memory_space<vmem>>
    %dma_start3A_25 = arith.constant 0 : i32
    %dma_start3A_26 = tpu.memref_slice %arg4[%dma_start3A_25, %multiple_of3A_12] : memref<32x1000000xf32, #tpu.memory_space<hbm>> -> memref<32x128xf32, #tpu.memory_space<hbm>>
    tpu.enqueue_dma source(%dma_start3A_26 : memref<32x128xf32, #tpu.memory_space<hbm>>) target(%dma_start3A_24 : memref<32x128xf32, #tpu.memory_space<vmem>>) target_semaphore(%arg13 : memref<!tpu.dma_semaphore, #tpu.memory_space<semaphore_mem>>)
    %dma_start3A_27 = arith.constant 0 : i32
    %dma_start3A_28 = arith.constant 0 : i32
    %dma_start3A_29 = tpu.memref_slice %arg10[%dma_start3A_27, %dma_start3A_28] : memref<256x128xf32, #tpu.memory_space<vmem>> -> memref<32x128xf32, #tpu.memory_space<vmem>>
    %dma_start3A_30 = arith.constant 0 : i32
    %dma_start3A_31 = tpu.memref_slice %arg5[%dma_start3A_30, %multiple_of3A_17] : memref<32x1000000xf32, #tpu.memory_space<hbm>> -> memref<32x128xf32, #tpu.memory_space<hbm>>
    %dma_start3A_32 = arith.constant 0 : i32
    %dma_start3A_33 = arith.constant 0 : i32
    %dma_start3A_34 = tpu.memref_slice %arg10[%dma_start3A_32, %dma_start3A_33] : memref<256x128xf32, #tpu.memory_space<vmem>> -> memref<32x128xf32, #tpu.memory_space<vmem>>
    %dma_start3A_35 = arith.constant 0 : i32
    %dma_start3A_36 = tpu.memref_slice %arg5[%dma_start3A_35, %multiple_of3A_17] : memref<32x1000000xf32, #tpu.memory_space<hbm>> -> memref<32x128xf32, #tpu.memory_space<hbm>>
    tpu.enqueue_dma source(%dma_start3A_36 : memref<32x128xf32, #tpu.memory_space<hbm>>) target(%dma_start3A_34 : memref<32x128xf32, #tpu.memory_space<vmem>>) target_semaphore(%arg15 : memref<!tpu.dma_semaphore, #tpu.memory_space<semaphore_mem>>)
    %slice3A_37 = vector.extract_strided_slice %get3A_4 {offsets = [1], sizes = [1], strides = [1]} : vector<16xi32> to vector<1xi32>
    %squeeze3A_38 = vector.extract %slice3A_37[0] : i32 from vector<1xi32>
    %slice3A_39 = vector.extract_strided_slice %get3A_6 {offsets = [1], sizes = [1], strides = [1]} : vector<16xi32> to vector<1xi32>
    %squeeze3A_40 = vector.extract %slice3A_39[0] : i32 from vector<1xi32>
    %shift_right_arithmetic3A_41 = arith.constant 7 : i32
    %shift_right_arithmetic3A_42 = arith.shrsi %squeeze3A_38, %shift_right_arithmetic3A_41 : i32
    %mul3A_43 = arith.constant 128 : i32
    %mul3A_44 = arith.muli %shift_right_arithmetic3A_42, %mul3A_43 : i32
    %multiple_of3A_45 = tpu.assume_multiple %mul3A_44, 128 : i32
    %shift_right_arithmetic3A_46 = arith.constant 7 : i32
    %shift_right_arithmetic3A_47 = arith.shrsi %squeeze3A_40, %shift_right_arithmetic3A_46 : i32
    %mul3A_48 = arith.constant 128 : i32
    %mul3A_49 = arith.muli %shift_right_arithmetic3A_47, %mul3A_48 : i32
    %multiple_of3A_50 = tpu.assume_multiple %mul3A_49, 128 : i32
    %dma_start3A_51 = arith.constant 32 : i32
    %dma_start3A_52 = arith.constant 0 : i32
    %dma_start3A_53 = tpu.memref_slice %arg9[%dma_start3A_51, %dma_start3A_52] : memref<256x128xf32, #tpu.memory_space<vmem>> -> memref<32x128xf32, #tpu.memory_space<vmem>>
    %dma_start3A_54 = arith.constant 0 : i32
    %dma_start3A_55 = tpu.memref_slice %arg4[%dma_start3A_54, %multiple_of3A_45] : memref<32x1000000xf32, #tpu.memory_space<hbm>> -> memref<32x128xf32, #tpu.memory_space<hbm>>
    %dma_start3A_56 = arith.constant 32 : i32
    %dma_start3A_57 = arith.constant 0 : i32
    %dma_start3A_58 = tpu.memref_slice %arg9[%dma_start3A_56, %dma_start3A_57] : memref<256x128xf32, #tpu.memory_space<vmem>> -> memref<32x128xf32, #tpu.memory_space<vmem>>
    %dma_start3A_59 = arith.constant 0 : i32
    %dma_start3A_60 = tpu.memref_slice %arg4[%dma_start3A_59, %multiple_of3A_45] : memref<32x1000000xf32, #tpu.memory_space<hbm>> -> memref<32x128xf32, #tpu.memory_space<hbm>>
    tpu.enqueue_dma source(%dma_start3A_60 : memref<32x128xf32, #tpu.memory_space<hbm>>) target(%dma_start3A_58 : memref<32x128xf32, #tpu.memory_space<vmem>>) target_semaphore(%arg13 : memref<!tpu.dma_semaphore, #tpu.memory_space<semaphore_mem>>)
    %dma_start3A_61 = arith.constant 32 : i32
    %dma_start3A_62 = arith.constant 0 : i32
    %dma_start3A_63 = tpu.memref_slice %arg10[%dma_start3A_61, %dma_start3A_62] : memref<256x128xf32, #tpu.memory_space<vmem>> -> memref<32x128xf32, #tpu.memory_space<vmem>>
    %dma_start3A_64 = arith.constant 0 : i32
    %dma_start3A_65 = tpu.memref_slice %arg5[%dma_start3A_64, %multiple_of3A_50] : memref<32x1000000xf32, #tpu.memory_space<hbm>> -> memref<32x128xf32, #tpu.memory_space<hbm>>
    %dma_start3A_66 = arith.constant 32 : i32
    %dma_start3A_67 = arith.constant 0 : i32
    %dma_start3A_68 = tpu.memref_slice %arg10[%dma_start3A_66, %dma_start3A_67] : memref<256x128xf32, #tpu.memory_space<vmem>> -> memref<32x128xf32, #tpu.memory_space<vmem>>
    %dma_start3A_69 = arith.constant 0 : i32
    %dma_start3A_70 = tpu.memref_slice %arg5[%dma_start3A_69, %multiple_of3A_50] : memref<32x1000000xf32, #tpu.memory_space<hbm>> -> memref<32x128xf32, #tpu.memory_space<hbm>>
    tpu.enqueue_dma source(%dma_start3A_70 : memref<32x128xf32, #tpu.memory_space<hbm>>) target(%dma_start3A_68 : memref<32x128xf32, #tpu.memory_space<vmem>>) target_semaphore(%arg15 : memref<!tpu.dma_semaphore, #tpu.memory_space<semaphore_mem>>)
    %slice3A_71 = vector.extract_strided_slice %get3A_4 {offsets = [2], sizes = [1], strides = [1]} : vector<16xi32> to vector<1xi32>
    %squeeze3A_72 = vector.extract %slice3A_71[0] : i32 from vector<1xi32>
    %slice3A_73 = vector.extract_strided_slice %get3A_6 {offsets = [2], sizes = [1], strides = [1]} : vector<16xi32> to vector<1xi32>
    %squeeze3A_74 = vector.extract %slice3A_73[0] : i32 from vector<1xi32>
    %shift_right_arithmetic3A_75 = arith.constant 7 : i32
    %shift_right_arithmetic3A_76 = arith.shrsi %squeeze3A_72, %shift_right_arithmetic3A_75 : i32
    %mul3A_77 = arith.constant 128 : i32
    %mul3A_78 = arith.muli %shift_right_arithmetic3A_76, %mul3A_77 : i32
    %multiple_of3A_79 = tpu.assume_multiple %mul3A_78, 128 : i32
    %shift_right_arithmetic3A_80 = arith.constant 7 : i32
    %shift_right_arithmetic3A_81 = arith.shrsi %squeeze3A_74, %shift_right_arithmetic3A_80 : i32
    %mul3A_82 = arith.constant 128 : i32
    %mul3A_83 = arith.muli %shift_right_arithmetic3A_81, %mul3A_82 : i32
    %multiple_of3A_84 = tpu.assume_multiple %mul3A_83, 128 : i32
    %dma_start3A_85 = arith.constant 64 : i32
    %dma_start3A_86 = arith.constant 0 : i32
    %dma_start3A_87 = tpu.memref_slice %arg9[%dma_start3A_85, %dma_start3A_86] : memref<256x128xf32, #tpu.memory_space<vmem>> -> memref<32x128xf32, #tpu.memory_space<vmem>>
    %dma_start3A_88 = arith.constant 0 : i32
    %dma_start3A_89 = tpu.memref_slice %arg4[%dma_start3A_88, %multiple_of3A_79] : memref<32x1000000xf32, #tpu.memory_space<hbm>> -> memref<32x128xf32, #tpu.memory_space<hbm>>
    %dma_start3A_90 = arith.constant 64 : i32
    %dma_start3A_91 = arith.constant 0 : i32
    %dma_start3A_92 = tpu.memref_slice %arg9[%dma_start3A_90, %dma_start3A_91] : memref<256x128xf32, #tpu.memory_space<vmem>> -> memref<32x128xf32, #tpu.memory_space<vmem>>
    %dma_start3A_93 = arith.constant 0 : i32
    %dma_start3A_94 = tpu.memref_slice %arg4[%dma_start3A_93, %multiple_of3A_79] : memref<32x1000000xf32, #tpu.memory_space<hbm>> -> memref<32x128xf32, #tpu.memory_space<hbm>>
    tpu.enqueue_dma source(%dma_start3A_94 : memref<32x128xf32, #tpu.memory_space<hbm>>) target(%dma_start3A_92 : memref<32x128xf32, #tpu.memory_space<vmem>>) target_semaphore(%arg13 : memref<!tpu.dma_semaphore, #tpu.memory_space<semaphore_mem>>)
    %dma_start3A_95 = arith.constant 64 : i32
    %dma_start3A_96 = arith.constant 0 : i32
    %dma_start3A_97 = tpu.memref_slice %arg10[%dma_start3A_95, %dma_start3A_96] : memref<256x128xf32, #tpu.memory_space<vmem>> -> memref<32x128xf32, #tpu.memory_space<vmem>>
    %dma_start3A_98 = arith.constant 0 : i32
    %dma_start3A_99 = tpu.memref_slice %arg5[%dma_start3A_98, %multiple_of3A_84] : memref<32x1000000xf32, #tpu.memory_space<hbm>> -> memref<32x128xf32, #tpu.memory_space<hbm>>
    %dma_start3A_100 = arith.constant 64 : i32
    %dma_start3A_101 = arith.constant 0 : i32
    %dma_start3A_102 = tpu.memref_slice %arg10[%dma_start3A_100, %dma_start3A_101] : memref<256x128xf32, #tpu.memory_space<vmem>> -> memref<32x128xf32, #tpu.memory_space<vmem>>
    %dma_start3A_103 = arith.constant 0 : i32
    %dma_start3A_104 = tpu.memref_slice %arg5[%dma_start3A_103, %multiple_of3A_84] : memref<32x1000000xf32, #tpu.memory_space<hbm>> -> memref<32x128xf32, #tpu.memory_space<hbm>>
    tpu.enqueue_dma source(%dma_start3A_104 : memref<32x128xf32, #tpu.memory_space<hbm>>) target(%dma_start3A_102 : memref<32x128xf32, #tpu.memory_space<vmem>>) target_semaphore(%arg15 : memref<!tpu.dma_semaphore, #tpu.memory_space<semaphore_mem>>)
    %slice3A_105 = vector.extract_strided_slice %get3A_4 {offsets = [3], sizes = [1], strides = [1]} : vector<16xi32> to vector<1xi32>
    %squeeze3A_106 = vector.extract %slice3A_105[0] : i32 from vector<1xi32>
    %slice3A_107 = vector.extract_strided_slice %get3A_6 {offsets = [3], sizes = [1], strides = [1]} : vector<16xi32> to vector<1xi32>
    %squeeze3A_108 = vector.extract %slice3A_107[0] : i32 from vector<1xi32>
    %shift_right_arithmetic3A_109 = arith.constant 7 : i32
    %shift_right_arithmetic3A_110 = arith.shrsi %squeeze3A_106, %shift_right_arithmetic3A_109 : i32
    %mul3A_111 = arith.constant 128 : i32
    %mul3A_112 = arith.muli %shift_right_arithmetic3A_110, %mul3A_111 : i32
    %multiple_of3A_113 = tpu.assume_multiple %mul3A_112, 128 : i32
    %shift_right_arithmetic3A_114 = arith.constant 7 : i32
    %shift_right_arithmetic3A_115 = arith.shrsi %squeeze3A_108, %shift_right_arithmetic3A_114 : i32
    %mul3A_116 = arith.constant 128 : i32
    %mul3A_117 = arith.muli %shift_right_arithmetic3A_115, %mul3A_116 : i32
    %multiple_of3A_118 = tpu.assume_multiple %mul3A_117, 128 : i32
    %dma_start3A_119 = arith.constant 96 : i32
    %dma_start3A_120 = arith.constant 0 : i32
    %dma_start3A_121 = tpu.memref_slice %arg9[%dma_start3A_119, %dma_start3A_120] : memref<256x128xf32, #tpu.memory_space<vmem>> -> memref<32x128xf32, #tpu.memory_space<vmem>>
    %dma_start3A_122 = arith.constant 0 : i32
    %dma_start3A_123 = tpu.memref_slice %arg4[%dma_start3A_122, %multiple_of3A_113] : memref<32x1000000xf32, #tpu.memory_space<hbm>> -> memref<32x128xf32, #tpu.memory_space<hbm>>
    %dma_start3A_124 = arith.constant 96 : i32
    %dma_start3A_125 = arith.constant 0 : i32
    %dma_start3A_126 = tpu.memref_slice %arg9[%dma_start3A_124, %dma_start3A_125] : memref<256x128xf32, #tpu.memory_space<vmem>> -> memref<32x128xf32, #tpu.memory_space<vmem>>
    %dma_start3A_127 = arith.constant 0 : i32
    %dma_start3A_128 = tpu.memref_slice %arg4[%dma_start3A_127, %multiple_of3A_113] : memref<32x1000000xf32, #tpu.memory_space<hbm>> -> memref<32x128xf32, #tpu.memory_space<hbm>>
    tpu.enqueue_dma source(%dma_start3A_128 : memref<32x128xf32, #tpu.memory_space<hbm>>) target(%dma_start3A_126 : memref<32x128xf32, #tpu.memory_space<vmem>>) target_semaphore(%arg13 : memref<!tpu.dma_semaphore, #tpu.memory_space<semaphore_mem>>)
    %dma_start3A_129 = arith.constant 96 : i32
    %dma_start3A_130 = arith.constant 0 : i32
    %dma_start3A_131 = tpu.memref_slice %arg10[%dma_start3A_129, %dma_start3A_130] : memref<256x128xf32, #tpu.memory_space<vmem>> -> memref<32x128xf32, #tpu.memory_space<vmem>>
    %dma_start3A_132 = arith.constant 0 : i32
    %dma_start3A_133 = tpu.memref_slice %arg5[%dma_start3A_132, %multiple_of3A_118] : memref<32x1000000xf32, #tpu.memory_space<hbm>> -> memref<32x128xf32, #tpu.memory_space<hbm>>
    %dma_start3A_134 = arith.constant 96 : i32
    %dma_start3A_135 = arith.constant 0 : i32
    %dma_start3A_136 = tpu.memref_slice %arg10[%dma_start3A_134, %dma_start3A_135] : memref<256x128xf32, #tpu.memory_space<vmem>> -> memref<32x128xf32, #tpu.memory_space<vmem>>
    %dma_start3A_137 = arith.constant 0 : i32
    %dma_start3A_138 = tpu.memref_slice %arg5[%dma_start3A_137, %multiple_of3A_118] : memref<32x1000000xf32, #tpu.memory_space<hbm>> -> memref<32x128xf32, #tpu.memory_space<hbm>>
    tpu.enqueue_dma source(%dma_start3A_138 : memref<32x128xf32, #tpu.memory_space<hbm>>) target(%dma_start3A_136 : memref<32x128xf32, #tpu.memory_space<vmem>>) target_semaphore(%arg15 : memref<!tpu.dma_semaphore, #tpu.memory_space<semaphore_mem>>)
    %slice3A_139 = vector.extract_strided_slice %get3A_4 {offsets = [4], sizes = [1], strides = [1]} : vector<16xi32> to vector<1xi32>
    %squeeze3A_140 = vector.extract %slice3A_139[0] : i32 from vector<1xi32>
    %slice3A_141 = vector.extract_strided_slice %get3A_6 {offsets = [4], sizes = [1], strides = [1]} : vector<16xi32> to vector<1xi32>
    %squeeze3A_142 = vector.extract %slice3A_141[0] : i32 from vector<1xi32>
    %shift_right_arithmetic3A_143 = arith.constant 7 : i32
    %shift_right_arithmetic3A_144 = arith.shrsi %squeeze3A_140, %shift_right_arithmetic3A_143 : i32
    %mul3A_145 = arith.constant 128 : i32
    %mul3A_146 = arith.muli %shift_right_arithmetic3A_144, %mul3A_145 : i32
    %multiple_of3A_147 = tpu.assume_multiple %mul3A_146, 128 : i32
    %shift_right_arithmetic3A_148 = arith.constant 7 : i32
    %shift_right_arithmetic3A_149 = arith.shrsi %squeeze3A_142, %shift_right_arithmetic3A_148 : i32
    %mul3A_150 = arith.constant 128 : i32
    %mul3A_151 = arith.muli %shift_right_arithmetic3A_149, %mul3A_150 : i32
    %multiple_of3A_152 = tpu.assume_multiple %mul3A_151, 128 : i32
    %dma_start3A_153 = arith.constant 128 : i32
    %dma_start3A_154 = arith.constant 0 : i32
    %dma_start3A_155 = tpu.memref_slice %arg9[%dma_start3A_153, %dma_start3A_154] : memref<256x128xf32, #tpu.memory_space<vmem>> -> memref<32x128xf32, #tpu.memory_space<vmem>>
    %dma_start3A_156 = arith.constant 0 : i32
    %dma_start3A_157 = tpu.memref_slice %arg4[%dma_start3A_156, %multiple_of3A_147] : memref<32x1000000xf32, #tpu.memory_space<hbm>> -> memref<32x128xf32, #tpu.memory_space<hbm>>
    %dma_start3A_158 = arith.constant 128 : i32
    %dma_start3A_159 = arith.constant 0 : i32
    %dma_start3A_160 = tpu.memref_slice %arg9[%dma_start3A_158, %dma_start3A_159] : memref<256x128xf32, #tpu.memory_space<vmem>> -> memref<32x128xf32, #tpu.memory_space<vmem>>
    %dma_start3A_161 = arith.constant 0 : i32
    %dma_start3A_162 = tpu.memref_slice %arg4[%dma_start3A_161, %multiple_of3A_147] : memref<32x1000000xf32, #tpu.memory_space<hbm>> -> memref<32x128xf32, #tpu.memory_space<hbm>>
    tpu.enqueue_dma source(%dma_start3A_162 : memref<32x128xf32, #tpu.memory_space<hbm>>) target(%dma_start3A_160 : memref<32x128xf32, #tpu.memory_space<vmem>>) target_semaphore(%arg14 : memref<!tpu.dma_semaphore, #tpu.memory_space<semaphore_mem>>)
    %dma_start3A_163 = arith.constant 128 : i32
    %dma_start3A_164 = arith.constant 0 : i32
    %dma_start3A_165 = tpu.memref_slice %arg10[%dma_start3A_163, %dma_start3A_164] : memref<256x128xf32, #tpu.memory_space<vmem>> -> memref<32x128xf32, #tpu.memory_space<vmem>>
    %dma_start3A_166 = arith.constant 0 : i32
    %dma_start3A_167 = tpu.memref_slice %arg5[%dma_start3A_166, %multiple_of3A_152] : memref<32x1000000xf32, #tpu.memory_space<hbm>> -> memref<32x128xf32, #tpu.memory_space<hbm>>
    %dma_start3A_168 = arith.constant 128 : i32
    %dma_start3A_169 = arith.constant 0 : i32
    %dma_start3A_170 = tpu.memref_slice %arg10[%dma_start3A_168, %dma_start3A_169] : memref<256x128xf32, #tpu.memory_space<vmem>> -> memref<32x128xf32, #tpu.memory_space<vmem>>
    %dma_start3A_171 = arith.constant 0 : i32
    %dma_start3A_172 = tpu.memref_slice %arg5[%dma_start3A_171, %multiple_of3A_152] : memref<32x1000000xf32, #tpu.memory_space<hbm>> -> memref<32x128xf32, #tpu.memory_space<hbm>>
    tpu.enqueue_dma source(%dma_start3A_172 : memref<32x128xf32, #tpu.memory_space<hbm>>) target(%dma_start3A_170 : memref<32x128xf32, #tpu.memory_space<vmem>>) target_semaphore(%arg16 : memref<!tpu.dma_semaphore, #tpu.memory_space<semaphore_mem>>)
    %slice3A_173 = vector.extract_strided_slice %get3A_4 {offsets = [5], sizes = [1], strides = [1]} : vector<16xi32> to vector<1xi32>
    %squeeze3A_174 = vector.extract %slice3A_173[0] : i32 from vector<1xi32>
    %slice3A_175 = vector.extract_strided_slice %get3A_6 {offsets = [5], sizes = [1], strides = [1]} : vector<16xi32> to vector<1xi32>
    %squeeze3A_176 = vector.extract %slice3A_175[0] : i32 from vector<1xi32>
    %shift_right_arithmetic3A_177 = arith.constant 7 : i32
    %shift_right_arithmetic3A_178 = arith.shrsi %squeeze3A_174, %shift_right_arithmetic3A_177 : i32
    %mul3A_179 = arith.constant 128 : i32
    %mul3A_180 = arith.muli %shift_right_arithmetic3A_178, %mul3A_179 : i32
    %multiple_of3A_181 = tpu.assume_multiple %mul3A_180, 128 : i32
    %shift_right_arithmetic3A_182 = arith.constant 7 : i32
    %shift_right_arithmetic3A_183 = arith.shrsi %squeeze3A_176, %shift_right_arithmetic3A_182 : i32
    %mul3A_184 = arith.constant 128 : i32
    %mul3A_185 = arith.muli %shift_right_arithmetic3A_183, %mul3A_184 : i32
    %multiple_of3A_186 = tpu.assume_multiple %mul3A_185, 128 : i32
    %dma_start3A_187 = arith.constant 160 : i32
    %dma_start3A_188 = arith.constant 0 : i32
    %dma_start3A_189 = tpu.memref_slice %arg9[%dma_start3A_187, %dma_start3A_188] : memref<256x128xf32, #tpu.memory_space<vmem>> -> memref<32x128xf32, #tpu.memory_space<vmem>>
    %dma_start3A_190 = arith.constant 0 : i32
    %dma_start3A_191 = tpu.memref_slice %arg4[%dma_start3A_190, %multiple_of3A_181] : memref<32x1000000xf32, #tpu.memory_space<hbm>> -> memref<32x128xf32, #tpu.memory_space<hbm>>
    %dma_start3A_192 = arith.constant 160 : i32
    %dma_start3A_193 = arith.constant 0 : i32
    %dma_start3A_194 = tpu.memref_slice %arg9[%dma_start3A_192, %dma_start3A_193] : memref<256x128xf32, #tpu.memory_space<vmem>> -> memref<32x128xf32, #tpu.memory_space<vmem>>
    %dma_start3A_195 = arith.constant 0 : i32
    %dma_start3A_196 = tpu.memref_slice %arg4[%dma_start3A_195, %multiple_of3A_181] : memref<32x1000000xf32, #tpu.memory_space<hbm>> -> memref<32x128xf32, #tpu.memory_space<hbm>>
    tpu.enqueue_dma source(%dma_start3A_196 : memref<32x128xf32, #tpu.memory_space<hbm>>) target(%dma_start3A_194 : memref<32x128xf32, #tpu.memory_space<vmem>>) target_semaphore(%arg14 : memref<!tpu.dma_semaphore, #tpu.memory_space<semaphore_mem>>)
    %dma_start3A_197 = arith.constant 160 : i32
    %dma_start3A_198 = arith.constant 0 : i32
    %dma_start3A_199 = tpu.memref_slice %arg10[%dma_start3A_197, %dma_start3A_198] : memref<256x128xf32, #tpu.memory_space<vmem>> -> memref<32x128xf32, #tpu.memory_space<vmem>>
    %dma_start3A_200 = arith.constant 0 : i32
    %dma_start3A_201 = tpu.memref_slice %arg5[%dma_start3A_200, %multiple_of3A_186] : memref<32x1000000xf32, #tpu.memory_space<hbm>> -> memref<32x128xf32, #tpu.memory_space<hbm>>
    %dma_start3A_202 = arith.constant 160 : i32
    %dma_start3A_203 = arith.constant 0 : i32
    %dma_start3A_204 = tpu.memref_slice %arg10[%dma_start3A_202, %dma_start3A_203] : memref<256x128xf32, #tpu.memory_space<vmem>> -> memref<32x128xf32, #tpu.memory_space<vmem>>
    %dma_start3A_205 = arith.constant 0 : i32
    %dma_start3A_206 = tpu.memref_slice %arg5[%dma_start3A_205, %multiple_of3A_186] : memref<32x1000000xf32, #tpu.memory_space<hbm>> -> memref<32x128xf32, #tpu.memory_space<hbm>>
    tpu.enqueue_dma source(%dma_start3A_206 : memref<32x128xf32, #tpu.memory_space<hbm>>) target(%dma_start3A_204 : memref<32x128xf32, #tpu.memory_space<vmem>>) target_semaphore(%arg16 : memref<!tpu.dma_semaphore, #tpu.memory_space<semaphore_mem>>)
    %slice3A_207 = vector.extract_strided_slice %get3A_4 {offsets = [6], sizes = [1], strides = [1]} : vector<16xi32> to vector<1xi32>
    %squeeze3A_208 = vector.extract %slice3A_207[0] : i32 from vector<1xi32>
    %slice3A_209 = vector.extract_strided_slice %get3A_6 {offsets = [6], sizes = [1], strides = [1]} : vector<16xi32> to vector<1xi32>
    %squeeze3A_210 = vector.extract %slice3A_209[0] : i32 from vector<1xi32>
    %shift_right_arithmetic3A_211 = arith.constant 7 : i32
    %shift_right_arithmetic3A_212 = arith.shrsi %squeeze3A_208, %shift_right_arithmetic3A_211 : i32
    %mul3A_213 = arith.constant 128 : i32
    %mul3A_214 = arith.muli %shift_right_arithmetic3A_212, %mul3A_213 : i32
    %multiple_of3A_215 = tpu.assume_multiple %mul3A_214, 128 : i32
    %shift_right_arithmetic3A_216 = arith.constant 7 : i32
    %shift_right_arithmetic3A_217 = arith.shrsi %squeeze3A_210, %shift_right_arithmetic3A_216 : i32
    %mul3A_218 = arith.constant 128 : i32
    %mul3A_219 = arith.muli %shift_right_arithmetic3A_217, %mul3A_218 : i32
    %multiple_of3A_220 = tpu.assume_multiple %mul3A_219, 128 : i32
    %dma_start3A_221 = arith.constant 192 : i32
    %dma_start3A_222 = arith.constant 0 : i32
    %dma_start3A_223 = tpu.memref_slice %arg9[%dma_start3A_221, %dma_start3A_222] : memref<256x128xf32, #tpu.memory_space<vmem>> -> memref<32x128xf32, #tpu.memory_space<vmem>>
    %dma_start3A_224 = arith.constant 0 : i32
    %dma_start3A_225 = tpu.memref_slice %arg4[%dma_start3A_224, %multiple_of3A_215] : memref<32x1000000xf32, #tpu.memory_space<hbm>> -> memref<32x128xf32, #tpu.memory_space<hbm>>
    %dma_start3A_226 = arith.constant 192 : i32
    %dma_start3A_227 = arith.constant 0 : i32
    %dma_start3A_228 = tpu.memref_slice %arg9[%dma_start3A_226, %dma_start3A_227] : memref<256x128xf32, #tpu.memory_space<vmem>> -> memref<32x128xf32, #tpu.memory_space<vmem>>
    %dma_start3A_229 = arith.constant 0 : i32
    %dma_start3A_230 = tpu.memref_slice %arg4[%dma_start3A_229, %multiple_of3A_215] : memref<32x1000000xf32, #tpu.memory_space<hbm>> -> memref<32x128xf32, #tpu.memory_space<hbm>>
    tpu.enqueue_dma source(%dma_start3A_230 : memref<32x128xf32, #tpu.memory_space<hbm>>) target(%dma_start3A_228 : memref<32x128xf32, #tpu.memory_space<vmem>>) target_semaphore(%arg14 : memref<!tpu.dma_semaphore, #tpu.memory_space<semaphore_mem>>)
    %dma_start3A_231 = arith.constant 192 : i32
    %dma_start3A_232 = arith.constant 0 : i32
    %dma_start3A_233 = tpu.memref_slice %arg10[%dma_start3A_231, %dma_start3A_232] : memref<256x128xf32, #tpu.memory_space<vmem>> -> memref<32x128xf32, #tpu.memory_space<vmem>>
    %dma_start3A_234 = arith.constant 0 : i32
    %dma_start3A_235 = tpu.memref_slice %arg5[%dma_start3A_234, %multiple_of3A_220] : memref<32x1000000xf32, #tpu.memory_space<hbm>> -> memref<32x128xf32, #tpu.memory_space<hbm>>
    %dma_start3A_236 = arith.constant 192 : i32
    %dma_start3A_237 = arith.constant 0 : i32
    %dma_start3A_238 = tpu.memref_slice %arg10[%dma_start3A_236, %dma_start3A_237] : memref<256x128xf32, #tpu.memory_space<vmem>> -> memref<32x128xf32, #tpu.memory_space<vmem>>
    %dma_start3A_239 = arith.constant 0 : i32
    %dma_start3A_240 = tpu.memref_slice %arg5[%dma_start3A_239, %multiple_of3A_220] : memref<32x1000000xf32, #tpu.memory_space<hbm>> -> memref<32x128xf32, #tpu.memory_space<hbm>>
    tpu.enqueue_dma source(%dma_start3A_240 : memref<32x128xf32, #tpu.memory_space<hbm>>) target(%dma_start3A_238 : memref<32x128xf32, #tpu.memory_space<vmem>>) target_semaphore(%arg16 : memref<!tpu.dma_semaphore, #tpu.memory_space<semaphore_mem>>)
    %slice3A_241 = vector.extract_strided_slice %get3A_4 {offsets = [7], sizes = [1], strides = [1]} : vector<16xi32> to vector<1xi32>
    %squeeze3A_242 = vector.extract %slice3A_241[0] : i32 from vector<1xi32>
    %slice3A_243 = vector.extract_strided_slice %get3A_6 {offsets = [7], sizes = [1], strides = [1]} : vector<16xi32> to vector<1xi32>
    %squeeze3A_244 = vector.extract %slice3A_243[0] : i32 from vector<1xi32>
    %shift_right_arithmetic3A_245 = arith.constant 7 : i32
    %shift_right_arithmetic3A_246 = arith.shrsi %squeeze3A_242, %shift_right_arithmetic3A_245 : i32
    %mul3A_247 = arith.constant 128 : i32
    %mul3A_248 = arith.muli %shift_right_arithmetic3A_246, %mul3A_247 : i32
    %multiple_of3A_249 = tpu.assume_multiple %mul3A_248, 128 : i32
    %shift_right_arithmetic3A_250 = arith.constant 7 : i32
    %shift_right_arithmetic3A_251 = arith.shrsi %squeeze3A_244, %shift_right_arithmetic3A_250 : i32
    %mul3A_252 = arith.constant 128 : i32
    %mul3A_253 = arith.muli %shift_right_arithmetic3A_251, %mul3A_252 : i32
    %multiple_of3A_254 = tpu.assume_multiple %mul3A_253, 128 : i32
    %dma_start3A_255 = arith.constant 224 : i32
    %dma_start3A_256 = arith.constant 0 : i32
    %dma_start3A_257 = tpu.memref_slice %arg9[%dma_start3A_255, %dma_start3A_256] : memref<256x128xf32, #tpu.memory_space<vmem>> -> memref<32x128xf32, #tpu.memory_space<vmem>>
    %dma_start3A_258 = arith.constant 0 : i32
    %dma_start3A_259 = tpu.memref_slice %arg4[%dma_start3A_258, %multiple_of3A_249] : memref<32x1000000xf32, #tpu.memory_space<hbm>> -> memref<32x128xf32, #tpu.memory_space<hbm>>
    %dma_start3A_260 = arith.constant 224 : i32
    %dma_start3A_261 = arith.constant 0 : i32
    %dma_start3A_262 = tpu.memref_slice %arg9[%dma_start3A_260, %dma_start3A_261] : memref<256x128xf32, #tpu.memory_space<vmem>> -> memref<32x128xf32, #tpu.memory_space<vmem>>
    %dma_start3A_263 = arith.constant 0 : i32
    %dma_start3A_264 = tpu.memref_slice %arg4[%dma_start3A_263, %multiple_of3A_249] : memref<32x1000000xf32, #tpu.memory_space<hbm>> -> memref<32x128xf32, #tpu.memory_space<hbm>>
    tpu.enqueue_dma source(%dma_start3A_264 : memref<32x128xf32, #tpu.memory_space<hbm>>) target(%dma_start3A_262 : memref<32x128xf32, #tpu.memory_space<vmem>>) target_semaphore(%arg14 : memref<!tpu.dma_semaphore, #tpu.memory_space<semaphore_mem>>)
    %dma_start3A_265 = arith.constant 224 : i32
    %dma_start3A_266 = arith.constant 0 : i32
    %dma_start3A_267 = tpu.memref_slice %arg10[%dma_start3A_265, %dma_start3A_266] : memref<256x128xf32, #tpu.memory_space<vmem>> -> memref<32x128xf32, #tpu.memory_space<vmem>>
    %dma_start3A_268 = arith.constant 0 : i32
    %dma_start3A_269 = tpu.memref_slice %arg5[%dma_start3A_268, %multiple_of3A_254] : memref<32x1000000xf32, #tpu.memory_space<hbm>> -> memref<32x128xf32, #tpu.memory_space<hbm>>
    %dma_start3A_270 = arith.constant 224 : i32
    %dma_start3A_271 = arith.constant 0 : i32
    %dma_start3A_272 = tpu.memref_slice %arg10[%dma_start3A_270, %dma_start3A_271] : memref<256x128xf32, #tpu.memory_space<vmem>> -> memref<32x128xf32, #tpu.memory_space<vmem>>
    %dma_start3A_273 = arith.constant 0 : i32
    %dma_start3A_274 = tpu.memref_slice %arg5[%dma_start3A_273, %multiple_of3A_254] : memref<32x1000000xf32, #tpu.memory_space<hbm>> -> memref<32x128xf32, #tpu.memory_space<hbm>>
    tpu.enqueue_dma source(%dma_start3A_274 : memref<32x128xf32, #tpu.memory_space<hbm>>) target(%dma_start3A_272 : memref<32x128xf32, #tpu.memory_space<vmem>>) target_semaphore(%arg16 : memref<!tpu.dma_semaphore, #tpu.memory_space<semaphore_mem>>)
    %scan3A = arith.constant 0 : i32
    %scan3A_275 = arith.constant 63 : i32
    %scan3A_276 = arith.addi %scan3A, %scan3A_275 : i32
    %scan3A_277 = arith.constant 1 : i32
    scf.for %scan3A_693 = %scan3A to %scan3A_276 step %scan3A_277  : i32 {
      %mul3A_694 = arith.constant 8 : i32
      %mul3A_695 = arith.muli %scan3A_693, %mul3A_694 : i32
      %add3A_696 = arith.constant 0 : i32
      %add3A_697 = arith.addi %add3A_696, %mul3A_695 : i32
      %multiple_of3A_698 = tpu.assume_multiple %add3A_697, 8 : i32
      %get3A_699 = arith.index_cast %multiple_of3A_698 : i32 to index
      %get3A_700 = tpu.vector_load %arg7[%get3A_699] {strides = array<i32>} : memref<528xi32, #tpu.memory_space<vmem>>, vector<16xi32>,
      %get3A_701 = arith.index_cast %multiple_of3A_698 : i32 to index
      %get3A_702 = tpu.vector_load %arg8[%get3A_701] {strides = array<i32>} : memref<528xi32, #tpu.memory_space<vmem>>, vector<16xi32>,
      %add3A_703 = arith.constant 8 : i32
      %add3A_704 = arith.addi %add3A_697, %add3A_703 : i32
      %multiple_of3A_705 = tpu.assume_multiple %add3A_704, 8 : i32
      %get3A_706 = arith.index_cast %multiple_of3A_705 : i32 to index
      %get3A_707 = tpu.vector_load %arg7[%get3A_706] {strides = array<i32>} : memref<528xi32, #tpu.memory_space<vmem>>, vector<16xi32>,
      %get3A_708 = arith.index_cast %multiple_of3A_705 : i32 to index
      %get3A_709 = tpu.vector_load %arg8[%get3A_708] {strides = array<i32>} : memref<528xi32, #tpu.memory_space<vmem>>, vector<16xi32>,
      %dma_wait3A_710 = arith.constant 0 : i32
      %dma_wait3A_711 = arith.constant 0 : i32
      %dma_wait3A_712 = tpu.memref_slice %arg9[%dma_wait3A_710, %dma_wait3A_711] : memref<256x128xf32, #tpu.memory_space<vmem>> -> memref<32x128xf32, #tpu.memory_space<vmem>>
      %dma_wait3A_713 = arith.constant 0 : i32
      %dma_wait3A_714 = arith.constant 0 : i32
      %dma_wait3A_715 = tpu.memref_slice %arg4[%dma_wait3A_713, %dma_wait3A_714] : memref<32x1000000xf32, #tpu.memory_space<hbm>> -> memref<32x128xf32, #tpu.memory_space<hbm>>
      %dma_wait3A_716 = arith.constant 0 : i32
      %dma_wait3A_717 = arith.constant 0 : i32
      %dma_wait3A_718 = tpu.memref_slice %arg9[%dma_wait3A_716, %dma_wait3A_717] : memref<256x128xf32, #tpu.memory_space<vmem>> -> memref<32x128xf32, #tpu.memory_space<vmem>>
      %dma_wait3A_719 = arith.constant 0 : i32
      %dma_wait3A_720 = arith.constant 0 : i32
      %dma_wait3A_721 = tpu.memref_slice %arg4[%dma_wait3A_719, %dma_wait3A_720] : memref<32x1000000xf32, #tpu.memory_space<hbm>> -> memref<32x128xf32, #tpu.memory_space<hbm>>
      tpu.wait_dma2 semaphore(%arg13 : memref<!tpu.dma_semaphore, #tpu.memory_space<semaphore_mem>>) src(%dma_wait3A_721 : memref<32x128xf32, #tpu.memory_space<hbm>>) dst(%dma_wait3A_718 : memref<32x128xf32, #tpu.memory_space<vmem>>)
      %dma_wait3A_722 = arith.constant 0 : i32
      %dma_wait3A_723 = arith.constant 0 : i32
      %dma_wait3A_724 = tpu.memref_slice %arg10[%dma_wait3A_722, %dma_wait3A_723] : memref<256x128xf32, #tpu.memory_space<vmem>> -> memref<32x128xf32, #tpu.memory_space<vmem>>
      %dma_wait3A_725 = arith.constant 0 : i32
      %dma_wait3A_726 = arith.constant 0 : i32
      %dma_wait3A_727 = tpu.memref_slice %arg5[%dma_wait3A_725, %dma_wait3A_726] : memref<32x1000000xf32, #tpu.memory_space<hbm>> -> memref<32x128xf32, #tpu.memory_space<hbm>>
      %dma_wait3A_728 = arith.constant 0 : i32
      %dma_wait3A_729 = arith.constant 0 : i32
      %dma_wait3A_730 = tpu.memref_slice %arg10[%dma_wait3A_728, %dma_wait3A_729] : memref<256x128xf32, #tpu.memory_space<vmem>> -> memref<32x128xf32, #tpu.memory_space<vmem>>
      %dma_wait3A_731 = arith.constant 0 : i32
      %dma_wait3A_732 = arith.constant 0 : i32
      %dma_wait3A_733 = tpu.memref_slice %arg5[%dma_wait3A_731, %dma_wait3A_732] : memref<32x1000000xf32, #tpu.memory_space<hbm>> -> memref<32x128xf32, #tpu.memory_space<hbm>>
      tpu.wait_dma2 semaphore(%arg15 : memref<!tpu.dma_semaphore, #tpu.memory_space<semaphore_mem>>) src(%dma_wait3A_733 : memref<32x128xf32, #tpu.memory_space<hbm>>) dst(%dma_wait3A_730 : memref<32x128xf32, #tpu.memory_space<vmem>>)
      %dma_wait3A_734 = arith.constant 32 : i32
      %dma_wait3A_735 = arith.constant 0 : i32
      %dma_wait3A_736 = tpu.memref_slice %arg9[%dma_wait3A_734, %dma_wait3A_735] : memref<256x128xf32, #tpu.memory_space<vmem>> -> memref<32x128xf32, #tpu.memory_space<vmem>>
      %dma_wait3A_737 = arith.constant 0 : i32
      %dma_wait3A_738 = arith.constant 0 : i32
      %dma_wait3A_739 = tpu.memref_slice %arg4[%dma_wait3A_737, %dma_wait3A_738] : memref<32x1000000xf32, #tpu.memory_space<hbm>> -> memref<32x128xf32, #tpu.memory_space<hbm>>
      %dma_wait3A_740 = arith.constant 32 : i32
      %dma_wait3A_741 = arith.constant 0 : i32
      %dma_wait3A_742 = tpu.memref_slice %arg9[%dma_wait3A_740, %dma_wait3A_741] : memref<256x128xf32, #tpu.memory_space<vmem>> -> memref<32x128xf32, #tpu.memory_space<vmem>>
      %dma_wait3A_743 = arith.constant 0 : i32
      %dma_wait3A_744 = arith.constant 0 : i32
      %dma_wait3A_745 = tpu.memref_slice %arg4[%dma_wait3A_743, %dma_wait3A_744] : memref<32x1000000xf32, #tpu.memory_space<hbm>> -> memref<32x128xf32, #tpu.memory_space<hbm>>
      tpu.wait_dma2 semaphore(%arg13 : memref<!tpu.dma_semaphore, #tpu.memory_space<semaphore_mem>>) src(%dma_wait3A_745 : memref<32x128xf32, #tpu.memory_space<hbm>>) dst(%dma_wait3A_742 : memref<32x128xf32, #tpu.memory_space<vmem>>)
      %dma_wait3A_746 = arith.constant 32 : i32
      %dma_wait3A_747 = arith.constant 0 : i32
      %dma_wait3A_748 = tpu.memref_slice %arg10[%dma_wait3A_746, %dma_wait3A_747] : memref<256x128xf32, #tpu.memory_space<vmem>> -> memref<32x128xf32, #tpu.memory_space<vmem>>
      %dma_wait3A_749 = arith.constant 0 : i32
      %dma_wait3A_750 = arith.constant 0 : i32
      %dma_wait3A_751 = tpu.memref_slice %arg5[%dma_wait3A_749, %dma_wait3A_750] : memref<32x1000000xf32, #tpu.memory_space<hbm>> -> memref<32x128xf32, #tpu.memory_space<hbm>>
      %dma_wait3A_752 = arith.constant 32 : i32
      %dma_wait3A_753 = arith.constant 0 : i32
      %dma_wait3A_754 = tpu.memref_slice %arg10[%dma_wait3A_752, %dma_wait3A_753] : memref<256x128xf32, #tpu.memory_space<vmem>> -> memref<32x128xf32, #tpu.memory_space<vmem>>
      %dma_wait3A_755 = arith.constant 0 : i32
      %dma_wait3A_756 = arith.constant 0 : i32
      %dma_wait3A_757 = tpu.memref_slice %arg5[%dma_wait3A_755, %dma_wait3A_756] : memref<32x1000000xf32, #tpu.memory_space<hbm>> -> memref<32x128xf32, #tpu.memory_space<hbm>>
      tpu.wait_dma2 semaphore(%arg15 : memref<!tpu.dma_semaphore, #tpu.memory_space<semaphore_mem>>) src(%dma_wait3A_757 : memref<32x128xf32, #tpu.memory_space<hbm>>) dst(%dma_wait3A_754 : memref<32x128xf32, #tpu.memory_space<vmem>>)
      %dma_wait3A_758 = arith.constant 64 : i32
      %dma_wait3A_759 = arith.constant 0 : i32
      %dma_wait3A_760 = tpu.memref_slice %arg9[%dma_wait3A_758, %dma_wait3A_759] : memref<256x128xf32, #tpu.memory_space<vmem>> -> memref<32x128xf32, #tpu.memory_space<vmem>>
      %dma_wait3A_761 = arith.constant 0 : i32
      %dma_wait3A_762 = arith.constant 0 : i32
      %dma_wait3A_763 = tpu.memref_slice %arg4[%dma_wait3A_761, %dma_wait3A_762] : memref<32x1000000xf32, #tpu.memory_space<hbm>> -> memref<32x128xf32, #tpu.memory_space<hbm>>
      %dma_wait3A_764 = arith.constant 64 : i32
      %dma_wait3A_765 = arith.constant 0 : i32
      %dma_wait3A_766 = tpu.memref_slice %arg9[%dma_wait3A_764, %dma_wait3A_765] : memref<256x128xf32, #tpu.memory_space<vmem>> -> memref<32x128xf32, #tpu.memory_space<vmem>>
      %dma_wait3A_767 = arith.constant 0 : i32
      %dma_wait3A_768 = arith.constant 0 : i32
      %dma_wait3A_769 = tpu.memref_slice %arg4[%dma_wait3A_767, %dma_wait3A_768] : memref<32x1000000xf32, #tpu.memory_space<hbm>> -> memref<32x128xf32, #tpu.memory_space<hbm>>
      tpu.wait_dma2 semaphore(%arg13 : memref<!tpu.dma_semaphore, #tpu.memory_space<semaphore_mem>>) src(%dma_wait3A_769 : memref<32x128xf32, #tpu.memory_space<hbm>>) dst(%dma_wait3A_766 : memref<32x128xf32, #tpu.memory_space<vmem>>)
      %dma_wait3A_770 = arith.constant 64 : i32
      %dma_wait3A_771 = arith.constant 0 : i32
      %dma_wait3A_772 = tpu.memref_slice %arg10[%dma_wait3A_770, %dma_wait3A_771] : memref<256x128xf32, #tpu.memory_space<vmem>> -> memref<32x128xf32, #tpu.memory_space<vmem>>
      %dma_wait3A_773 = arith.constant 0 : i32
      %dma_wait3A_774 = arith.constant 0 : i32
      %dma_wait3A_775 = tpu.memref_slice %arg5[%dma_wait3A_773, %dma_wait3A_774] : memref<32x1000000xf32, #tpu.memory_space<hbm>> -> memref<32x128xf32, #tpu.memory_space<hbm>>
      %dma_wait3A_776 = arith.constant 64 : i32
      %dma_wait3A_777 = arith.constant 0 : i32
      %dma_wait3A_778 = tpu.memref_slice %arg10[%dma_wait3A_776, %dma_wait3A_777] : memref<256x128xf32, #tpu.memory_space<vmem>> -> memref<32x128xf32, #tpu.memory_space<vmem>>
      %dma_wait3A_779 = arith.constant 0 : i32
      %dma_wait3A_780 = arith.constant 0 : i32
      %dma_wait3A_781 = tpu.memref_slice %arg5[%dma_wait3A_779, %dma_wait3A_780] : memref<32x1000000xf32, #tpu.memory_space<hbm>> -> memref<32x128xf32, #tpu.memory_space<hbm>>
      tpu.wait_dma2 semaphore(%arg15 : memref<!tpu.dma_semaphore, #tpu.memory_space<semaphore_mem>>) src(%dma_wait3A_781 : memref<32x128xf32, #tpu.memory_space<hbm>>) dst(%dma_wait3A_778 : memref<32x128xf32, #tpu.memory_space<vmem>>)
      %dma_wait3A_782 = arith.constant 96 : i32
      %dma_wait3A_783 = arith.constant 0 : i32
      %dma_wait3A_784 = tpu.memref_slice %arg9[%dma_wait3A_782, %dma_wait3A_783] : memref<256x128xf32, #tpu.memory_space<vmem>> -> memref<32x128xf32, #tpu.memory_space<vmem>>
      %dma_wait3A_785 = arith.constant 0 : i32
      %dma_wait3A_786 = arith.constant 0 : i32
      %dma_wait3A_787 = tpu.memref_slice %arg4[%dma_wait3A_785, %dma_wait3A_786] : memref<32x1000000xf32, #tpu.memory_space<hbm>> -> memref<32x128xf32, #tpu.memory_space<hbm>>
      %dma_wait3A_788 = arith.constant 96 : i32
      %dma_wait3A_789 = arith.constant 0 : i32
      %dma_wait3A_790 = tpu.memref_slice %arg9[%dma_wait3A_788, %dma_wait3A_789] : memref<256x128xf32, #tpu.memory_space<vmem>> -> memref<32x128xf32, #tpu.memory_space<vmem>>
      %dma_wait3A_791 = arith.constant 0 : i32
      %dma_wait3A_792 = arith.constant 0 : i32
      %dma_wait3A_793 = tpu.memref_slice %arg4[%dma_wait3A_791, %dma_wait3A_792] : memref<32x1000000xf32, #tpu.memory_space<hbm>> -> memref<32x128xf32, #tpu.memory_space<hbm>>
      tpu.wait_dma2 semaphore(%arg13 : memref<!tpu.dma_semaphore, #tpu.memory_space<semaphore_mem>>) src(%dma_wait3A_793 : memref<32x128xf32, #tpu.memory_space<hbm>>) dst(%dma_wait3A_790 : memref<32x128xf32, #tpu.memory_space<vmem>>)
      %dma_wait3A_794 = arith.constant 96 : i32
      %dma_wait3A_795 = arith.constant 0 : i32
      %dma_wait3A_796 = tpu.memref_slice %arg10[%dma_wait3A_794, %dma_wait3A_795] : memref<256x128xf32, #tpu.memory_space<vmem>> -> memref<32x128xf32, #tpu.memory_space<vmem>>
      %dma_wait3A_797 = arith.constant 0 : i32
      %dma_wait3A_798 = arith.constant 0 : i32
      %dma_wait3A_799 = tpu.memref_slice %arg5[%dma_wait3A_797, %dma_wait3A_798] : memref<32x1000000xf32, #tpu.memory_space<hbm>> -> memref<32x128xf32, #tpu.memory_space<hbm>>
      %dma_wait3A_800 = arith.constant 96 : i32
      %dma_wait3A_801 = arith.constant 0 : i32
      %dma_wait3A_802 = tpu.memref_slice %arg10[%dma_wait3A_800, %dma_wait3A_801] : memref<256x128xf32, #tpu.memory_space<vmem>> -> memref<32x128xf32, #tpu.memory_space<vmem>>
      %dma_wait3A_803 = arith.constant 0 : i32
      %dma_wait3A_804 = arith.constant 0 : i32
      %dma_wait3A_805 = tpu.memref_slice %arg5[%dma_wait3A_803, %dma_wait3A_804] : memref<32x1000000xf32, #tpu.memory_space<hbm>> -> memref<32x128xf32, #tpu.memory_space<hbm>>
      tpu.wait_dma2 semaphore(%arg15 : memref<!tpu.dma_semaphore, #tpu.memory_space<semaphore_mem>>) src(%dma_wait3A_805 : memref<32x128xf32, #tpu.memory_space<hbm>>) dst(%dma_wait3A_802 : memref<32x128xf32, #tpu.memory_space<vmem>>)
      %add3A_806 = arith.constant 0 : i32
      %add3A_807 = arith.addi %add3A_697, %add3A_806 : i32
      %slice3A_808 = vector.extract_strided_slice %get3A_700 {offsets = [0], sizes = [1], strides = [1]} : vector<16xi32> to vector<1xi32>
      %squeeze3A_809 = vector.extract %slice3A_808[0] : i32 from vector<1xi32>
      %and3A_810 = arith.constant 127 : i32
      %and3A_811 = arith.andi %squeeze3A_809, %and3A_810 : i32
      %broadcast_in_dim3A_812 = vector.broadcast %and3A_811 : i32 to vector<16xi32>
      %slice3A_813 = vector.extract_strided_slice %get3A_702 {offsets = [0], sizes = [1], strides = [1]} : vector<16xi32> to vector<1xi32>
      %squeeze3A_814 = vector.extract %slice3A_813[0] : i32 from vector<1xi32>
      %and3A_815 = arith.constant 127 : i32
      %and3A_816 = arith.andi %squeeze3A_814, %and3A_815 : i32
      %broadcast_in_dim3A_817 = vector.broadcast %and3A_816 : i32 to vector<16xi32>
      %add3A_818 = arith.constant 0 : i32
      %add3A_819 = vector.broadcast %add3A_818 : i32 to vector<16xi32>
      %add3A_820 = arith.addi %iota3A, %add3A_819 : vector<16xi32>
      %add3A_821 = arith.constant 16 : i32
      %add3A_822 = vector.broadcast %add3A_821 : i32 to vector<16xi32>
      %add3A_823 = arith.addi %add3A_820, %add3A_822 : vector<16xi32>
      %gather3A_824 = tpu.vector_load_idx %arg9[%add3A_820, %broadcast_in_dim3A_812] : memref<256x128xf32, #tpu.memory_space<vmem>>[vector<16xi32>, vector<16xi32>], vector<16xf32>,
      %gather3A_825 = tpu.vector_load_idx %arg9[%add3A_823, %broadcast_in_dim3A_812] : memref<256x128xf32, #tpu.memory_space<vmem>>[vector<16xi32>, vector<16xi32>], vector<16xf32>,
      %gather3A_826 = tpu.vector_load_idx %arg10[%add3A_820, %broadcast_in_dim3A_817] : memref<256x128xf32, #tpu.memory_space<vmem>>[vector<16xi32>, vector<16xi32>], vector<16xf32>,
      %gather3A_827 = tpu.vector_load_idx %arg10[%add3A_823, %broadcast_in_dim3A_817] : memref<256x128xf32, #tpu.memory_space<vmem>>[vector<16xi32>, vector<16xi32>], vector<16xf32>,
      %add3A_828 = arith.constant 0 : i32
      %add3A_829 = arith.addi %add3A_807, %add3A_828 : i32
      %mul3A_830 = arith.constant 16 : i32
      %mul3A_831 = arith.muli %add3A_829, %mul3A_830 : i32
      %multiple_of3A_832 = tpu.assume_multiple %mul3A_831, 8 : i32
      %mul3A_833 = arith.mulf %gather3A_824, %gather3A_826 : vector<16xf32>
      %mul3A_834 = arith.mulf %gather3A_825, %gather3A_827 : vector<16xf32>
      %add3A_835 = arith.addf %mul3A_833, %mul3A_834 : vector<16xf32>
      %swap3A_836 = arith.index_cast %multiple_of3A_832 : i32 to index
      %swap3A_837 = tpu.vector_load %arg11[%swap3A_836] {strides = array<i32>} : memref<8192xf32, #tpu.memory_space<vmem>>, vector<16xf32>,
      tpu.vector_store %arg11[%swap3A_836], %add3A_835 {strides = array<i32>} : memref<8192xf32, #tpu.memory_space<vmem>>, vector<16xf32>,
      %slice3A_838 = vector.extract_strided_slice %get3A_700 {offsets = [1], sizes = [1], strides = [1]} : vector<16xi32> to vector<1xi32>
      %squeeze3A_839 = vector.extract %slice3A_838[0] : i32 from vector<1xi32>
      %and3A_840 = arith.constant 127 : i32
      %and3A_841 = arith.andi %squeeze3A_839, %and3A_840 : i32
      %broadcast_in_dim3A_842 = vector.broadcast %and3A_841 : i32 to vector<16xi32>
      %slice3A_843 = vector.extract_strided_slice %get3A_702 {offsets = [1], sizes = [1], strides = [1]} : vector<16xi32> to vector<1xi32>
      %squeeze3A_844 = vector.extract %slice3A_843[0] : i32 from vector<1xi32>
      %and3A_845 = arith.constant 127 : i32
      %and3A_846 = arith.andi %squeeze3A_844, %and3A_845 : i32
      %broadcast_in_dim3A_847 = vector.broadcast %and3A_846 : i32 to vector<16xi32>
      %add3A_848 = arith.constant 32 : i32
      %add3A_849 = vector.broadcast %add3A_848 : i32 to vector<16xi32>
      %add3A_850 = arith.addi %iota3A, %add3A_849 : vector<16xi32>
      %add3A_851 = arith.constant 16 : i32
      %add3A_852 = vector.broadcast %add3A_851 : i32 to vector<16xi32>
      %add3A_853 = arith.addi %add3A_850, %add3A_852 : vector<16xi32>
      %gather3A_854 = tpu.vector_load_idx %arg9[%add3A_850, %broadcast_in_dim3A_842] : memref<256x128xf32, #tpu.memory_space<vmem>>[vector<16xi32>, vector<16xi32>], vector<16xf32>,
      %gather3A_855 = tpu.vector_load_idx %arg9[%add3A_853, %broadcast_in_dim3A_842] : memref<256x128xf32, #tpu.memory_space<vmem>>[vector<16xi32>, vector<16xi32>], vector<16xf32>,
      %gather3A_856 = tpu.vector_load_idx %arg10[%add3A_850, %broadcast_in_dim3A_847] : memref<256x128xf32, #tpu.memory_space<vmem>>[vector<16xi32>, vector<16xi32>], vector<16xf32>,
      %gather3A_857 = tpu.vector_load_idx %arg10[%add3A_853, %broadcast_in_dim3A_847] : memref<256x128xf32, #tpu.memory_space<vmem>>[vector<16xi32>, vector<16xi32>], vector<16xf32>,
      %add3A_858 = arith.constant 1 : i32
      %add3A_859 = arith.addi %add3A_807, %add3A_858 : i32
      %mul3A_860 = arith.constant 16 : i32
      %mul3A_861 = arith.muli %add3A_859, %mul3A_860 : i32
      %multiple_of3A_862 = tpu.assume_multiple %mul3A_861, 8 : i32
      %mul3A_863 = arith.mulf %gather3A_854, %gather3A_856 : vector<16xf32>
      %mul3A_864 = arith.mulf %gather3A_855, %gather3A_857 : vector<16xf32>
      %add3A_865 = arith.addf %mul3A_863, %mul3A_864 : vector<16xf32>
      %swap3A_866 = arith.index_cast %multiple_of3A_862 : i32 to index
      %swap3A_867 = tpu.vector_load %arg11[%swap3A_866] {strides = array<i32>} : memref<8192xf32, #tpu.memory_space<vmem>>, vector<16xf32>,
      tpu.vector_store %arg11[%swap3A_866], %add3A_865 {strides = array<i32>} : memref<8192xf32, #tpu.memory_space<vmem>>, vector<16xf32>,
      %slice3A_868 = vector.extract_strided_slice %get3A_700 {offsets = [2], sizes = [1], strides = [1]} : vector<16xi32> to vector<1xi32>
      %squeeze3A_869 = vector.extract %slice3A_868[0] : i32 from vector<1xi32>
      %and3A_870 = arith.constant 127 : i32
      %and3A_871 = arith.andi %squeeze3A_869, %and3A_870 : i32
      %broadcast_in_dim3A_872 = vector.broadcast %and3A_871 : i32 to vector<16xi32>
      %slice3A_873 = vector.extract_strided_slice %get3A_702 {offsets = [2], sizes = [1], strides = [1]} : vector<16xi32> to vector<1xi32>
      %squeeze3A_874 = vector.extract %slice3A_873[0] : i32 from vector<1xi32>
      %and3A_875 = arith.constant 127 : i32
      %and3A_876 = arith.andi %squeeze3A_874, %and3A_875 : i32
      %broadcast_in_dim3A_877 = vector.broadcast %and3A_876 : i32 to vector<16xi32>
      %add3A_878 = arith.constant 64 : i32
      %add3A_879 = vector.broadcast %add3A_878 : i32 to vector<16xi32>
      %add3A_880 = arith.addi %iota3A, %add3A_879 : vector<16xi32>
      %add3A_881 = arith.constant 16 : i32
      %add3A_882 = vector.broadcast %add3A_881 : i32 to vector<16xi32>
      %add3A_883 = arith.addi %add3A_880, %add3A_882 : vector<16xi32>
      %gather3A_884 = tpu.vector_load_idx %arg9[%add3A_880, %broadcast_in_dim3A_872] : memref<256x128xf32, #tpu.memory_space<vmem>>[vector<16xi32>, vector<16xi32>], vector<16xf32>,
      %gather3A_885 = tpu.vector_load_idx %arg9[%add3A_883, %broadcast_in_dim3A_872] : memref<256x128xf32, #tpu.memory_space<vmem>>[vector<16xi32>, vector<16xi32>], vector<16xf32>,
      %gather3A_886 = tpu.vector_load_idx %arg10[%add3A_880, %broadcast_in_dim3A_877] : memref<256x128xf32, #tpu.memory_space<vmem>>[vector<16xi32>, vector<16xi32>], vector<16xf32>,
      %gather3A_887 = tpu.vector_load_idx %arg10[%add3A_883, %broadcast_in_dim3A_877] : memref<256x128xf32, #tpu.memory_space<vmem>>[vector<16xi32>, vector<16xi32>], vector<16xf32>,
      %add3A_888 = arith.constant 2 : i32
      %add3A_889 = arith.addi %add3A_807, %add3A_888 : i32
      %mul3A_890 = arith.constant 16 : i32
      %mul3A_891 = arith.muli %add3A_889, %mul3A_890 : i32
      %multiple_of3A_892 = tpu.assume_multiple %mul3A_891, 8 : i32
      %mul3A_893 = arith.mulf %gather3A_884, %gather3A_886 : vector<16xf32>
      %mul3A_894 = arith.mulf %gather3A_885, %gather3A_887 : vector<16xf32>
      %add3A_895 = arith.addf %mul3A_893, %mul3A_894 : vector<16xf32>
      %swap3A_896 = arith.index_cast %multiple_of3A_892 : i32 to index
      %swap3A_897 = tpu.vector_load %arg11[%swap3A_896] {strides = array<i32>} : memref<8192xf32, #tpu.memory_space<vmem>>, vector<16xf32>,
      tpu.vector_store %arg11[%swap3A_896], %add3A_895 {strides = array<i32>} : memref<8192xf32, #tpu.memory_space<vmem>>, vector<16xf32>,
      %slice3A_898 = vector.extract_strided_slice %get3A_700 {offsets = [3], sizes = [1], strides = [1]} : vector<16xi32> to vector<1xi32>
      %squeeze3A_899 = vector.extract %slice3A_898[0] : i32 from vector<1xi32>
      %and3A_900 = arith.constant 127 : i32
      %and3A_901 = arith.andi %squeeze3A_899, %and3A_900 : i32
      %broadcast_in_dim3A_902 = vector.broadcast %and3A_901 : i32 to vector<16xi32>
      %slice3A_903 = vector.extract_strided_slice %get3A_702 {offsets = [3], sizes = [1], strides = [1]} : vector<16xi32> to vector<1xi32>
      %squeeze3A_904 = vector.extract %slice3A_903[0] : i32 from vector<1xi32>
      %and3A_905 = arith.constant 127 : i32
      %and3A_906 = arith.andi %squeeze3A_904, %and3A_905 : i32
      %broadcast_in_dim3A_907 = vector.broadcast %and3A_906 : i32 to vector<16xi32>
      %add3A_908 = arith.constant 96 : i32
      %add3A_909 = vector.broadcast %add3A_908 : i32 to vector<16xi32>
      %add3A_910 = arith.addi %iota3A, %add3A_909 : vector<16xi32>
      %add3A_911 = arith.constant 16 : i32
      %add3A_912 = vector.broadcast %add3A_911 : i32 to vector<16xi32>
      %add3A_913 = arith.addi %add3A_910, %add3A_912 : vector<16xi32>
      %gather3A_914 = tpu.vector_load_idx %arg9[%add3A_910, %broadcast_in_dim3A_902] : memref<256x128xf32, #tpu.memory_space<vmem>>[vector<16xi32>, vector<16xi32>], vector<16xf32>,
      %gather3A_915 = tpu.vector_load_idx %arg9[%add3A_913, %broadcast_in_dim3A_902] : memref<256x128xf32, #tpu.memory_space<vmem>>[vector<16xi32>, vector<16xi32>], vector<16xf32>,
      %gather3A_916 = tpu.vector_load_idx %arg10[%add3A_910, %broadcast_in_dim3A_907] : memref<256x128xf32, #tpu.memory_space<vmem>>[vector<16xi32>, vector<16xi32>], vector<16xf32>,
      %gather3A_917 = tpu.vector_load_idx %arg10[%add3A_913, %broadcast_in_dim3A_907] : memref<256x128xf32, #tpu.memory_space<vmem>>[vector<16xi32>, vector<16xi32>], vector<16xf32>,
      %add3A_918 = arith.constant 3 : i32
      %add3A_919 = arith.addi %add3A_807, %add3A_918 : i32
      %mul3A_920 = arith.constant 16 : i32
      %mul3A_921 = arith.muli %add3A_919, %mul3A_920 : i32
      %multiple_of3A_922 = tpu.assume_multiple %mul3A_921, 8 : i32
      %mul3A_923 = arith.mulf %gather3A_914, %gather3A_916 : vector<16xf32>
      %mul3A_924 = arith.mulf %gather3A_915, %gather3A_917 : vector<16xf32>
      %add3A_925 = arith.addf %mul3A_923, %mul3A_924 : vector<16xf32>
      %swap3A_926 = arith.index_cast %multiple_of3A_922 : i32 to index
      %swap3A_927 = tpu.vector_load %arg11[%swap3A_926] {strides = array<i32>} : memref<8192xf32, #tpu.memory_space<vmem>>, vector<16xf32>,
      tpu.vector_store %arg11[%swap3A_926], %add3A_925 {strides = array<i32>} : memref<8192xf32, #tpu.memory_space<vmem>>, vector<16xf32>,
      %slice3A_928 = vector.extract_strided_slice %get3A_707 {offsets = [0], sizes = [1], strides = [1]} : vector<16xi32> to vector<1xi32>
      %squeeze3A_929 = vector.extract %slice3A_928[0] : i32 from vector<1xi32>
      %slice3A_930 = vector.extract_strided_slice %get3A_709 {offsets = [0], sizes = [1], strides = [1]} : vector<16xi32> to vector<1xi32>
      %squeeze3A_931 = vector.extract %slice3A_930[0] : i32 from vector<1xi32>
      %shift_right_arithmetic3A_932 = arith.constant 7 : i32
      %shift_right_arithmetic3A_933 = arith.shrsi %squeeze3A_929, %shift_right_arithmetic3A_932 : i32
      %mul3A_934 = arith.constant 128 : i32
      %mul3A_935 = arith.muli %shift_right_arithmetic3A_933, %mul3A_934 : i32
      %multiple_of3A_936 = tpu.assume_multiple %mul3A_935, 128 : i32
      %shift_right_arithmetic3A_937 = arith.constant 7 : i32
      %shift_right_arithmetic3A_938 = arith.shrsi %squeeze3A_931, %shift_right_arithmetic3A_937 : i32
      %mul3A_939 = arith.constant 128 : i32
      %mul3A_940 = arith.muli %shift_right_arithmetic3A_938, %mul3A_939 : i32
      %multiple_of3A_941 = tpu.assume_multiple %mul3A_940, 128 : i32
      %dma_start3A_942 = arith.constant 0 : i32
      %dma_start3A_943 = arith.constant 0 : i32
      %dma_start3A_944 = tpu.memref_slice %arg9[%dma_start3A_942, %dma_start3A_943] : memref<256x128xf32, #tpu.memory_space<vmem>> -> memref<32x128xf32, #tpu.memory_space<vmem>>
      %dma_start3A_945 = arith.constant 0 : i32
      %dma_start3A_946 = tpu.memref_slice %arg4[%dma_start3A_945, %multiple_of3A_936] : memref<32x1000000xf32, #tpu.memory_space<hbm>> -> memref<32x128xf32, #tpu.memory_space<hbm>>
      %dma_start3A_947 = arith.constant 0 : i32
      %dma_start3A_948 = arith.constant 0 : i32
      %dma_start3A_949 = tpu.memref_slice %arg9[%dma_start3A_947, %dma_start3A_948] : memref<256x128xf32, #tpu.memory_space<vmem>> -> memref<32x128xf32, #tpu.memory_space<vmem>>
      %dma_start3A_950 = arith.constant 0 : i32
      %dma_start3A_951 = tpu.memref_slice %arg4[%dma_start3A_950, %multiple_of3A_936] : memref<32x1000000xf32, #tpu.memory_space<hbm>> -> memref<32x128xf32, #tpu.memory_space<hbm>>
      tpu.enqueue_dma source(%dma_start3A_951 : memref<32x128xf32, #tpu.memory_space<hbm>>) target(%dma_start3A_949 : memref<32x128xf32, #tpu.memory_space<vmem>>) target_semaphore(%arg13 : memref<!tpu.dma_semaphore, #tpu.memory_space<semaphore_mem>>)
      %dma_start3A_952 = arith.constant 0 : i32
      %dma_start3A_953 = arith.constant 0 : i32
      %dma_start3A_954 = tpu.memref_slice %arg10[%dma_start3A_952, %dma_start3A_953] : memref<256x128xf32, #tpu.memory_space<vmem>> -> memref<32x128xf32, #tpu.memory_space<vmem>>
      %dma_start3A_955 = arith.constant 0 : i32
      %dma_start3A_956 = tpu.memref_slice %arg5[%dma_start3A_955, %multiple_of3A_941] : memref<32x1000000xf32, #tpu.memory_space<hbm>> -> memref<32x128xf32, #tpu.memory_space<hbm>>
      %dma_start3A_957 = arith.constant 0 : i32
      %dma_start3A_958 = arith.constant 0 : i32
      %dma_start3A_959 = tpu.memref_slice %arg10[%dma_start3A_957, %dma_start3A_958] : memref<256x128xf32, #tpu.memory_space<vmem>> -> memref<32x128xf32, #tpu.memory_space<vmem>>
      %dma_start3A_960 = arith.constant 0 : i32
      %dma_start3A_961 = tpu.memref_slice %arg5[%dma_start3A_960, %multiple_of3A_941] : memref<32x1000000xf32, #tpu.memory_space<hbm>> -> memref<32x128xf32, #tpu.memory_space<hbm>>
      tpu.enqueue_dma source(%dma_start3A_961 : memref<32x128xf32, #tpu.memory_space<hbm>>) target(%dma_start3A_959 : memref<32x128xf32, #tpu.memory_space<vmem>>) target_semaphore(%arg15 : memref<!tpu.dma_semaphore, #tpu.memory_space<semaphore_mem>>)
      %slice3A_962 = vector.extract_strided_slice %get3A_707 {offsets = [1], sizes = [1], strides = [1]} : vector<16xi32> to vector<1xi32>
      %squeeze3A_963 = vector.extract %slice3A_962[0] : i32 from vector<1xi32>
      %slice3A_964 = vector.extract_strided_slice %get3A_709 {offsets = [1], sizes = [1], strides = [1]} : vector<16xi32> to vector<1xi32>
      %squeeze3A_965 = vector.extract %slice3A_964[0] : i32 from vector<1xi32>
      %shift_right_arithmetic3A_966 = arith.constant 7 : i32
      %shift_right_arithmetic3A_967 = arith.shrsi %squeeze3A_963, %shift_right_arithmetic3A_966 : i32
      %mul3A_968 = arith.constant 128 : i32
      %mul3A_969 = arith.muli %shift_right_arithmetic3A_967, %mul3A_968 : i32
      %multiple_of3A_970 = tpu.assume_multiple %mul3A_969, 128 : i32
      %shift_right_arithmetic3A_971 = arith.constant 7 : i32
      %shift_right_arithmetic3A_972 = arith.shrsi %squeeze3A_965, %shift_right_arithmetic3A_971 : i32
      %mul3A_973 = arith.constant 128 : i32
      %mul3A_974 = arith.muli %shift_right_arithmetic3A_972, %mul3A_973 : i32
      %multiple_of3A_975 = tpu.assume_multiple %mul3A_974, 128 : i32
      %dma_start3A_976 = arith.constant 32 : i32
      %dma_start3A_977 = arith.constant 0 : i32
      %dma_start3A_978 = tpu.memref_slice %arg9[%dma_start3A_976, %dma_start3A_977] : memref<256x128xf32, #tpu.memory_space<vmem>> -> memref<32x128xf32, #tpu.memory_space<vmem>>
      %dma_start3A_979 = arith.constant 0 : i32
      %dma_start3A_980 = tpu.memref_slice %arg4[%dma_start3A_979, %multiple_of3A_970] : memref<32x1000000xf32, #tpu.memory_space<hbm>> -> memref<32x128xf32, #tpu.memory_space<hbm>>
      %dma_start3A_981 = arith.constant 32 : i32
      %dma_start3A_982 = arith.constant 0 : i32
      %dma_start3A_983 = tpu.memref_slice %arg9[%dma_start3A_981, %dma_start3A_982] : memref<256x128xf32, #tpu.memory_space<vmem>> -> memref<32x128xf32, #tpu.memory_space<vmem>>
      %dma_start3A_984 = arith.constant 0 : i32
      %dma_start3A_985 = tpu.memref_slice %arg4[%dma_start3A_984, %multiple_of3A_970] : memref<32x1000000xf32, #tpu.memory_space<hbm>> -> memref<32x128xf32, #tpu.memory_space<hbm>>
      tpu.enqueue_dma source(%dma_start3A_985 : memref<32x128xf32, #tpu.memory_space<hbm>>) target(%dma_start3A_983 : memref<32x128xf32, #tpu.memory_space<vmem>>) target_semaphore(%arg13 : memref<!tpu.dma_semaphore, #tpu.memory_space<semaphore_mem>>)
      %dma_start3A_986 = arith.constant 32 : i32
      %dma_start3A_987 = arith.constant 0 : i32
      %dma_start3A_988 = tpu.memref_slice %arg10[%dma_start3A_986, %dma_start3A_987] : memref<256x128xf32, #tpu.memory_space<vmem>> -> memref<32x128xf32, #tpu.memory_space<vmem>>
      %dma_start3A_989 = arith.constant 0 : i32
      %dma_start3A_990 = tpu.memref_slice %arg5[%dma_start3A_989, %multiple_of3A_975] : memref<32x1000000xf32, #tpu.memory_space<hbm>> -> memref<32x128xf32, #tpu.memory_space<hbm>>
      %dma_start3A_991 = arith.constant 32 : i32
      %dma_start3A_992 = arith.constant 0 : i32
      %dma_start3A_993 = tpu.memref_slice %arg10[%dma_start3A_991, %dma_start3A_992] : memref<256x128xf32, #tpu.memory_space<vmem>> -> memref<32x128xf32, #tpu.memory_space<vmem>>
      %dma_start3A_994 = arith.constant 0 : i32
      %dma_start3A_995 = tpu.memref_slice %arg5[%dma_start3A_994, %multiple_of3A_975] : memref<32x1000000xf32, #tpu.memory_space<hbm>> -> memref<32x128xf32, #tpu.memory_space<hbm>>
      tpu.enqueue_dma source(%dma_start3A_995 : memref<32x128xf32, #tpu.memory_space<hbm>>) target(%dma_start3A_993 : memref<32x128xf32, #tpu.memory_space<vmem>>) target_semaphore(%arg15 : memref<!tpu.dma_semaphore, #tpu.memory_space<semaphore_mem>>)
      %slice3A_996 = vector.extract_strided_slice %get3A_707 {offsets = [2], sizes = [1], strides = [1]} : vector<16xi32> to vector<1xi32>
      %squeeze3A_997 = vector.extract %slice3A_996[0] : i32 from vector<1xi32>
      %slice3A_998 = vector.extract_strided_slice %get3A_709 {offsets = [2], sizes = [1], strides = [1]} : vector<16xi32> to vector<1xi32>
      %squeeze3A_999 = vector.extract %slice3A_998[0] : i32 from vector<1xi32>
      %shift_right_arithmetic3A_1000 = arith.constant 7 : i32
      %shift_right_arithmetic3A_1001 = arith.shrsi %squeeze3A_997, %shift_right_arithmetic3A_1000 : i32
      %mul3A_1002 = arith.constant 128 : i32
      %mul3A_1003 = arith.muli %shift_right_arithmetic3A_1001, %mul3A_1002 : i32
      %multiple_of3A_1004 = tpu.assume_multiple %mul3A_1003, 128 : i32
      %shift_right_arithmetic3A_1005 = arith.constant 7 : i32
      %shift_right_arithmetic3A_1006 = arith.shrsi %squeeze3A_999, %shift_right_arithmetic3A_1005 : i32
      %mul3A_1007 = arith.constant 128 : i32
      %mul3A_1008 = arith.muli %shift_right_arithmetic3A_1006, %mul3A_1007 : i32
      %multiple_of3A_1009 = tpu.assume_multiple %mul3A_1008, 128 : i32
      %dma_start3A_1010 = arith.constant 64 : i32
      %dma_start3A_1011 = arith.constant 0 : i32
      %dma_start3A_1012 = tpu.memref_slice %arg9[%dma_start3A_1010, %dma_start3A_1011] : memref<256x128xf32, #tpu.memory_space<vmem>> -> memref<32x128xf32, #tpu.memory_space<vmem>>
      %dma_start3A_1013 = arith.constant 0 : i32
      %dma_start3A_1014 = tpu.memref_slice %arg4[%dma_start3A_1013, %multiple_of3A_1004] : memref<32x1000000xf32, #tpu.memory_space<hbm>> -> memref<32x128xf32, #tpu.memory_space<hbm>>
      %dma_start3A_1015 = arith.constant 64 : i32
      %dma_start3A_1016 = arith.constant 0 : i32
      %dma_start3A_1017 = tpu.memref_slice %arg9[%dma_start3A_1015, %dma_start3A_1016] : memref<256x128xf32, #tpu.memory_space<vmem>> -> memref<32x128xf32, #tpu.memory_space<vmem>>
      %dma_start3A_1018 = arith.constant 0 : i32
      %dma_start3A_1019 = tpu.memref_slice %arg4[%dma_start3A_1018, %multiple_of3A_1004] : memref<32x1000000xf32, #tpu.memory_space<hbm>> -> memref<32x128xf32, #tpu.memory_space<hbm>>
      tpu.enqueue_dma source(%dma_start3A_1019 : memref<32x128xf32, #tpu.memory_space<hbm>>) target(%dma_start3A_1017 : memref<32x128xf32, #tpu.memory_space<vmem>>) target_semaphore(%arg13 : memref<!tpu.dma_semaphore, #tpu.memory_space<semaphore_mem>>)
      %dma_start3A_1020 = arith.constant 64 : i32
      %dma_start3A_1021 = arith.constant 0 : i32
      %dma_start3A_1022 = tpu.memref_slice %arg10[%dma_start3A_1020, %dma_start3A_1021] : memref<256x128xf32, #tpu.memory_space<vmem>> -> memref<32x128xf32, #tpu.memory_space<vmem>>
      %dma_start3A_1023 = arith.constant 0 : i32
      %dma_start3A_1024 = tpu.memref_slice %arg5[%dma_start3A_1023, %multiple_of3A_1009] : memref<32x1000000xf32, #tpu.memory_space<hbm>> -> memref<32x128xf32, #tpu.memory_space<hbm>>
      %dma_start3A_1025 = arith.constant 64 : i32
      %dma_start3A_1026 = arith.constant 0 : i32
      %dma_start3A_1027 = tpu.memref_slice %arg10[%dma_start3A_1025, %dma_start3A_1026] : memref<256x128xf32, #tpu.memory_space<vmem>> -> memref<32x128xf32, #tpu.memory_space<vmem>>
      %dma_start3A_1028 = arith.constant 0 : i32
      %dma_start3A_1029 = tpu.memref_slice %arg5[%dma_start3A_1028, %multiple_of3A_1009] : memref<32x1000000xf32, #tpu.memory_space<hbm>> -> memref<32x128xf32, #tpu.memory_space<hbm>>
      tpu.enqueue_dma source(%dma_start3A_1029 : memref<32x128xf32, #tpu.memory_space<hbm>>) target(%dma_start3A_1027 : memref<32x128xf32, #tpu.memory_space<vmem>>) target_semaphore(%arg15 : memref<!tpu.dma_semaphore, #tpu.memory_space<semaphore_mem>>)
      %slice3A_1030 = vector.extract_strided_slice %get3A_707 {offsets = [3], sizes = [1], strides = [1]} : vector<16xi32> to vector<1xi32>
      %squeeze3A_1031 = vector.extract %slice3A_1030[0] : i32 from vector<1xi32>
      %slice3A_1032 = vector.extract_strided_slice %get3A_709 {offsets = [3], sizes = [1], strides = [1]} : vector<16xi32> to vector<1xi32>
      %squeeze3A_1033 = vector.extract %slice3A_1032[0] : i32 from vector<1xi32>
      %shift_right_arithmetic3A_1034 = arith.constant 7 : i32
      %shift_right_arithmetic3A_1035 = arith.shrsi %squeeze3A_1031, %shift_right_arithmetic3A_1034 : i32
      %mul3A_1036 = arith.constant 128 : i32
      %mul3A_1037 = arith.muli %shift_right_arithmetic3A_1035, %mul3A_1036 : i32
      %multiple_of3A_1038 = tpu.assume_multiple %mul3A_1037, 128 : i32
      %shift_right_arithmetic3A_1039 = arith.constant 7 : i32
      %shift_right_arithmetic3A_1040 = arith.shrsi %squeeze3A_1033, %shift_right_arithmetic3A_1039 : i32
      %mul3A_1041 = arith.constant 128 : i32
      %mul3A_1042 = arith.muli %shift_right_arithmetic3A_1040, %mul3A_1041 : i32
      %multiple_of3A_1043 = tpu.assume_multiple %mul3A_1042, 128 : i32
      %dma_start3A_1044 = arith.constant 96 : i32
      %dma_start3A_1045 = arith.constant 0 : i32
      %dma_start3A_1046 = tpu.memref_slice %arg9[%dma_start3A_1044, %dma_start3A_1045] : memref<256x128xf32, #tpu.memory_space<vmem>> -> memref<32x128xf32, #tpu.memory_space<vmem>>
      %dma_start3A_1047 = arith.constant 0 : i32
      %dma_start3A_1048 = tpu.memref_slice %arg4[%dma_start3A_1047, %multiple_of3A_1038] : memref<32x1000000xf32, #tpu.memory_space<hbm>> -> memref<32x128xf32, #tpu.memory_space<hbm>>
      %dma_start3A_1049 = arith.constant 96 : i32
      %dma_start3A_1050 = arith.constant 0 : i32
      %dma_start3A_1051 = tpu.memref_slice %arg9[%dma_start3A_1049, %dma_start3A_1050] : memref<256x128xf32, #tpu.memory_space<vmem>> -> memref<32x128xf32, #tpu.memory_space<vmem>>
      %dma_start3A_1052 = arith.constant 0 : i32
      %dma_start3A_1053 = tpu.memref_slice %arg4[%dma_start3A_1052, %multiple_of3A_1038] : memref<32x1000000xf32, #tpu.memory_space<hbm>> -> memref<32x128xf32, #tpu.memory_space<hbm>>
      tpu.enqueue_dma source(%dma_start3A_1053 : memref<32x128xf32, #tpu.memory_space<hbm>>) target(%dma_start3A_1051 : memref<32x128xf32, #tpu.memory_space<vmem>>) target_semaphore(%arg13 : memref<!tpu.dma_semaphore, #tpu.memory_space<semaphore_mem>>)
      %dma_start3A_1054 = arith.constant 96 : i32
      %dma_start3A_1055 = arith.constant 0 : i32
      %dma_start3A_1056 = tpu.memref_slice %arg10[%dma_start3A_1054, %dma_start3A_1055] : memref<256x128xf32, #tpu.memory_space<vmem>> -> memref<32x128xf32, #tpu.memory_space<vmem>>
      %dma_start3A_1057 = arith.constant 0 : i32
      %dma_start3A_1058 = tpu.memref_slice %arg5[%dma_start3A_1057, %multiple_of3A_1043] : memref<32x1000000xf32, #tpu.memory_space<hbm>> -> memref<32x128xf32, #tpu.memory_space<hbm>>
      %dma_start3A_1059 = arith.constant 96 : i32
      %dma_start3A_1060 = arith.constant 0 : i32
      %dma_start3A_1061 = tpu.memref_slice %arg10[%dma_start3A_1059, %dma_start3A_1060] : memref<256x128xf32, #tpu.memory_space<vmem>> -> memref<32x128xf32, #tpu.memory_space<vmem>>
      %dma_start3A_1062 = arith.constant 0 : i32
      %dma_start3A_1063 = tpu.memref_slice %arg5[%dma_start3A_1062, %multiple_of3A_1043] : memref<32x1000000xf32, #tpu.memory_space<hbm>> -> memref<32x128xf32, #tpu.memory_space<hbm>>
      tpu.enqueue_dma source(%dma_start3A_1063 : memref<32x128xf32, #tpu.memory_space<hbm>>) target(%dma_start3A_1061 : memref<32x128xf32, #tpu.memory_space<vmem>>) target_semaphore(%arg15 : memref<!tpu.dma_semaphore, #tpu.memory_space<semaphore_mem>>)
      %dma_wait3A_1064 = arith.constant 128 : i32
      %dma_wait3A_1065 = arith.constant 0 : i32
      %dma_wait3A_1066 = tpu.memref_slice %arg9[%dma_wait3A_1064, %dma_wait3A_1065] : memref<256x128xf32, #tpu.memory_space<vmem>> -> memref<32x128xf32, #tpu.memory_space<vmem>>
      %dma_wait3A_1067 = arith.constant 0 : i32
      %dma_wait3A_1068 = arith.constant 0 : i32
      %dma_wait3A_1069 = tpu.memref_slice %arg4[%dma_wait3A_1067, %dma_wait3A_1068] : memref<32x1000000xf32, #tpu.memory_space<hbm>> -> memref<32x128xf32, #tpu.memory_space<hbm>>
      %dma_wait3A_1070 = arith.constant 128 : i32
      %dma_wait3A_1071 = arith.constant 0 : i32
      %dma_wait3A_1072 = tpu.memref_slice %arg9[%dma_wait3A_1070, %dma_wait3A_1071] : memref<256x128xf32, #tpu.memory_space<vmem>> -> memref<32x128xf32, #tpu.memory_space<vmem>>
      %dma_wait3A_1073 = arith.constant 0 : i32
      %dma_wait3A_1074 = arith.constant 0 : i32
      %dma_wait3A_1075 = tpu.memref_slice %arg4[%dma_wait3A_1073, %dma_wait3A_1074] : memref<32x1000000xf32, #tpu.memory_space<hbm>> -> memref<32x128xf32, #tpu.memory_space<hbm>>
      tpu.wait_dma2 semaphore(%arg14 : memref<!tpu.dma_semaphore, #tpu.memory_space<semaphore_mem>>) src(%dma_wait3A_1075 : memref<32x128xf32, #tpu.memory_space<hbm>>) dst(%dma_wait3A_1072 : memref<32x128xf32, #tpu.memory_space<vmem>>)
      %dma_wait3A_1076 = arith.constant 128 : i32
      %dma_wait3A_1077 = arith.constant 0 : i32
      %dma_wait3A_1078 = tpu.memref_slice %arg10[%dma_wait3A_1076, %dma_wait3A_1077] : memref<256x128xf32, #tpu.memory_space<vmem>> -> memref<32x128xf32, #tpu.memory_space<vmem>>
      %dma_wait3A_1079 = arith.constant 0 : i32
      %dma_wait3A_1080 = arith.constant 0 : i32
      %dma_wait3A_1081 = tpu.memref_slice %arg5[%dma_wait3A_1079, %dma_wait3A_1080] : memref<32x1000000xf32, #tpu.memory_space<hbm>> -> memref<32x128xf32, #tpu.memory_space<hbm>>
      %dma_wait3A_1082 = arith.constant 128 : i32
      %dma_wait3A_1083 = arith.constant 0 : i32
      %dma_wait3A_1084 = tpu.memref_slice %arg10[%dma_wait3A_1082, %dma_wait3A_1083] : memref<256x128xf32, #tpu.memory_space<vmem>> -> memref<32x128xf32, #tpu.memory_space<vmem>>
      %dma_wait3A_1085 = arith.constant 0 : i32
      %dma_wait3A_1086 = arith.constant 0 : i32
      %dma_wait3A_1087 = tpu.memref_slice %arg5[%dma_wait3A_1085, %dma_wait3A_1086] : memref<32x1000000xf32, #tpu.memory_space<hbm>> -> memref<32x128xf32, #tpu.memory_space<hbm>>
      tpu.wait_dma2 semaphore(%arg16 : memref<!tpu.dma_semaphore, #tpu.memory_space<semaphore_mem>>) src(%dma_wait3A_1087 : memref<32x128xf32, #tpu.memory_space<hbm>>) dst(%dma_wait3A_1084 : memref<32x128xf32, #tpu.memory_space<vmem>>)
      %dma_wait3A_1088 = arith.constant 160 : i32
      %dma_wait3A_1089 = arith.constant 0 : i32
      %dma_wait3A_1090 = tpu.memref_slice %arg9[%dma_wait3A_1088, %dma_wait3A_1089] : memref<256x128xf32, #tpu.memory_space<vmem>> -> memref<32x128xf32, #tpu.memory_space<vmem>>
      %dma_wait3A_1091 = arith.constant 0 : i32
      %dma_wait3A_1092 = arith.constant 0 : i32
      %dma_wait3A_1093 = tpu.memref_slice %arg4[%dma_wait3A_1091, %dma_wait3A_1092] : memref<32x1000000xf32, #tpu.memory_space<hbm>> -> memref<32x128xf32, #tpu.memory_space<hbm>>
      %dma_wait3A_1094 = arith.constant 160 : i32
      %dma_wait3A_1095 = arith.constant 0 : i32
      %dma_wait3A_1096 = tpu.memref_slice %arg9[%dma_wait3A_1094, %dma_wait3A_1095] : memref<256x128xf32, #tpu.memory_space<vmem>> -> memref<32x128xf32, #tpu.memory_space<vmem>>
      %dma_wait3A_1097 = arith.constant 0 : i32
      %dma_wait3A_1098 = arith.constant 0 : i32
      %dma_wait3A_1099 = tpu.memref_slice %arg4[%dma_wait3A_1097, %dma_wait3A_1098] : memref<32x1000000xf32, #tpu.memory_space<hbm>> -> memref<32x128xf32, #tpu.memory_space<hbm>>
      tpu.wait_dma2 semaphore(%arg14 : memref<!tpu.dma_semaphore, #tpu.memory_space<semaphore_mem>>) src(%dma_wait3A_1099 : memref<32x128xf32, #tpu.memory_space<hbm>>) dst(%dma_wait3A_1096 : memref<32x128xf32, #tpu.memory_space<vmem>>)
      %dma_wait3A_1100 = arith.constant 160 : i32
      %dma_wait3A_1101 = arith.constant 0 : i32
      %dma_wait3A_1102 = tpu.memref_slice %arg10[%dma_wait3A_1100, %dma_wait3A_1101] : memref<256x128xf32, #tpu.memory_space<vmem>> -> memref<32x128xf32, #tpu.memory_space<vmem>>
      %dma_wait3A_1103 = arith.constant 0 : i32
      %dma_wait3A_1104 = arith.constant 0 : i32
      %dma_wait3A_1105 = tpu.memref_slice %arg5[%dma_wait3A_1103, %dma_wait3A_1104] : memref<32x1000000xf32, #tpu.memory_space<hbm>> -> memref<32x128xf32, #tpu.memory_space<hbm>>
      %dma_wait3A_1106 = arith.constant 160 : i32
      %dma_wait3A_1107 = arith.constant 0 : i32
      %dma_wait3A_1108 = tpu.memref_slice %arg10[%dma_wait3A_1106, %dma_wait3A_1107] : memref<256x128xf32, #tpu.memory_space<vmem>> -> memref<32x128xf32, #tpu.memory_space<vmem>>
      %dma_wait3A_1109 = arith.constant 0 : i32
      %dma_wait3A_1110 = arith.constant 0 : i32
      %dma_wait3A_1111 = tpu.memref_slice %arg5[%dma_wait3A_1109, %dma_wait3A_1110] : memref<32x1000000xf32, #tpu.memory_space<hbm>> -> memref<32x128xf32, #tpu.memory_space<hbm>>
      tpu.wait_dma2 semaphore(%arg16 : memref<!tpu.dma_semaphore, #tpu.memory_space<semaphore_mem>>) src(%dma_wait3A_1111 : memref<32x128xf32, #tpu.memory_space<hbm>>) dst(%dma_wait3A_1108 : memref<32x128xf32, #tpu.memory_space<vmem>>)
      %dma_wait3A_1112 = arith.constant 192 : i32
      %dma_wait3A_1113 = arith.constant 0 : i32
      %dma_wait3A_1114 = tpu.memref_slice %arg9[%dma_wait3A_1112, %dma_wait3A_1113] : memref<256x128xf32, #tpu.memory_space<vmem>> -> memref<32x128xf32, #tpu.memory_space<vmem>>
      %dma_wait3A_1115 = arith.constant 0 : i32
      %dma_wait3A_1116 = arith.constant 0 : i32
      %dma_wait3A_1117 = tpu.memref_slice %arg4[%dma_wait3A_1115, %dma_wait3A_1116] : memref<32x1000000xf32, #tpu.memory_space<hbm>> -> memref<32x128xf32, #tpu.memory_space<hbm>>
      %dma_wait3A_1118 = arith.constant 192 : i32
      %dma_wait3A_1119 = arith.constant 0 : i32
      %dma_wait3A_1120 = tpu.memref_slice %arg9[%dma_wait3A_1118, %dma_wait3A_1119] : memref<256x128xf32, #tpu.memory_space<vmem>> -> memref<32x128xf32, #tpu.memory_space<vmem>>
      %dma_wait3A_1121 = arith.constant 0 : i32
      %dma_wait3A_1122 = arith.constant 0 : i32
      %dma_wait3A_1123 = tpu.memref_slice %arg4[%dma_wait3A_1121, %dma_wait3A_1122] : memref<32x1000000xf32, #tpu.memory_space<hbm>> -> memref<32x128xf32, #tpu.memory_space<hbm>>
      tpu.wait_dma2 semaphore(%arg14 : memref<!tpu.dma_semaphore, #tpu.memory_space<semaphore_mem>>) src(%dma_wait3A_1123 : memref<32x128xf32, #tpu.memory_space<hbm>>) dst(%dma_wait3A_1120 : memref<32x128xf32, #tpu.memory_space<vmem>>)
      %dma_wait3A_1124 = arith.constant 192 : i32
      %dma_wait3A_1125 = arith.constant 0 : i32
      %dma_wait3A_1126 = tpu.memref_slice %arg10[%dma_wait3A_1124, %dma_wait3A_1125] : memref<256x128xf32, #tpu.memory_space<vmem>> -> memref<32x128xf32, #tpu.memory_space<vmem>>
      %dma_wait3A_1127 = arith.constant 0 : i32
      %dma_wait3A_1128 = arith.constant 0 : i32
      %dma_wait3A_1129 = tpu.memref_slice %arg5[%dma_wait3A_1127, %dma_wait3A_1128] : memref<32x1000000xf32, #tpu.memory_space<hbm>> -> memref<32x128xf32, #tpu.memory_space<hbm>>
      %dma_wait3A_1130 = arith.constant 192 : i32
      %dma_wait3A_1131 = arith.constant 0 : i32
      %dma_wait3A_1132 = tpu.memref_slice %arg10[%dma_wait3A_1130, %dma_wait3A_1131] : memref<256x128xf32, #tpu.memory_space<vmem>> -> memref<32x128xf32, #tpu.memory_space<vmem>>
      %dma_wait3A_1133 = arith.constant 0 : i32
      %dma_wait3A_1134 = arith.constant 0 : i32
      %dma_wait3A_1135 = tpu.memref_slice %arg5[%dma_wait3A_1133, %dma_wait3A_1134] : memref<32x1000000xf32, #tpu.memory_space<hbm>> -> memref<32x128xf32, #tpu.memory_space<hbm>>
      tpu.wait_dma2 semaphore(%arg16 : memref<!tpu.dma_semaphore, #tpu.memory_space<semaphore_mem>>) src(%dma_wait3A_1135 : memref<32x128xf32, #tpu.memory_space<hbm>>) dst(%dma_wait3A_1132 : memref<32x128xf32, #tpu.memory_space<vmem>>)
      %dma_wait3A_1136 = arith.constant 224 : i32
      %dma_wait3A_1137 = arith.constant 0 : i32
      %dma_wait3A_1138 = tpu.memref_slice %arg9[%dma_wait3A_1136, %dma_wait3A_1137] : memref<256x128xf32, #tpu.memory_space<vmem>> -> memref<32x128xf32, #tpu.memory_space<vmem>>
      %dma_wait3A_1139 = arith.constant 0 : i32
      %dma_wait3A_1140 = arith.constant 0 : i32
      %dma_wait3A_1141 = tpu.memref_slice %arg4[%dma_wait3A_1139, %dma_wait3A_1140] : memref<32x1000000xf32, #tpu.memory_space<hbm>> -> memref<32x128xf32, #tpu.memory_space<hbm>>
      %dma_wait3A_1142 = arith.constant 224 : i32
      %dma_wait3A_1143 = arith.constant 0 : i32
      %dma_wait3A_1144 = tpu.memref_slice %arg9[%dma_wait3A_1142, %dma_wait3A_1143] : memref<256x128xf32, #tpu.memory_space<vmem>> -> memref<32x128xf32, #tpu.memory_space<vmem>>
      %dma_wait3A_1145 = arith.constant 0 : i32
      %dma_wait3A_1146 = arith.constant 0 : i32
      %dma_wait3A_1147 = tpu.memref_slice %arg4[%dma_wait3A_1145, %dma_wait3A_1146] : memref<32x1000000xf32, #tpu.memory_space<hbm>> -> memref<32x128xf32, #tpu.memory_space<hbm>>
      tpu.wait_dma2 semaphore(%arg14 : memref<!tpu.dma_semaphore, #tpu.memory_space<semaphore_mem>>) src(%dma_wait3A_1147 : memref<32x128xf32, #tpu.memory_space<hbm>>) dst(%dma_wait3A_1144 : memref<32x128xf32, #tpu.memory_space<vmem>>)
      %dma_wait3A_1148 = arith.constant 224 : i32
      %dma_wait3A_1149 = arith.constant 0 : i32
      %dma_wait3A_1150 = tpu.memref_slice %arg10[%dma_wait3A_1148, %dma_wait3A_1149] : memref<256x128xf32, #tpu.memory_space<vmem>> -> memref<32x128xf32, #tpu.memory_space<vmem>>
      %dma_wait3A_1151 = arith.constant 0 : i32
      %dma_wait3A_1152 = arith.constant 0 : i32
      %dma_wait3A_1153 = tpu.memref_slice %arg5[%dma_wait3A_1151, %dma_wait3A_1152] : memref<32x1000000xf32, #tpu.memory_space<hbm>> -> memref<32x128xf32, #tpu.memory_space<hbm>>
      %dma_wait3A_1154 = arith.constant 224 : i32
      %dma_wait3A_1155 = arith.constant 0 : i32
      %dma_wait3A_1156 = tpu.memref_slice %arg10[%dma_wait3A_1154, %dma_wait3A_1155] : memref<256x128xf32, #tpu.memory_space<vmem>> -> memref<32x128xf32, #tpu.memory_space<vmem>>
      %dma_wait3A_1157 = arith.constant 0 : i32
      %dma_wait3A_1158 = arith.constant 0 : i32
      %dma_wait3A_1159 = tpu.memref_slice %arg5[%dma_wait3A_1157, %dma_wait3A_1158] : memref<32x1000000xf32, #tpu.memory_space<hbm>> -> memref<32x128xf32, #tpu.memory_space<hbm>>
      tpu.wait_dma2 semaphore(%arg16 : memref<!tpu.dma_semaphore, #tpu.memory_space<semaphore_mem>>) src(%dma_wait3A_1159 : memref<32x128xf32, #tpu.memory_space<hbm>>) dst(%dma_wait3A_1156 : memref<32x128xf32, #tpu.memory_space<vmem>>)
      %add3A_1160 = arith.constant 4 : i32
      %add3A_1161 = arith.addi %add3A_697, %add3A_1160 : i32
      %slice3A_1162 = vector.extract_strided_slice %get3A_700 {offsets = [4], sizes = [1], strides = [1]} : vector<16xi32> to vector<1xi32>
      %squeeze3A_1163 = vector.extract %slice3A_1162[0] : i32 from vector<1xi32>
      %and3A_1164 = arith.constant 127 : i32
      %and3A_1165 = arith.andi %squeeze3A_1163, %and3A_1164 : i32
      %broadcast_in_dim3A_1166 = vector.broadcast %and3A_1165 : i32 to vector<16xi32>
      %slice3A_1167 = vector.extract_strided_slice %get3A_702 {offsets = [4], sizes = [1], strides = [1]} : vector<16xi32> to vector<1xi32>
      %squeeze3A_1168 = vector.extract %slice3A_1167[0] : i32 from vector<1xi32>
      %and3A_1169 = arith.constant 127 : i32
      %and3A_1170 = arith.andi %squeeze3A_1168, %and3A_1169 : i32
      %broadcast_in_dim3A_1171 = vector.broadcast %and3A_1170 : i32 to vector<16xi32>
      %add3A_1172 = arith.constant 128 : i32
      %add3A_1173 = vector.broadcast %add3A_1172 : i32 to vector<16xi32>
      %add3A_1174 = arith.addi %iota3A, %add3A_1173 : vector<16xi32>
      %add3A_1175 = arith.constant 16 : i32
      %add3A_1176 = vector.broadcast %add3A_1175 : i32 to vector<16xi32>
      %add3A_1177 = arith.addi %add3A_1174, %add3A_1176 : vector<16xi32>
      %gather3A_1178 = tpu.vector_load_idx %arg9[%add3A_1174, %broadcast_in_dim3A_1166] : memref<256x128xf32, #tpu.memory_space<vmem>>[vector<16xi32>, vector<16xi32>], vector<16xf32>,
      %gather3A_1179 = tpu.vector_load_idx %arg9[%add3A_1177, %broadcast_in_dim3A_1166] : memref<256x128xf32, #tpu.memory_space<vmem>>[vector<16xi32>, vector<16xi32>], vector<16xf32>,
      %gather3A_1180 = tpu.vector_load_idx %arg10[%add3A_1174, %broadcast_in_dim3A_1171] : memref<256x128xf32, #tpu.memory_space<vmem>>[vector<16xi32>, vector<16xi32>], vector<16xf32>,
      %gather3A_1181 = tpu.vector_load_idx %arg10[%add3A_1177, %broadcast_in_dim3A_1171] : memref<256x128xf32, #tpu.memory_space<vmem>>[vector<16xi32>, vector<16xi32>], vector<16xf32>,
      %add3A_1182 = arith.constant 0 : i32
      %add3A_1183 = arith.addi %add3A_1161, %add3A_1182 : i32
      %mul3A_1184 = arith.constant 16 : i32
      %mul3A_1185 = arith.muli %add3A_1183, %mul3A_1184 : i32
      %multiple_of3A_1186 = tpu.assume_multiple %mul3A_1185, 8 : i32
      %mul3A_1187 = arith.mulf %gather3A_1178, %gather3A_1180 : vector<16xf32>
      %mul3A_1188 = arith.mulf %gather3A_1179, %gather3A_1181 : vector<16xf32>
      %add3A_1189 = arith.addf %mul3A_1187, %mul3A_1188 : vector<16xf32>
      %swap3A_1190 = arith.index_cast %multiple_of3A_1186 : i32 to index
      %swap3A_1191 = tpu.vector_load %arg11[%swap3A_1190] {strides = array<i32>} : memref<8192xf32, #tpu.memory_space<vmem>>, vector<16xf32>,
      tpu.vector_store %arg11[%swap3A_1190], %add3A_1189 {strides = array<i32>} : memref<8192xf32, #tpu.memory_space<vmem>>, vector<16xf32>,
      %slice3A_1192 = vector.extract_strided_slice %get3A_700 {offsets = [5], sizes = [1], strides = [1]} : vector<16xi32> to vector<1xi32>
      %squeeze3A_1193 = vector.extract %slice3A_1192[0] : i32 from vector<1xi32>
      %and3A_1194 = arith.constant 127 : i32
      %and3A_1195 = arith.andi %squeeze3A_1193, %and3A_1194 : i32
      %broadcast_in_dim3A_1196 = vector.broadcast %and3A_1195 : i32 to vector<16xi32>
      %slice3A_1197 = vector.extract_strided_slice %get3A_702 {offsets = [5], sizes = [1], strides = [1]} : vector<16xi32> to vector<1xi32>
      %squeeze3A_1198 = vector.extract %slice3A_1197[0] : i32 from vector<1xi32>
      %and3A_1199 = arith.constant 127 : i32
      %and3A_1200 = arith.andi %squeeze3A_1198, %and3A_1199 : i32
      %broadcast_in_dim3A_1201 = vector.broadcast %and3A_1200 : i32 to vector<16xi32>
      %add3A_1202 = arith.constant 160 : i32
      %add3A_1203 = vector.broadcast %add3A_1202 : i32 to vector<16xi32>
      %add3A_1204 = arith.addi %iota3A, %add3A_1203 : vector<16xi32>
      %add3A_1205 = arith.constant 16 : i32
      %add3A_1206 = vector.broadcast %add3A_1205 : i32 to vector<16xi32>
      %add3A_1207 = arith.addi %add3A_1204, %add3A_1206 : vector<16xi32>
      %gather3A_1208 = tpu.vector_load_idx %arg9[%add3A_1204, %broadcast_in_dim3A_1196] : memref<256x128xf32, #tpu.memory_space<vmem>>[vector<16xi32>, vector<16xi32>], vector<16xf32>,
      %gather3A_1209 = tpu.vector_load_idx %arg9[%add3A_1207, %broadcast_in_dim3A_1196] : memref<256x128xf32, #tpu.memory_space<vmem>>[vector<16xi32>, vector<16xi32>], vector<16xf32>,
      %gather3A_1210 = tpu.vector_load_idx %arg10[%add3A_1204, %broadcast_in_dim3A_1201] : memref<256x128xf32, #tpu.memory_space<vmem>>[vector<16xi32>, vector<16xi32>], vector<16xf32>,
      %gather3A_1211 = tpu.vector_load_idx %arg10[%add3A_1207, %broadcast_in_dim3A_1201] : memref<256x128xf32, #tpu.memory_space<vmem>>[vector<16xi32>, vector<16xi32>], vector<16xf32>,
      %add3A_1212 = arith.constant 1 : i32
      %add3A_1213 = arith.addi %add3A_1161, %add3A_1212 : i32
      %mul3A_1214 = arith.constant 16 : i32
      %mul3A_1215 = arith.muli %add3A_1213, %mul3A_1214 : i32
      %multiple_of3A_1216 = tpu.assume_multiple %mul3A_1215, 8 : i32
      %mul3A_1217 = arith.mulf %gather3A_1208, %gather3A_1210 : vector<16xf32>
      %mul3A_1218 = arith.mulf %gather3A_1209, %gather3A_1211 : vector<16xf32>
      %add3A_1219 = arith.addf %mul3A_1217, %mul3A_1218 : vector<16xf32>
      %swap3A_1220 = arith.index_cast %multiple_of3A_1216 : i32 to index
      %swap3A_1221 = tpu.vector_load %arg11[%swap3A_1220] {strides = array<i32>} : memref<8192xf32, #tpu.memory_space<vmem>>, vector<16xf32>,
      tpu.vector_store %arg11[%swap3A_1220], %add3A_1219 {strides = array<i32>} : memref<8192xf32, #tpu.memory_space<vmem>>, vector<16xf32>,
      %slice3A_1222 = vector.extract_strided_slice %get3A_700 {offsets = [6], sizes = [1], strides = [1]} : vector<16xi32> to vector<1xi32>
      %squeeze3A_1223 = vector.extract %slice3A_1222[0] : i32 from vector<1xi32>
      %and3A_1224 = arith.constant 127 : i32
      %and3A_1225 = arith.andi %squeeze3A_1223, %and3A_1224 : i32
      %broadcast_in_dim3A_1226 = vector.broadcast %and3A_1225 : i32 to vector<16xi32>
      %slice3A_1227 = vector.extract_strided_slice %get3A_702 {offsets = [6], sizes = [1], strides = [1]} : vector<16xi32> to vector<1xi32>
      %squeeze3A_1228 = vector.extract %slice3A_1227[0] : i32 from vector<1xi32>
      %and3A_1229 = arith.constant 127 : i32
      %and3A_1230 = arith.andi %squeeze3A_1228, %and3A_1229 : i32
      %broadcast_in_dim3A_1231 = vector.broadcast %and3A_1230 : i32 to vector<16xi32>
      %add3A_1232 = arith.constant 192 : i32
      %add3A_1233 = vector.broadcast %add3A_1232 : i32 to vector<16xi32>
      %add3A_1234 = arith.addi %iota3A, %add3A_1233 : vector<16xi32>
      %add3A_1235 = arith.constant 16 : i32
      %add3A_1236 = vector.broadcast %add3A_1235 : i32 to vector<16xi32>
      %add3A_1237 = arith.addi %add3A_1234, %add3A_1236 : vector<16xi32>
      %gather3A_1238 = tpu.vector_load_idx %arg9[%add3A_1234, %broadcast_in_dim3A_1226] : memref<256x128xf32, #tpu.memory_space<vmem>>[vector<16xi32>, vector<16xi32>], vector<16xf32>,
      %gather3A_1239 = tpu.vector_load_idx %arg9[%add3A_1237, %broadcast_in_dim3A_1226] : memref<256x128xf32, #tpu.memory_space<vmem>>[vector<16xi32>, vector<16xi32>], vector<16xf32>,
      %gather3A_1240 = tpu.vector_load_idx %arg10[%add3A_1234, %broadcast_in_dim3A_1231] : memref<256x128xf32, #tpu.memory_space<vmem>>[vector<16xi32>, vector<16xi32>], vector<16xf32>,
      %gather3A_1241 = tpu.vector_load_idx %arg10[%add3A_1237, %broadcast_in_dim3A_1231] : memref<256x128xf32, #tpu.memory_space<vmem>>[vector<16xi32>, vector<16xi32>], vector<16xf32>,
      %add3A_1242 = arith.constant 2 : i32
      %add3A_1243 = arith.addi %add3A_1161, %add3A_1242 : i32
      %mul3A_1244 = arith.constant 16 : i32
      %mul3A_1245 = arith.muli %add3A_1243, %mul3A_1244 : i32
      %multiple_of3A_1246 = tpu.assume_multiple %mul3A_1245, 8 : i32
      %mul3A_1247 = arith.mulf %gather3A_1238, %gather3A_1240 : vector<16xf32>
      %mul3A_1248 = arith.mulf %gather3A_1239, %gather3A_1241 : vector<16xf32>
      %add3A_1249 = arith.addf %mul3A_1247, %mul3A_1248 : vector<16xf32>
      %swap3A_1250 = arith.index_cast %multiple_of3A_1246 : i32 to index
      %swap3A_1251 = tpu.vector_load %arg11[%swap3A_1250] {strides = array<i32>} : memref<8192xf32, #tpu.memory_space<vmem>>, vector<16xf32>,
      tpu.vector_store %arg11[%swap3A_1250], %add3A_1249 {strides = array<i32>} : memref<8192xf32, #tpu.memory_space<vmem>>, vector<16xf32>,
      %slice3A_1252 = vector.extract_strided_slice %get3A_700 {offsets = [7], sizes = [1], strides = [1]} : vector<16xi32> to vector<1xi32>
      %squeeze3A_1253 = vector.extract %slice3A_1252[0] : i32 from vector<1xi32>
      %and3A_1254 = arith.constant 127 : i32
      %and3A_1255 = arith.andi %squeeze3A_1253, %and3A_1254 : i32
      %broadcast_in_dim3A_1256 = vector.broadcast %and3A_1255 : i32 to vector<16xi32>
      %slice3A_1257 = vector.extract_strided_slice %get3A_702 {offsets = [7], sizes = [1], strides = [1]} : vector<16xi32> to vector<1xi32>
      %squeeze3A_1258 = vector.extract %slice3A_1257[0] : i32 from vector<1xi32>
      %and3A_1259 = arith.constant 127 : i32
      %and3A_1260 = arith.andi %squeeze3A_1258, %and3A_1259 : i32
      %broadcast_in_dim3A_1261 = vector.broadcast %and3A_1260 : i32 to vector<16xi32>
      %add3A_1262 = arith.constant 224 : i32
      %add3A_1263 = vector.broadcast %add3A_1262 : i32 to vector<16xi32>
      %add3A_1264 = arith.addi %iota3A, %add3A_1263 : vector<16xi32>
      %add3A_1265 = arith.constant 16 : i32
      %add3A_1266 = vector.broadcast %add3A_1265 : i32 to vector<16xi32>
      %add3A_1267 = arith.addi %add3A_1264, %add3A_1266 : vector<16xi32>
      %gather3A_1268 = tpu.vector_load_idx %arg9[%add3A_1264, %broadcast_in_dim3A_1256] : memref<256x128xf32, #tpu.memory_space<vmem>>[vector<16xi32>, vector<16xi32>], vector<16xf32>,
      %gather3A_1269 = tpu.vector_load_idx %arg9[%add3A_1267, %broadcast_in_dim3A_1256] : memref<256x128xf32, #tpu.memory_space<vmem>>[vector<16xi32>, vector<16xi32>], vector<16xf32>,
      %gather3A_1270 = tpu.vector_load_idx %arg10[%add3A_1264, %broadcast_in_dim3A_1261] : memref<256x128xf32, #tpu.memory_space<vmem>>[vector<16xi32>, vector<16xi32>], vector<16xf32>,
      %gather3A_1271 = tpu.vector_load_idx %arg10[%add3A_1267, %broadcast_in_dim3A_1261] : memref<256x128xf32, #tpu.memory_space<vmem>>[vector<16xi32>, vector<16xi32>], vector<16xf32>,
      %add3A_1272 = arith.constant 3 : i32
      %add3A_1273 = arith.addi %add3A_1161, %add3A_1272 : i32
      %mul3A_1274 = arith.constant 16 : i32
      %mul3A_1275 = arith.muli %add3A_1273, %mul3A_1274 : i32
      %multiple_of3A_1276 = tpu.assume_multiple %mul3A_1275, 8 : i32
      %mul3A_1277 = arith.mulf %gather3A_1268, %gather3A_1270 : vector<16xf32>
      %mul3A_1278 = arith.mulf %gather3A_1269, %gather3A_1271 : vector<16xf32>
      %add3A_1279 = arith.addf %mul3A_1277, %mul3A_1278 : vector<16xf32>
      %swap3A_1280 = arith.index_cast %multiple_of3A_1276 : i32 to index
      %swap3A_1281 = tpu.vector_load %arg11[%swap3A_1280] {strides = array<i32>} : memref<8192xf32, #tpu.memory_space<vmem>>, vector<16xf32>,
      tpu.vector_store %arg11[%swap3A_1280], %add3A_1279 {strides = array<i32>} : memref<8192xf32, #tpu.memory_space<vmem>>, vector<16xf32>,
      %slice3A_1282 = vector.extract_strided_slice %get3A_707 {offsets = [4], sizes = [1], strides = [1]} : vector<16xi32> to vector<1xi32>
      %squeeze3A_1283 = vector.extract %slice3A_1282[0] : i32 from vector<1xi32>
      %slice3A_1284 = vector.extract_strided_slice %get3A_709 {offsets = [4], sizes = [1], strides = [1]} : vector<16xi32> to vector<1xi32>
      %squeeze3A_1285 = vector.extract %slice3A_1284[0] : i32 from vector<1xi32>
      %shift_right_arithmetic3A_1286 = arith.constant 7 : i32
      %shift_right_arithmetic3A_1287 = arith.shrsi %squeeze3A_1283, %shift_right_arithmetic3A_1286 : i32
      %mul3A_1288 = arith.constant 128 : i32
      %mul3A_1289 = arith.muli %shift_right_arithmetic3A_1287, %mul3A_1288 : i32
      %multiple_of3A_1290 = tpu.assume_multiple %mul3A_1289, 128 : i32
      %shift_right_arithmetic3A_1291 = arith.constant 7 : i32
      %shift_right_arithmetic3A_1292 = arith.shrsi %squeeze3A_1285, %shift_right_arithmetic3A_1291 : i32
      %mul3A_1293 = arith.constant 128 : i32
      %mul3A_1294 = arith.muli %shift_right_arithmetic3A_1292, %mul3A_1293 : i32
      %multiple_of3A_1295 = tpu.assume_multiple %mul3A_1294, 128 : i32
      %dma_start3A_1296 = arith.constant 128 : i32
      %dma_start3A_1297 = arith.constant 0 : i32
      %dma_start3A_1298 = tpu.memref_slice %arg9[%dma_start3A_1296, %dma_start3A_1297] : memref<256x128xf32, #tpu.memory_space<vmem>> -> memref<32x128xf32, #tpu.memory_space<vmem>>
      %dma_start3A_1299 = arith.constant 0 : i32
      %dma_start3A_1300 = tpu.memref_slice %arg4[%dma_start3A_1299, %multiple_of3A_1290] : memref<32x1000000xf32, #tpu.memory_space<hbm>> -> memref<32x128xf32, #tpu.memory_space<hbm>>
      %dma_start3A_1301 = arith.constant 128 : i32
      %dma_start3A_1302 = arith.constant 0 : i32
      %dma_start3A_1303 = tpu.memref_slice %arg9[%dma_start3A_1301, %dma_start3A_1302] : memref<256x128xf32, #tpu.memory_space<vmem>> -> memref<32x128xf32, #tpu.memory_space<vmem>>
      %dma_start3A_1304 = arith.constant 0 : i32
      %dma_start3A_1305 = tpu.memref_slice %arg4[%dma_start3A_1304, %multiple_of3A_1290] : memref<32x1000000xf32, #tpu.memory_space<hbm>> -> memref<32x128xf32, #tpu.memory_space<hbm>>
      tpu.enqueue_dma source(%dma_start3A_1305 : memref<32x128xf32, #tpu.memory_space<hbm>>) target(%dma_start3A_1303 : memref<32x128xf32, #tpu.memory_space<vmem>>) target_semaphore(%arg14 : memref<!tpu.dma_semaphore, #tpu.memory_space<semaphore_mem>>)
      %dma_start3A_1306 = arith.constant 128 : i32
      %dma_start3A_1307 = arith.constant 0 : i32
      %dma_start3A_1308 = tpu.memref_slice %arg10[%dma_start3A_1306, %dma_start3A_1307] : memref<256x128xf32, #tpu.memory_space<vmem>> -> memref<32x128xf32, #tpu.memory_space<vmem>>
      %dma_start3A_1309 = arith.constant 0 : i32
      %dma_start3A_1310 = tpu.memref_slice %arg5[%dma_start3A_1309, %multiple_of3A_1295] : memref<32x1000000xf32, #tpu.memory_space<hbm>> -> memref<32x128xf32, #tpu.memory_space<hbm>>
      %dma_start3A_1311 = arith.constant 128 : i32
      %dma_start3A_1312 = arith.constant 0 : i32
      %dma_start3A_1313 = tpu.memref_slice %arg10[%dma_start3A_1311, %dma_start3A_1312] : memref<256x128xf32, #tpu.memory_space<vmem>> -> memref<32x128xf32, #tpu.memory_space<vmem>>
      %dma_start3A_1314 = arith.constant 0 : i32
      %dma_start3A_1315 = tpu.memref_slice %arg5[%dma_start3A_1314, %multiple_of3A_1295] : memref<32x1000000xf32, #tpu.memory_space<hbm>> -> memref<32x128xf32, #tpu.memory_space<hbm>>
      tpu.enqueue_dma source(%dma_start3A_1315 : memref<32x128xf32, #tpu.memory_space<hbm>>) target(%dma_start3A_1313 : memref<32x128xf32, #tpu.memory_space<vmem>>) target_semaphore(%arg16 : memref<!tpu.dma_semaphore, #tpu.memory_space<semaphore_mem>>)
      %slice3A_1316 = vector.extract_strided_slice %get3A_707 {offsets = [5], sizes = [1], strides = [1]} : vector<16xi32> to vector<1xi32>
      %squeeze3A_1317 = vector.extract %slice3A_1316[0] : i32 from vector<1xi32>
      %slice3A_1318 = vector.extract_strided_slice %get3A_709 {offsets = [5], sizes = [1], strides = [1]} : vector<16xi32> to vector<1xi32>
      %squeeze3A_1319 = vector.extract %slice3A_1318[0] : i32 from vector<1xi32>
      %shift_right_arithmetic3A_1320 = arith.constant 7 : i32
      %shift_right_arithmetic3A_1321 = arith.shrsi %squeeze3A_1317, %shift_right_arithmetic3A_1320 : i32
      %mul3A_1322 = arith.constant 128 : i32
      %mul3A_1323 = arith.muli %shift_right_arithmetic3A_1321, %mul3A_1322 : i32
      %multiple_of3A_1324 = tpu.assume_multiple %mul3A_1323, 128 : i32
      %shift_right_arithmetic3A_1325 = arith.constant 7 : i32
      %shift_right_arithmetic3A_1326 = arith.shrsi %squeeze3A_1319, %shift_right_arithmetic3A_1325 : i32
      %mul3A_1327 = arith.constant 128 : i32
      %mul3A_1328 = arith.muli %shift_right_arithmetic3A_1326, %mul3A_1327 : i32
      %multiple_of3A_1329 = tpu.assume_multiple %mul3A_1328, 128 : i32
      %dma_start3A_1330 = arith.constant 160 : i32
      %dma_start3A_1331 = arith.constant 0 : i32
      %dma_start3A_1332 = tpu.memref_slice %arg9[%dma_start3A_1330, %dma_start3A_1331] : memref<256x128xf32, #tpu.memory_space<vmem>> -> memref<32x128xf32, #tpu.memory_space<vmem>>
      %dma_start3A_1333 = arith.constant 0 : i32
      %dma_start3A_1334 = tpu.memref_slice %arg4[%dma_start3A_1333, %multiple_of3A_1324] : memref<32x1000000xf32, #tpu.memory_space<hbm>> -> memref<32x128xf32, #tpu.memory_space<hbm>>
      %dma_start3A_1335 = arith.constant 160 : i32
      %dma_start3A_1336 = arith.constant 0 : i32
      %dma_start3A_1337 = tpu.memref_slice %arg9[%dma_start3A_1335, %dma_start3A_1336] : memref<256x128xf32, #tpu.memory_space<vmem>> -> memref<32x128xf32, #tpu.memory_space<vmem>>
      %dma_start3A_1338 = arith.constant 0 : i32
      %dma_start3A_1339 = tpu.memref_slice %arg4[%dma_start3A_1338, %multiple_of3A_1324] : memref<32x1000000xf32, #tpu.memory_space<hbm>> -> memref<32x128xf32, #tpu.memory_space<hbm>>
      tpu.enqueue_dma source(%dma_start3A_1339 : memref<32x128xf32, #tpu.memory_space<hbm>>) target(%dma_start3A_1337 : memref<32x128xf32, #tpu.memory_space<vmem>>) target_semaphore(%arg14 : memref<!tpu.dma_semaphore, #tpu.memory_space<semaphore_mem>>)
      %dma_start3A_1340 = arith.constant 160 : i32
      %dma_start3A_1341 = arith.constant 0 : i32
      %dma_start3A_1342 = tpu.memref_slice %arg10[%dma_start3A_1340, %dma_start3A_1341] : memref<256x128xf32, #tpu.memory_space<vmem>> -> memref<32x128xf32, #tpu.memory_space<vmem>>
      %dma_start3A_1343 = arith.constant 0 : i32
      %dma_start3A_1344 = tpu.memref_slice %arg5[%dma_start3A_1343, %multiple_of3A_1329] : memref<32x1000000xf32, #tpu.memory_space<hbm>> -> memref<32x128xf32, #tpu.memory_space<hbm>>
      %dma_start3A_1345 = arith.constant 160 : i32
      %dma_start3A_1346 = arith.constant 0 : i32
      %dma_start3A_1347 = tpu.memref_slice %arg10[%dma_start3A_1345, %dma_start3A_1346] : memref<256x128xf32, #tpu.memory_space<vmem>> -> memref<32x128xf32, #tpu.memory_space<vmem>>
      %dma_start3A_1348 = arith.constant 0 : i32
      %dma_start3A_1349 = tpu.memref_slice %arg5[%dma_start3A_1348, %multiple_of3A_1329] : memref<32x1000000xf32, #tpu.memory_space<hbm>> -> memref<32x128xf32, #tpu.memory_space<hbm>>
      tpu.enqueue_dma source(%dma_start3A_1349 : memref<32x128xf32, #tpu.memory_space<hbm>>) target(%dma_start3A_1347 : memref<32x128xf32, #tpu.memory_space<vmem>>) target_semaphore(%arg16 : memref<!tpu.dma_semaphore, #tpu.memory_space<semaphore_mem>>)
      %slice3A_1350 = vector.extract_strided_slice %get3A_707 {offsets = [6], sizes = [1], strides = [1]} : vector<16xi32> to vector<1xi32>
      %squeeze3A_1351 = vector.extract %slice3A_1350[0] : i32 from vector<1xi32>
      %slice3A_1352 = vector.extract_strided_slice %get3A_709 {offsets = [6], sizes = [1], strides = [1]} : vector<16xi32> to vector<1xi32>
      %squeeze3A_1353 = vector.extract %slice3A_1352[0] : i32 from vector<1xi32>
      %shift_right_arithmetic3A_1354 = arith.constant 7 : i32
      %shift_right_arithmetic3A_1355 = arith.shrsi %squeeze3A_1351, %shift_right_arithmetic3A_1354 : i32
      %mul3A_1356 = arith.constant 128 : i32
      %mul3A_1357 = arith.muli %shift_right_arithmetic3A_1355, %mul3A_1356 : i32
      %multiple_of3A_1358 = tpu.assume_multiple %mul3A_1357, 128 : i32
      %shift_right_arithmetic3A_1359 = arith.constant 7 : i32
      %shift_right_arithmetic3A_1360 = arith.shrsi %squeeze3A_1353, %shift_right_arithmetic3A_1359 : i32
      %mul3A_1361 = arith.constant 128 : i32
      %mul3A_1362 = arith.muli %shift_right_arithmetic3A_1360, %mul3A_1361 : i32
      %multiple_of3A_1363 = tpu.assume_multiple %mul3A_1362, 128 : i32
      %dma_start3A_1364 = arith.constant 192 : i32
      %dma_start3A_1365 = arith.constant 0 : i32
      %dma_start3A_1366 = tpu.memref_slice %arg9[%dma_start3A_1364, %dma_start3A_1365] : memref<256x128xf32, #tpu.memory_space<vmem>> -> memref<32x128xf32, #tpu.memory_space<vmem>>
      %dma_start3A_1367 = arith.constant 0 : i32
      %dma_start3A_1368 = tpu.memref_slice %arg4[%dma_start3A_1367, %multiple_of3A_1358] : memref<32x1000000xf32, #tpu.memory_space<hbm>> -> memref<32x128xf32, #tpu.memory_space<hbm>>
      %dma_start3A_1369 = arith.constant 192 : i32
      %dma_start3A_1370 = arith.constant 0 : i32
      %dma_start3A_1371 = tpu.memref_slice %arg9[%dma_start3A_1369, %dma_start3A_1370] : memref<256x128xf32, #tpu.memory_space<vmem>> -> memref<32x128xf32, #tpu.memory_space<vmem>>
      %dma_start3A_1372 = arith.constant 0 : i32
      %dma_start3A_1373 = tpu.memref_slice %arg4[%dma_start3A_1372, %multiple_of3A_1358] : memref<32x1000000xf32, #tpu.memory_space<hbm>> -> memref<32x128xf32, #tpu.memory_space<hbm>>
      tpu.enqueue_dma source(%dma_start3A_1373 : memref<32x128xf32, #tpu.memory_space<hbm>>) target(%dma_start3A_1371 : memref<32x128xf32, #tpu.memory_space<vmem>>) target_semaphore(%arg14 : memref<!tpu.dma_semaphore, #tpu.memory_space<semaphore_mem>>)
      %dma_start3A_1374 = arith.constant 192 : i32
      %dma_start3A_1375 = arith.constant 0 : i32
      %dma_start3A_1376 = tpu.memref_slice %arg10[%dma_start3A_1374, %dma_start3A_1375] : memref<256x128xf32, #tpu.memory_space<vmem>> -> memref<32x128xf32, #tpu.memory_space<vmem>>
      %dma_start3A_1377 = arith.constant 0 : i32
      %dma_start3A_1378 = tpu.memref_slice %arg5[%dma_start3A_1377, %multiple_of3A_1363] : memref<32x1000000xf32, #tpu.memory_space<hbm>> -> memref<32x128xf32, #tpu.memory_space<hbm>>
      %dma_start3A_1379 = arith.constant 192 : i32
      %dma_start3A_1380 = arith.constant 0 : i32
      %dma_start3A_1381 = tpu.memref_slice %arg10[%dma_start3A_1379, %dma_start3A_1380] : memref<256x128xf32, #tpu.memory_space<vmem>> -> memref<32x128xf32, #tpu.memory_space<vmem>>
      %dma_start3A_1382 = arith.constant 0 : i32
      %dma_start3A_1383 = tpu.memref_slice %arg5[%dma_start3A_1382, %multiple_of3A_1363] : memref<32x1000000xf32, #tpu.memory_space<hbm>> -> memref<32x128xf32, #tpu.memory_space<hbm>>
      tpu.enqueue_dma source(%dma_start3A_1383 : memref<32x128xf32, #tpu.memory_space<hbm>>) target(%dma_start3A_1381 : memref<32x128xf32, #tpu.memory_space<vmem>>) target_semaphore(%arg16 : memref<!tpu.dma_semaphore, #tpu.memory_space<semaphore_mem>>)
      %slice3A_1384 = vector.extract_strided_slice %get3A_707 {offsets = [7], sizes = [1], strides = [1]} : vector<16xi32> to vector<1xi32>
      %squeeze3A_1385 = vector.extract %slice3A_1384[0] : i32 from vector<1xi32>
      %slice3A_1386 = vector.extract_strided_slice %get3A_709 {offsets = [7], sizes = [1], strides = [1]} : vector<16xi32> to vector<1xi32>
      %squeeze3A_1387 = vector.extract %slice3A_1386[0] : i32 from vector<1xi32>
      %shift_right_arithmetic3A_1388 = arith.constant 7 : i32
      %shift_right_arithmetic3A_1389 = arith.shrsi %squeeze3A_1385, %shift_right_arithmetic3A_1388 : i32
      %mul3A_1390 = arith.constant 128 : i32
      %mul3A_1391 = arith.muli %shift_right_arithmetic3A_1389, %mul3A_1390 : i32
      %multiple_of3A_1392 = tpu.assume_multiple %mul3A_1391, 128 : i32
      %shift_right_arithmetic3A_1393 = arith.constant 7 : i32
      %shift_right_arithmetic3A_1394 = arith.shrsi %squeeze3A_1387, %shift_right_arithmetic3A_1393 : i32
      %mul3A_1395 = arith.constant 128 : i32
      %mul3A_1396 = arith.muli %shift_right_arithmetic3A_1394, %mul3A_1395 : i32
      %multiple_of3A_1397 = tpu.assume_multiple %mul3A_1396, 128 : i32
      %dma_start3A_1398 = arith.constant 224 : i32
      %dma_start3A_1399 = arith.constant 0 : i32
      %dma_start3A_1400 = tpu.memref_slice %arg9[%dma_start3A_1398, %dma_start3A_1399] : memref<256x128xf32, #tpu.memory_space<vmem>> -> memref<32x128xf32, #tpu.memory_space<vmem>>
      %dma_start3A_1401 = arith.constant 0 : i32
      %dma_start3A_1402 = tpu.memref_slice %arg4[%dma_start3A_1401, %multiple_of3A_1392] : memref<32x1000000xf32, #tpu.memory_space<hbm>> -> memref<32x128xf32, #tpu.memory_space<hbm>>
      %dma_start3A_1403 = arith.constant 224 : i32
      %dma_start3A_1404 = arith.constant 0 : i32
      %dma_start3A_1405 = tpu.memref_slice %arg9[%dma_start3A_1403, %dma_start3A_1404] : memref<256x128xf32, #tpu.memory_space<vmem>> -> memref<32x128xf32, #tpu.memory_space<vmem>>
      %dma_start3A_1406 = arith.constant 0 : i32
      %dma_start3A_1407 = tpu.memref_slice %arg4[%dma_start3A_1406, %multiple_of3A_1392] : memref<32x1000000xf32, #tpu.memory_space<hbm>> -> memref<32x128xf32, #tpu.memory_space<hbm>>
      tpu.enqueue_dma source(%dma_start3A_1407 : memref<32x128xf32, #tpu.memory_space<hbm>>) target(%dma_start3A_1405 : memref<32x128xf32, #tpu.memory_space<vmem>>) target_semaphore(%arg14 : memref<!tpu.dma_semaphore, #tpu.memory_space<semaphore_mem>>)
      %dma_start3A_1408 = arith.constant 224 : i32
      %dma_start3A_1409 = arith.constant 0 : i32
      %dma_start3A_1410 = tpu.memref_slice %arg10[%dma_start3A_1408, %dma_start3A_1409] : memref<256x128xf32, #tpu.memory_space<vmem>> -> memref<32x128xf32, #tpu.memory_space<vmem>>
      %dma_start3A_1411 = arith.constant 0 : i32
      %dma_start3A_1412 = tpu.memref_slice %arg5[%dma_start3A_1411, %multiple_of3A_1397] : memref<32x1000000xf32, #tpu.memory_space<hbm>> -> memref<32x128xf32, #tpu.memory_space<hbm>>
      %dma_start3A_1413 = arith.constant 224 : i32
      %dma_start3A_1414 = arith.constant 0 : i32
      %dma_start3A_1415 = tpu.memref_slice %arg10[%dma_start3A_1413, %dma_start3A_1414] : memref<256x128xf32, #tpu.memory_space<vmem>> -> memref<32x128xf32, #tpu.memory_space<vmem>>
      %dma_start3A_1416 = arith.constant 0 : i32
      %dma_start3A_1417 = tpu.memref_slice %arg5[%dma_start3A_1416, %multiple_of3A_1397] : memref<32x1000000xf32, #tpu.memory_space<hbm>> -> memref<32x128xf32, #tpu.memory_space<hbm>>
      tpu.enqueue_dma source(%dma_start3A_1417 : memref<32x128xf32, #tpu.memory_space<hbm>>) target(%dma_start3A_1415 : memref<32x128xf32, #tpu.memory_space<vmem>>) target_semaphore(%arg16 : memref<!tpu.dma_semaphore, #tpu.memory_space<semaphore_mem>>)
    }
    %scan3A_278 = arith.constant 63 : i32
    %multiple_of3A_279 = arith.constant 504 : i32
    %multiple_of3A_280 = tpu.assume_multiple %multiple_of3A_279, 8 : i32
    %get3A_281 = arith.index_cast %multiple_of3A_280 : i32 to index
    %get3A_282 = tpu.vector_load %arg7[%get3A_281] {strides = array<i32>} : memref<528xi32, #tpu.memory_space<vmem>>, vector<16xi32>,
    %get3A_283 = arith.index_cast %multiple_of3A_280 : i32 to index
    %get3A_284 = tpu.vector_load %arg8[%get3A_283] {strides = array<i32>} : memref<528xi32, #tpu.memory_space<vmem>>, vector<16xi32>,
    %dma_wait3A = arith.constant 0 : i32
    %dma_wait3A_285 = arith.constant 0 : i32
    %dma_wait3A_286 = tpu.memref_slice %arg9[%dma_wait3A, %dma_wait3A_285] : memref<256x128xf32, #tpu.memory_space<vmem>> -> memref<32x128xf32, #tpu.memory_space<vmem>>
    %dma_wait3A_287 = arith.constant 0 : i32
    %dma_wait3A_288 = arith.constant 0 : i32
    %dma_wait3A_289 = tpu.memref_slice %arg4[%dma_wait3A_287, %dma_wait3A_288] : memref<32x1000000xf32, #tpu.memory_space<hbm>> -> memref<32x128xf32, #tpu.memory_space<hbm>>
    %dma_wait3A_290 = arith.constant 0 : i32
    %dma_wait3A_291 = arith.constant 0 : i32
    %dma_wait3A_292 = tpu.memref_slice %arg9[%dma_wait3A_290, %dma_wait3A_291] : memref<256x128xf32, #tpu.memory_space<vmem>> -> memref<32x128xf32, #tpu.memory_space<vmem>>
    %dma_wait3A_293 = arith.constant 0 : i32
    %dma_wait3A_294 = arith.constant 0 : i32
    %dma_wait3A_295 = tpu.memref_slice %arg4[%dma_wait3A_293, %dma_wait3A_294] : memref<32x1000000xf32, #tpu.memory_space<hbm>> -> memref<32x128xf32, #tpu.memory_space<hbm>>
    tpu.wait_dma2 semaphore(%arg13 : memref<!tpu.dma_semaphore, #tpu.memory_space<semaphore_mem>>) src(%dma_wait3A_295 : memref<32x128xf32, #tpu.memory_space<hbm>>) dst(%dma_wait3A_292 : memref<32x128xf32, #tpu.memory_space<vmem>>)
    %dma_wait3A_296 = arith.constant 0 : i32
    %dma_wait3A_297 = arith.constant 0 : i32
    %dma_wait3A_298 = tpu.memref_slice %arg10[%dma_wait3A_296, %dma_wait3A_297] : memref<256x128xf32, #tpu.memory_space<vmem>> -> memref<32x128xf32, #tpu.memory_space<vmem>>
    %dma_wait3A_299 = arith.constant 0 : i32
    %dma_wait3A_300 = arith.constant 0 : i32
    %dma_wait3A_301 = tpu.memref_slice %arg5[%dma_wait3A_299, %dma_wait3A_300] : memref<32x1000000xf32, #tpu.memory_space<hbm>> -> memref<32x128xf32, #tpu.memory_space<hbm>>
    %dma_wait3A_302 = arith.constant 0 : i32
    %dma_wait3A_303 = arith.constant 0 : i32
    %dma_wait3A_304 = tpu.memref_slice %arg10[%dma_wait3A_302, %dma_wait3A_303] : memref<256x128xf32, #tpu.memory_space<vmem>> -> memref<32x128xf32, #tpu.memory_space<vmem>>
    %dma_wait3A_305 = arith.constant 0 : i32
    %dma_wait3A_306 = arith.constant 0 : i32
    %dma_wait3A_307 = tpu.memref_slice %arg5[%dma_wait3A_305, %dma_wait3A_306] : memref<32x1000000xf32, #tpu.memory_space<hbm>> -> memref<32x128xf32, #tpu.memory_space<hbm>>
    tpu.wait_dma2 semaphore(%arg15 : memref<!tpu.dma_semaphore, #tpu.memory_space<semaphore_mem>>) src(%dma_wait3A_307 : memref<32x128xf32, #tpu.memory_space<hbm>>) dst(%dma_wait3A_304 : memref<32x128xf32, #tpu.memory_space<vmem>>)
    %dma_wait3A_308 = arith.constant 32 : i32
    %dma_wait3A_309 = arith.constant 0 : i32
    %dma_wait3A_310 = tpu.memref_slice %arg9[%dma_wait3A_308, %dma_wait3A_309] : memref<256x128xf32, #tpu.memory_space<vmem>> -> memref<32x128xf32, #tpu.memory_space<vmem>>
    %dma_wait3A_311 = arith.constant 0 : i32
    %dma_wait3A_312 = arith.constant 0 : i32
    %dma_wait3A_313 = tpu.memref_slice %arg4[%dma_wait3A_311, %dma_wait3A_312] : memref<32x1000000xf32, #tpu.memory_space<hbm>> -> memref<32x128xf32, #tpu.memory_space<hbm>>
    %dma_wait3A_314 = arith.constant 32 : i32
    %dma_wait3A_315 = arith.constant 0 : i32
    %dma_wait3A_316 = tpu.memref_slice %arg9[%dma_wait3A_314, %dma_wait3A_315] : memref<256x128xf32, #tpu.memory_space<vmem>> -> memref<32x128xf32, #tpu.memory_space<vmem>>
    %dma_wait3A_317 = arith.constant 0 : i32
    %dma_wait3A_318 = arith.constant 0 : i32
    %dma_wait3A_319 = tpu.memref_slice %arg4[%dma_wait3A_317, %dma_wait3A_318] : memref<32x1000000xf32, #tpu.memory_space<hbm>> -> memref<32x128xf32, #tpu.memory_space<hbm>>
    tpu.wait_dma2 semaphore(%arg13 : memref<!tpu.dma_semaphore, #tpu.memory_space<semaphore_mem>>) src(%dma_wait3A_319 : memref<32x128xf32, #tpu.memory_space<hbm>>) dst(%dma_wait3A_316 : memref<32x128xf32, #tpu.memory_space<vmem>>)
    %dma_wait3A_320 = arith.constant 32 : i32
    %dma_wait3A_321 = arith.constant 0 : i32
    %dma_wait3A_322 = tpu.memref_slice %arg10[%dma_wait3A_320, %dma_wait3A_321] : memref<256x128xf32, #tpu.memory_space<vmem>> -> memref<32x128xf32, #tpu.memory_space<vmem>>
    %dma_wait3A_323 = arith.constant 0 : i32
    %dma_wait3A_324 = arith.constant 0 : i32
    %dma_wait3A_325 = tpu.memref_slice %arg5[%dma_wait3A_323, %dma_wait3A_324] : memref<32x1000000xf32, #tpu.memory_space<hbm>> -> memref<32x128xf32, #tpu.memory_space<hbm>>
    %dma_wait3A_326 = arith.constant 32 : i32
    %dma_wait3A_327 = arith.constant 0 : i32
    %dma_wait3A_328 = tpu.memref_slice %arg10[%dma_wait3A_326, %dma_wait3A_327] : memref<256x128xf32, #tpu.memory_space<vmem>> -> memref<32x128xf32, #tpu.memory_space<vmem>>
    %dma_wait3A_329 = arith.constant 0 : i32
    %dma_wait3A_330 = arith.constant 0 : i32
    %dma_wait3A_331 = tpu.memref_slice %arg5[%dma_wait3A_329, %dma_wait3A_330] : memref<32x1000000xf32, #tpu.memory_space<hbm>> -> memref<32x128xf32, #tpu.memory_space<hbm>>
    tpu.wait_dma2 semaphore(%arg15 : memref<!tpu.dma_semaphore, #tpu.memory_space<semaphore_mem>>) src(%dma_wait3A_331 : memref<32x128xf32, #tpu.memory_space<hbm>>) dst(%dma_wait3A_328 : memref<32x128xf32, #tpu.memory_space<vmem>>)
    %dma_wait3A_332 = arith.constant 64 : i32
    %dma_wait3A_333 = arith.constant 0 : i32
    %dma_wait3A_334 = tpu.memref_slice %arg9[%dma_wait3A_332, %dma_wait3A_333] : memref<256x128xf32, #tpu.memory_space<vmem>> -> memref<32x128xf32, #tpu.memory_space<vmem>>
    %dma_wait3A_335 = arith.constant 0 : i32
    %dma_wait3A_336 = arith.constant 0 : i32
    %dma_wait3A_337 = tpu.memref_slice %arg4[%dma_wait3A_335, %dma_wait3A_336] : memref<32x1000000xf32, #tpu.memory_space<hbm>> -> memref<32x128xf32, #tpu.memory_space<hbm>>
    %dma_wait3A_338 = arith.constant 64 : i32
    %dma_wait3A_339 = arith.constant 0 : i32
    %dma_wait3A_340 = tpu.memref_slice %arg9[%dma_wait3A_338, %dma_wait3A_339] : memref<256x128xf32, #tpu.memory_space<vmem>> -> memref<32x128xf32, #tpu.memory_space<vmem>>
    %dma_wait3A_341 = arith.constant 0 : i32
    %dma_wait3A_342 = arith.constant 0 : i32
    %dma_wait3A_343 = tpu.memref_slice %arg4[%dma_wait3A_341, %dma_wait3A_342] : memref<32x1000000xf32, #tpu.memory_space<hbm>> -> memref<32x128xf32, #tpu.memory_space<hbm>>
    tpu.wait_dma2 semaphore(%arg13 : memref<!tpu.dma_semaphore, #tpu.memory_space<semaphore_mem>>) src(%dma_wait3A_343 : memref<32x128xf32, #tpu.memory_space<hbm>>) dst(%dma_wait3A_340 : memref<32x128xf32, #tpu.memory_space<vmem>>)
    %dma_wait3A_344 = arith.constant 64 : i32
    %dma_wait3A_345 = arith.constant 0 : i32
    %dma_wait3A_346 = tpu.memref_slice %arg10[%dma_wait3A_344, %dma_wait3A_345] : memref<256x128xf32, #tpu.memory_space<vmem>> -> memref<32x128xf32, #tpu.memory_space<vmem>>
    %dma_wait3A_347 = arith.constant 0 : i32
    %dma_wait3A_348 = arith.constant 0 : i32
    %dma_wait3A_349 = tpu.memref_slice %arg5[%dma_wait3A_347, %dma_wait3A_348] : memref<32x1000000xf32, #tpu.memory_space<hbm>> -> memref<32x128xf32, #tpu.memory_space<hbm>>
    %dma_wait3A_350 = arith.constant 64 : i32
    %dma_wait3A_351 = arith.constant 0 : i32
    %dma_wait3A_352 = tpu.memref_slice %arg10[%dma_wait3A_350, %dma_wait3A_351] : memref<256x128xf32, #tpu.memory_space<vmem>> -> memref<32x128xf32, #tpu.memory_space<vmem>>
    %dma_wait3A_353 = arith.constant 0 : i32
    %dma_wait3A_354 = arith.constant 0 : i32
    %dma_wait3A_355 = tpu.memref_slice %arg5[%dma_wait3A_353, %dma_wait3A_354] : memref<32x1000000xf32, #tpu.memory_space<hbm>> -> memref<32x128xf32, #tpu.memory_space<hbm>>
    tpu.wait_dma2 semaphore(%arg15 : memref<!tpu.dma_semaphore, #tpu.memory_space<semaphore_mem>>) src(%dma_wait3A_355 : memref<32x128xf32, #tpu.memory_space<hbm>>) dst(%dma_wait3A_352 : memref<32x128xf32, #tpu.memory_space<vmem>>)
    %dma_wait3A_356 = arith.constant 96 : i32
    %dma_wait3A_357 = arith.constant 0 : i32
    %dma_wait3A_358 = tpu.memref_slice %arg9[%dma_wait3A_356, %dma_wait3A_357] : memref<256x128xf32, #tpu.memory_space<vmem>> -> memref<32x128xf32, #tpu.memory_space<vmem>>
    %dma_wait3A_359 = arith.constant 0 : i32
    %dma_wait3A_360 = arith.constant 0 : i32
    %dma_wait3A_361 = tpu.memref_slice %arg4[%dma_wait3A_359, %dma_wait3A_360] : memref<32x1000000xf32, #tpu.memory_space<hbm>> -> memref<32x128xf32, #tpu.memory_space<hbm>>
    %dma_wait3A_362 = arith.constant 96 : i32
    %dma_wait3A_363 = arith.constant 0 : i32
    %dma_wait3A_364 = tpu.memref_slice %arg9[%dma_wait3A_362, %dma_wait3A_363] : memref<256x128xf32, #tpu.memory_space<vmem>> -> memref<32x128xf32, #tpu.memory_space<vmem>>
    %dma_wait3A_365 = arith.constant 0 : i32
    %dma_wait3A_366 = arith.constant 0 : i32
    %dma_wait3A_367 = tpu.memref_slice %arg4[%dma_wait3A_365, %dma_wait3A_366] : memref<32x1000000xf32, #tpu.memory_space<hbm>> -> memref<32x128xf32, #tpu.memory_space<hbm>>
    tpu.wait_dma2 semaphore(%arg13 : memref<!tpu.dma_semaphore, #tpu.memory_space<semaphore_mem>>) src(%dma_wait3A_367 : memref<32x128xf32, #tpu.memory_space<hbm>>) dst(%dma_wait3A_364 : memref<32x128xf32, #tpu.memory_space<vmem>>)
    %dma_wait3A_368 = arith.constant 96 : i32
    %dma_wait3A_369 = arith.constant 0 : i32
    %dma_wait3A_370 = tpu.memref_slice %arg10[%dma_wait3A_368, %dma_wait3A_369] : memref<256x128xf32, #tpu.memory_space<vmem>> -> memref<32x128xf32, #tpu.memory_space<vmem>>
    %dma_wait3A_371 = arith.constant 0 : i32
    %dma_wait3A_372 = arith.constant 0 : i32
    %dma_wait3A_373 = tpu.memref_slice %arg5[%dma_wait3A_371, %dma_wait3A_372] : memref<32x1000000xf32, #tpu.memory_space<hbm>> -> memref<32x128xf32, #tpu.memory_space<hbm>>
    %dma_wait3A_374 = arith.constant 96 : i32
    %dma_wait3A_375 = arith.constant 0 : i32
    %dma_wait3A_376 = tpu.memref_slice %arg10[%dma_wait3A_374, %dma_wait3A_375] : memref<256x128xf32, #tpu.memory_space<vmem>> -> memref<32x128xf32, #tpu.memory_space<vmem>>
    %dma_wait3A_377 = arith.constant 0 : i32
    %dma_wait3A_378 = arith.constant 0 : i32
    %dma_wait3A_379 = tpu.memref_slice %arg5[%dma_wait3A_377, %dma_wait3A_378] : memref<32x1000000xf32, #tpu.memory_space<hbm>> -> memref<32x128xf32, #tpu.memory_space<hbm>>
    tpu.wait_dma2 semaphore(%arg15 : memref<!tpu.dma_semaphore, #tpu.memory_space<semaphore_mem>>) src(%dma_wait3A_379 : memref<32x128xf32, #tpu.memory_space<hbm>>) dst(%dma_wait3A_376 : memref<32x128xf32, #tpu.memory_space<vmem>>)
    %slice3A_380 = vector.extract_strided_slice %get3A_282 {offsets = [0], sizes = [1], strides = [1]} : vector<16xi32> to vector<1xi32>
    %squeeze3A_381 = vector.extract %slice3A_380[0] : i32 from vector<1xi32>
    %and3A = arith.constant 127 : i32
    %and3A_382 = arith.andi %squeeze3A_381, %and3A : i32
    %broadcast_in_dim3A = vector.broadcast %and3A_382 : i32 to vector<16xi32>
    %slice3A_383 = vector.extract_strided_slice %get3A_284 {offsets = [0], sizes = [1], strides = [1]} : vector<16xi32> to vector<1xi32>
    %squeeze3A_384 = vector.extract %slice3A_383[0] : i32 from vector<1xi32>
    %and3A_385 = arith.constant 127 : i32
    %and3A_386 = arith.andi %squeeze3A_384, %and3A_385 : i32
    %broadcast_in_dim3A_387 = vector.broadcast %and3A_386 : i32 to vector<16xi32>
    %add3A_388 = arith.constant 0 : i32
    %add3A_389 = vector.broadcast %add3A_388 : i32 to vector<16xi32>
    %add3A_390 = arith.addi %iota3A, %add3A_389 : vector<16xi32>
    %add3A_391 = arith.constant 16 : i32
    %add3A_392 = vector.broadcast %add3A_391 : i32 to vector<16xi32>
    %add3A_393 = arith.addi %add3A_390, %add3A_392 : vector<16xi32>
    %gather3A = tpu.vector_load_idx %arg9[%add3A_390, %broadcast_in_dim3A] : memref<256x128xf32, #tpu.memory_space<vmem>>[vector<16xi32>, vector<16xi32>], vector<16xf32>,
    %gather3A_394 = tpu.vector_load_idx %arg9[%add3A_393, %broadcast_in_dim3A] : memref<256x128xf32, #tpu.memory_space<vmem>>[vector<16xi32>, vector<16xi32>], vector<16xf32>,
    %gather3A_395 = tpu.vector_load_idx %arg10[%add3A_390, %broadcast_in_dim3A_387] : memref<256x128xf32, #tpu.memory_space<vmem>>[vector<16xi32>, vector<16xi32>], vector<16xf32>,
    %gather3A_396 = tpu.vector_load_idx %arg10[%add3A_393, %broadcast_in_dim3A_387] : memref<256x128xf32, #tpu.memory_space<vmem>>[vector<16xi32>, vector<16xi32>], vector<16xf32>,
    %multiple_of3A_397 = arith.constant 8064 : i32
    %multiple_of3A_398 = tpu.assume_multiple %multiple_of3A_397, 8 : i32
    %mul3A_399 = arith.mulf %gather3A, %gather3A_395 : vector<16xf32>
    %mul3A_400 = arith.mulf %gather3A_394, %gather3A_396 : vector<16xf32>
    %add3A_401 = arith.addf %mul3A_399, %mul3A_400 : vector<16xf32>
    %swap3A = arith.index_cast %multiple_of3A_398 : i32 to index
    %swap3A_402 = tpu.vector_load %arg11[%swap3A] {strides = array<i32>} : memref<8192xf32, #tpu.memory_space<vmem>>, vector<16xf32>,
    tpu.vector_store %arg11[%swap3A], %add3A_401 {strides = array<i32>} : memref<8192xf32, #tpu.memory_space<vmem>>, vector<16xf32>,
    %slice3A_403 = vector.extract_strided_slice %get3A_282 {offsets = [1], sizes = [1], strides = [1]} : vector<16xi32> to vector<1xi32>
    %squeeze3A_404 = vector.extract %slice3A_403[0] : i32 from vector<1xi32>
    %and3A_405 = arith.constant 127 : i32
    %and3A_406 = arith.andi %squeeze3A_404, %and3A_405 : i32
    %broadcast_in_dim3A_407 = vector.broadcast %and3A_406 : i32 to vector<16xi32>
    %slice3A_408 = vector.extract_strided_slice %get3A_284 {offsets = [1], sizes = [1], strides = [1]} : vector<16xi32> to vector<1xi32>
    %squeeze3A_409 = vector.extract %slice3A_408[0] : i32 from vector<1xi32>
    %and3A_410 = arith.constant 127 : i32
    %and3A_411 = arith.andi %squeeze3A_409, %and3A_410 : i32
    %broadcast_in_dim3A_412 = vector.broadcast %and3A_411 : i32 to vector<16xi32>
    %add3A_413 = arith.constant 32 : i32
    %add3A_414 = vector.broadcast %add3A_413 : i32 to vector<16xi32>
    %add3A_415 = arith.addi %iota3A, %add3A_414 : vector<16xi32>
    %add3A_416 = arith.constant 16 : i32
    %add3A_417 = vector.broadcast %add3A_416 : i32 to vector<16xi32>
    %add3A_418 = arith.addi %add3A_415, %add3A_417 : vector<16xi32>
    %gather3A_419 = tpu.vector_load_idx %arg9[%add3A_415, %broadcast_in_dim3A_407] : memref<256x128xf32, #tpu.memory_space<vmem>>[vector<16xi32>, vector<16xi32>], vector<16xf32>,
    %gather3A_420 = tpu.vector_load_idx %arg9[%add3A_418, %broadcast_in_dim3A_407] : memref<256x128xf32, #tpu.memory_space<vmem>>[vector<16xi32>, vector<16xi32>], vector<16xf32>,
    %gather3A_421 = tpu.vector_load_idx %arg10[%add3A_415, %broadcast_in_dim3A_412] : memref<256x128xf32, #tpu.memory_space<vmem>>[vector<16xi32>, vector<16xi32>], vector<16xf32>,
    %gather3A_422 = tpu.vector_load_idx %arg10[%add3A_418, %broadcast_in_dim3A_412] : memref<256x128xf32, #tpu.memory_space<vmem>>[vector<16xi32>, vector<16xi32>], vector<16xf32>,
    %multiple_of3A_423 = arith.constant 8080 : i32
    %multiple_of3A_424 = tpu.assume_multiple %multiple_of3A_423, 8 : i32
    %mul3A_425 = arith.mulf %gather3A_419, %gather3A_421 : vector<16xf32>
    %mul3A_426 = arith.mulf %gather3A_420, %gather3A_422 : vector<16xf32>
    %add3A_427 = arith.addf %mul3A_425, %mul3A_426 : vector<16xf32>
    %swap3A_428 = arith.index_cast %multiple_of3A_424 : i32 to index
    %swap3A_429 = tpu.vector_load %arg11[%swap3A_428] {strides = array<i32>} : memref<8192xf32, #tpu.memory_space<vmem>>, vector<16xf32>,
    tpu.vector_store %arg11[%swap3A_428], %add3A_427 {strides = array<i32>} : memref<8192xf32, #tpu.memory_space<vmem>>, vector<16xf32>,
    %slice3A_430 = vector.extract_strided_slice %get3A_282 {offsets = [2], sizes = [1], strides = [1]} : vector<16xi32> to vector<1xi32>
    %squeeze3A_431 = vector.extract %slice3A_430[0] : i32 from vector<1xi32>
    %and3A_432 = arith.constant 127 : i32
    %and3A_433 = arith.andi %squeeze3A_431, %and3A_432 : i32
    %broadcast_in_dim3A_434 = vector.broadcast %and3A_433 : i32 to vector<16xi32>
    %slice3A_435 = vector.extract_strided_slice %get3A_284 {offsets = [2], sizes = [1], strides = [1]} : vector<16xi32> to vector<1xi32>
    %squeeze3A_436 = vector.extract %slice3A_435[0] : i32 from vector<1xi32>
    %and3A_437 = arith.constant 127 : i32
    %and3A_438 = arith.andi %squeeze3A_436, %and3A_437 : i32
    %broadcast_in_dim3A_439 = vector.broadcast %and3A_438 : i32 to vector<16xi32>
    %add3A_440 = arith.constant 64 : i32
    %add3A_441 = vector.broadcast %add3A_440 : i32 to vector<16xi32>
    %add3A_442 = arith.addi %iota3A, %add3A_441 : vector<16xi32>
    %add3A_443 = arith.constant 16 : i32
    %add3A_444 = vector.broadcast %add3A_443 : i32 to vector<16xi32>
    %add3A_445 = arith.addi %add3A_442, %add3A_444 : vector<16xi32>
    %gather3A_446 = tpu.vector_load_idx %arg9[%add3A_442, %broadcast_in_dim3A_434] : memref<256x128xf32, #tpu.memory_space<vmem>>[vector<16xi32>, vector<16xi32>], vector<16xf32>,
    %gather3A_447 = tpu.vector_load_idx %arg9[%add3A_445, %broadcast_in_dim3A_434] : memref<256x128xf32, #tpu.memory_space<vmem>>[vector<16xi32>, vector<16xi32>], vector<16xf32>,
    %gather3A_448 = tpu.vector_load_idx %arg10[%add3A_442, %broadcast_in_dim3A_439] : memref<256x128xf32, #tpu.memory_space<vmem>>[vector<16xi32>, vector<16xi32>], vector<16xf32>,
    %gather3A_449 = tpu.vector_load_idx %arg10[%add3A_445, %broadcast_in_dim3A_439] : memref<256x128xf32, #tpu.memory_space<vmem>>[vector<16xi32>, vector<16xi32>], vector<16xf32>,
    %multiple_of3A_450 = arith.constant 8096 : i32
    %multiple_of3A_451 = tpu.assume_multiple %multiple_of3A_450, 8 : i32
    %mul3A_452 = arith.mulf %gather3A_446, %gather3A_448 : vector<16xf32>
    %mul3A_453 = arith.mulf %gather3A_447, %gather3A_449 : vector<16xf32>
    %add3A_454 = arith.addf %mul3A_452, %mul3A_453 : vector<16xf32>
    %swap3A_455 = arith.index_cast %multiple_of3A_451 : i32 to index
    %swap3A_456 = tpu.vector_load %arg11[%swap3A_455] {strides = array<i32>} : memref<8192xf32, #tpu.memory_space<vmem>>, vector<16xf32>,
    tpu.vector_store %arg11[%swap3A_455], %add3A_454 {strides = array<i32>} : memref<8192xf32, #tpu.memory_space<vmem>>, vector<16xf32>,
    %slice3A_457 = vector.extract_strided_slice %get3A_282 {offsets = [3], sizes = [1], strides = [1]} : vector<16xi32> to vector<1xi32>
    %squeeze3A_458 = vector.extract %slice3A_457[0] : i32 from vector<1xi32>
    %and3A_459 = arith.constant 127 : i32
    %and3A_460 = arith.andi %squeeze3A_458, %and3A_459 : i32
    %broadcast_in_dim3A_461 = vector.broadcast %and3A_460 : i32 to vector<16xi32>
    %slice3A_462 = vector.extract_strided_slice %get3A_284 {offsets = [3], sizes = [1], strides = [1]} : vector<16xi32> to vector<1xi32>
    %squeeze3A_463 = vector.extract %slice3A_462[0] : i32 from vector<1xi32>
    %and3A_464 = arith.constant 127 : i32
    %and3A_465 = arith.andi %squeeze3A_463, %and3A_464 : i32
    %broadcast_in_dim3A_466 = vector.broadcast %and3A_465 : i32 to vector<16xi32>
    %add3A_467 = arith.constant 96 : i32
    %add3A_468 = vector.broadcast %add3A_467 : i32 to vector<16xi32>
    %add3A_469 = arith.addi %iota3A, %add3A_468 : vector<16xi32>
    %add3A_470 = arith.constant 16 : i32
    %add3A_471 = vector.broadcast %add3A_470 : i32 to vector<16xi32>
    %add3A_472 = arith.addi %add3A_469, %add3A_471 : vector<16xi32>
    %gather3A_473 = tpu.vector_load_idx %arg9[%add3A_469, %broadcast_in_dim3A_461] : memref<256x128xf32, #tpu.memory_space<vmem>>[vector<16xi32>, vector<16xi32>], vector<16xf32>,
    %gather3A_474 = tpu.vector_load_idx %arg9[%add3A_472, %broadcast_in_dim3A_461] : memref<256x128xf32, #tpu.memory_space<vmem>>[vector<16xi32>, vector<16xi32>], vector<16xf32>,
    %gather3A_475 = tpu.vector_load_idx %arg10[%add3A_469, %broadcast_in_dim3A_466] : memref<256x128xf32, #tpu.memory_space<vmem>>[vector<16xi32>, vector<16xi32>], vector<16xf32>,
    %gather3A_476 = tpu.vector_load_idx %arg10[%add3A_472, %broadcast_in_dim3A_466] : memref<256x128xf32, #tpu.memory_space<vmem>>[vector<16xi32>, vector<16xi32>], vector<16xf32>,
    %multiple_of3A_477 = arith.constant 8112 : i32
    %multiple_of3A_478 = tpu.assume_multiple %multiple_of3A_477, 8 : i32
    %mul3A_479 = arith.mulf %gather3A_473, %gather3A_475 : vector<16xf32>
    %mul3A_480 = arith.mulf %gather3A_474, %gather3A_476 : vector<16xf32>
    %add3A_481 = arith.addf %mul3A_479, %mul3A_480 : vector<16xf32>
    %swap3A_482 = arith.index_cast %multiple_of3A_478 : i32 to index
    %swap3A_483 = tpu.vector_load %arg11[%swap3A_482] {strides = array<i32>} : memref<8192xf32, #tpu.memory_space<vmem>>, vector<16xf32>,
    tpu.vector_store %arg11[%swap3A_482], %add3A_481 {strides = array<i32>} : memref<8192xf32, #tpu.memory_space<vmem>>, vector<16xf32>,
    %dma_wait3A_484 = arith.constant 128 : i32
    %dma_wait3A_485 = arith.constant 0 : i32
    %dma_wait3A_486 = tpu.memref_slice %arg9[%dma_wait3A_484, %dma_wait3A_485] : memref<256x128xf32, #tpu.memory_space<vmem>> -> memref<32x128xf32, #tpu.memory_space<vmem>>
    %dma_wait3A_487 = arith.constant 0 : i32
    %dma_wait3A_488 = arith.constant 0 : i32
    %dma_wait3A_489 = tpu.memref_slice %arg4[%dma_wait3A_487, %dma_wait3A_488] : memref<32x1000000xf32, #tpu.memory_space<hbm>> -> memref<32x128xf32, #tpu.memory_space<hbm>>
    %dma_wait3A_490 = arith.constant 128 : i32
    %dma_wait3A_491 = arith.constant 0 : i32
    %dma_wait3A_492 = tpu.memref_slice %arg9[%dma_wait3A_490, %dma_wait3A_491] : memref<256x128xf32, #tpu.memory_space<vmem>> -> memref<32x128xf32, #tpu.memory_space<vmem>>
    %dma_wait3A_493 = arith.constant 0 : i32
    %dma_wait3A_494 = arith.constant 0 : i32
    %dma_wait3A_495 = tpu.memref_slice %arg4[%dma_wait3A_493, %dma_wait3A_494] : memref<32x1000000xf32, #tpu.memory_space<hbm>> -> memref<32x128xf32, #tpu.memory_space<hbm>>
    tpu.wait_dma2 semaphore(%arg14 : memref<!tpu.dma_semaphore, #tpu.memory_space<semaphore_mem>>) src(%dma_wait3A_495 : memref<32x128xf32, #tpu.memory_space<hbm>>) dst(%dma_wait3A_492 : memref<32x128xf32, #tpu.memory_space<vmem>>)
    %dma_wait3A_496 = arith.constant 128 : i32
    %dma_wait3A_497 = arith.constant 0 : i32
    %dma_wait3A_498 = tpu.memref_slice %arg10[%dma_wait3A_496, %dma_wait3A_497] : memref<256x128xf32, #tpu.memory_space<vmem>> -> memref<32x128xf32, #tpu.memory_space<vmem>>
    %dma_wait3A_499 = arith.constant 0 : i32
    %dma_wait3A_500 = arith.constant 0 : i32
    %dma_wait3A_501 = tpu.memref_slice %arg5[%dma_wait3A_499, %dma_wait3A_500] : memref<32x1000000xf32, #tpu.memory_space<hbm>> -> memref<32x128xf32, #tpu.memory_space<hbm>>
    %dma_wait3A_502 = arith.constant 128 : i32
    %dma_wait3A_503 = arith.constant 0 : i32
    %dma_wait3A_504 = tpu.memref_slice %arg10[%dma_wait3A_502, %dma_wait3A_503] : memref<256x128xf32, #tpu.memory_space<vmem>> -> memref<32x128xf32, #tpu.memory_space<vmem>>
    %dma_wait3A_505 = arith.constant 0 : i32
    %dma_wait3A_506 = arith.constant 0 : i32
    %dma_wait3A_507 = tpu.memref_slice %arg5[%dma_wait3A_505, %dma_wait3A_506] : memref<32x1000000xf32, #tpu.memory_space<hbm>> -> memref<32x128xf32, #tpu.memory_space<hbm>>
    tpu.wait_dma2 semaphore(%arg16 : memref<!tpu.dma_semaphore, #tpu.memory_space<semaphore_mem>>) src(%dma_wait3A_507 : memref<32x128xf32, #tpu.memory_space<hbm>>) dst(%dma_wait3A_504 : memref<32x128xf32, #tpu.memory_space<vmem>>)
    %dma_wait3A_508 = arith.constant 160 : i32
    %dma_wait3A_509 = arith.constant 0 : i32
    %dma_wait3A_510 = tpu.memref_slice %arg9[%dma_wait3A_508, %dma_wait3A_509] : memref<256x128xf32, #tpu.memory_space<vmem>> -> memref<32x128xf32, #tpu.memory_space<vmem>>
    %dma_wait3A_511 = arith.constant 0 : i32
    %dma_wait3A_512 = arith.constant 0 : i32
    %dma_wait3A_513 = tpu.memref_slice %arg4[%dma_wait3A_511, %dma_wait3A_512] : memref<32x1000000xf32, #tpu.memory_space<hbm>> -> memref<32x128xf32, #tpu.memory_space<hbm>>
    %dma_wait3A_514 = arith.constant 160 : i32
    %dma_wait3A_515 = arith.constant 0 : i32
    %dma_wait3A_516 = tpu.memref_slice %arg9[%dma_wait3A_514, %dma_wait3A_515] : memref<256x128xf32, #tpu.memory_space<vmem>> -> memref<32x128xf32, #tpu.memory_space<vmem>>
    %dma_wait3A_517 = arith.constant 0 : i32
    %dma_wait3A_518 = arith.constant 0 : i32
    %dma_wait3A_519 = tpu.memref_slice %arg4[%dma_wait3A_517, %dma_wait3A_518] : memref<32x1000000xf32, #tpu.memory_space<hbm>> -> memref<32x128xf32, #tpu.memory_space<hbm>>
    tpu.wait_dma2 semaphore(%arg14 : memref<!tpu.dma_semaphore, #tpu.memory_space<semaphore_mem>>) src(%dma_wait3A_519 : memref<32x128xf32, #tpu.memory_space<hbm>>) dst(%dma_wait3A_516 : memref<32x128xf32, #tpu.memory_space<vmem>>)
    %dma_wait3A_520 = arith.constant 160 : i32
    %dma_wait3A_521 = arith.constant 0 : i32
    %dma_wait3A_522 = tpu.memref_slice %arg10[%dma_wait3A_520, %dma_wait3A_521] : memref<256x128xf32, #tpu.memory_space<vmem>> -> memref<32x128xf32, #tpu.memory_space<vmem>>
    %dma_wait3A_523 = arith.constant 0 : i32
    %dma_wait3A_524 = arith.constant 0 : i32
    %dma_wait3A_525 = tpu.memref_slice %arg5[%dma_wait3A_523, %dma_wait3A_524] : memref<32x1000000xf32, #tpu.memory_space<hbm>> -> memref<32x128xf32, #tpu.memory_space<hbm>>
    %dma_wait3A_526 = arith.constant 160 : i32
    %dma_wait3A_527 = arith.constant 0 : i32
    %dma_wait3A_528 = tpu.memref_slice %arg10[%dma_wait3A_526, %dma_wait3A_527] : memref<256x128xf32, #tpu.memory_space<vmem>> -> memref<32x128xf32, #tpu.memory_space<vmem>>
    %dma_wait3A_529 = arith.constant 0 : i32
    %dma_wait3A_530 = arith.constant 0 : i32
    %dma_wait3A_531 = tpu.memref_slice %arg5[%dma_wait3A_529, %dma_wait3A_530] : memref<32x1000000xf32, #tpu.memory_space<hbm>> -> memref<32x128xf32, #tpu.memory_space<hbm>>
    tpu.wait_dma2 semaphore(%arg16 : memref<!tpu.dma_semaphore, #tpu.memory_space<semaphore_mem>>) src(%dma_wait3A_531 : memref<32x128xf32, #tpu.memory_space<hbm>>) dst(%dma_wait3A_528 : memref<32x128xf32, #tpu.memory_space<vmem>>)
    %dma_wait3A_532 = arith.constant 192 : i32
    %dma_wait3A_533 = arith.constant 0 : i32
    %dma_wait3A_534 = tpu.memref_slice %arg9[%dma_wait3A_532, %dma_wait3A_533] : memref<256x128xf32, #tpu.memory_space<vmem>> -> memref<32x128xf32, #tpu.memory_space<vmem>>
    %dma_wait3A_535 = arith.constant 0 : i32
    %dma_wait3A_536 = arith.constant 0 : i32
    %dma_wait3A_537 = tpu.memref_slice %arg4[%dma_wait3A_535, %dma_wait3A_536] : memref<32x1000000xf32, #tpu.memory_space<hbm>> -> memref<32x128xf32, #tpu.memory_space<hbm>>
    %dma_wait3A_538 = arith.constant 192 : i32
    %dma_wait3A_539 = arith.constant 0 : i32
    %dma_wait3A_540 = tpu.memref_slice %arg9[%dma_wait3A_538, %dma_wait3A_539] : memref<256x128xf32, #tpu.memory_space<vmem>> -> memref<32x128xf32, #tpu.memory_space<vmem>>
    %dma_wait3A_541 = arith.constant 0 : i32
    %dma_wait3A_542 = arith.constant 0 : i32
    %dma_wait3A_543 = tpu.memref_slice %arg4[%dma_wait3A_541, %dma_wait3A_542] : memref<32x1000000xf32, #tpu.memory_space<hbm>> -> memref<32x128xf32, #tpu.memory_space<hbm>>
    tpu.wait_dma2 semaphore(%arg14 : memref<!tpu.dma_semaphore, #tpu.memory_space<semaphore_mem>>) src(%dma_wait3A_543 : memref<32x128xf32, #tpu.memory_space<hbm>>) dst(%dma_wait3A_540 : memref<32x128xf32, #tpu.memory_space<vmem>>)
    %dma_wait3A_544 = arith.constant 192 : i32
    %dma_wait3A_545 = arith.constant 0 : i32
    %dma_wait3A_546 = tpu.memref_slice %arg10[%dma_wait3A_544, %dma_wait3A_545] : memref<256x128xf32, #tpu.memory_space<vmem>> -> memref<32x128xf32, #tpu.memory_space<vmem>>
    %dma_wait3A_547 = arith.constant 0 : i32
    %dma_wait3A_548 = arith.constant 0 : i32
    %dma_wait3A_549 = tpu.memref_slice %arg5[%dma_wait3A_547, %dma_wait3A_548] : memref<32x1000000xf32, #tpu.memory_space<hbm>> -> memref<32x128xf32, #tpu.memory_space<hbm>>
    %dma_wait3A_550 = arith.constant 192 : i32
    %dma_wait3A_551 = arith.constant 0 : i32
    %dma_wait3A_552 = tpu.memref_slice %arg10[%dma_wait3A_550, %dma_wait3A_551] : memref<256x128xf32, #tpu.memory_space<vmem>> -> memref<32x128xf32, #tpu.memory_space<vmem>>
    %dma_wait3A_553 = arith.constant 0 : i32
    %dma_wait3A_554 = arith.constant 0 : i32
    %dma_wait3A_555 = tpu.memref_slice %arg5[%dma_wait3A_553, %dma_wait3A_554] : memref<32x1000000xf32, #tpu.memory_space<hbm>> -> memref<32x128xf32, #tpu.memory_space<hbm>>
    tpu.wait_dma2 semaphore(%arg16 : memref<!tpu.dma_semaphore, #tpu.memory_space<semaphore_mem>>) src(%dma_wait3A_555 : memref<32x128xf32, #tpu.memory_space<hbm>>) dst(%dma_wait3A_552 : memref<32x128xf32, #tpu.memory_space<vmem>>)
    %dma_wait3A_556 = arith.constant 224 : i32
    %dma_wait3A_557 = arith.constant 0 : i32
    %dma_wait3A_558 = tpu.memref_slice %arg9[%dma_wait3A_556, %dma_wait3A_557] : memref<256x128xf32, #tpu.memory_space<vmem>> -> memref<32x128xf32, #tpu.memory_space<vmem>>
    %dma_wait3A_559 = arith.constant 0 : i32
    %dma_wait3A_560 = arith.constant 0 : i32
    %dma_wait3A_561 = tpu.memref_slice %arg4[%dma_wait3A_559, %dma_wait3A_560] : memref<32x1000000xf32, #tpu.memory_space<hbm>> -> memref<32x128xf32, #tpu.memory_space<hbm>>
    %dma_wait3A_562 = arith.constant 224 : i32
    %dma_wait3A_563 = arith.constant 0 : i32
    %dma_wait3A_564 = tpu.memref_slice %arg9[%dma_wait3A_562, %dma_wait3A_563] : memref<256x128xf32, #tpu.memory_space<vmem>> -> memref<32x128xf32, #tpu.memory_space<vmem>>
    %dma_wait3A_565 = arith.constant 0 : i32
    %dma_wait3A_566 = arith.constant 0 : i32
    %dma_wait3A_567 = tpu.memref_slice %arg4[%dma_wait3A_565, %dma_wait3A_566] : memref<32x1000000xf32, #tpu.memory_space<hbm>> -> memref<32x128xf32, #tpu.memory_space<hbm>>
    tpu.wait_dma2 semaphore(%arg14 : memref<!tpu.dma_semaphore, #tpu.memory_space<semaphore_mem>>) src(%dma_wait3A_567 : memref<32x128xf32, #tpu.memory_space<hbm>>) dst(%dma_wait3A_564 : memref<32x128xf32, #tpu.memory_space<vmem>>)
    %dma_wait3A_568 = arith.constant 224 : i32
    %dma_wait3A_569 = arith.constant 0 : i32
    %dma_wait3A_570 = tpu.memref_slice %arg10[%dma_wait3A_568, %dma_wait3A_569] : memref<256x128xf32, #tpu.memory_space<vmem>> -> memref<32x128xf32, #tpu.memory_space<vmem>>
    %dma_wait3A_571 = arith.constant 0 : i32
    %dma_wait3A_572 = arith.constant 0 : i32
    %dma_wait3A_573 = tpu.memref_slice %arg5[%dma_wait3A_571, %dma_wait3A_572] : memref<32x1000000xf32, #tpu.memory_space<hbm>> -> memref<32x128xf32, #tpu.memory_space<hbm>>
    %dma_wait3A_574 = arith.constant 224 : i32
    %dma_wait3A_575 = arith.constant 0 : i32
    %dma_wait3A_576 = tpu.memref_slice %arg10[%dma_wait3A_574, %dma_wait3A_575] : memref<256x128xf32, #tpu.memory_space<vmem>> -> memref<32x128xf32, #tpu.memory_space<vmem>>
    %dma_wait3A_577 = arith.constant 0 : i32
    %dma_wait3A_578 = arith.constant 0 : i32
    %dma_wait3A_579 = tpu.memref_slice %arg5[%dma_wait3A_577, %dma_wait3A_578] : memref<32x1000000xf32, #tpu.memory_space<hbm>> -> memref<32x128xf32, #tpu.memory_space<hbm>>
    tpu.wait_dma2 semaphore(%arg16 : memref<!tpu.dma_semaphore, #tpu.memory_space<semaphore_mem>>) src(%dma_wait3A_579 : memref<32x128xf32, #tpu.memory_space<hbm>>) dst(%dma_wait3A_576 : memref<32x128xf32, #tpu.memory_space<vmem>>)
    %slice3A_580 = vector.extract_strided_slice %get3A_282 {offsets = [4], sizes = [1], strides = [1]} : vector<16xi32> to vector<1xi32>
    %squeeze3A_581 = vector.extract %slice3A_580[0] : i32 from vector<1xi32>
    %and3A_582 = arith.constant 127 : i32
    %and3A_583 = arith.andi %squeeze3A_581, %and3A_582 : i32
    %broadcast_in_dim3A_584 = vector.broadcast %and3A_583 : i32 to vector<16xi32>
    %slice3A_585 = vector.extract_strided_slice %get3A_284 {offsets = [4], sizes = [1], strides = [1]} : vector<16xi32> to vector<1xi32>
    %squeeze3A_586 = vector.extract %slice3A_585[0] : i32 from vector<1xi32>
    %and3A_587 = arith.constant 127 : i32
    %and3A_588 = arith.andi %squeeze3A_586, %and3A_587 : i32
    %broadcast_in_dim3A_589 = vector.broadcast %and3A_588 : i32 to vector<16xi32>
    %add3A_590 = arith.constant 128 : i32
    %add3A_591 = vector.broadcast %add3A_590 : i32 to vector<16xi32>
    %add3A_592 = arith.addi %iota3A, %add3A_591 : vector<16xi32>
    %add3A_593 = arith.constant 16 : i32
    %add3A_594 = vector.broadcast %add3A_593 : i32 to vector<16xi32>
    %add3A_595 = arith.addi %add3A_592, %add3A_594 : vector<16xi32>
    %gather3A_596 = tpu.vector_load_idx %arg9[%add3A_592, %broadcast_in_dim3A_584] : memref<256x128xf32, #tpu.memory_space<vmem>>[vector<16xi32>, vector<16xi32>], vector<16xf32>,
    %gather3A_597 = tpu.vector_load_idx %arg9[%add3A_595, %broadcast_in_dim3A_584] : memref<256x128xf32, #tpu.memory_space<vmem>>[vector<16xi32>, vector<16xi32>], vector<16xf32>,
    %gather3A_598 = tpu.vector_load_idx %arg10[%add3A_592, %broadcast_in_dim3A_589] : memref<256x128xf32, #tpu.memory_space<vmem>>[vector<16xi32>, vector<16xi32>], vector<16xf32>,
    %gather3A_599 = tpu.vector_load_idx %arg10[%add3A_595, %broadcast_in_dim3A_589] : memref<256x128xf32, #tpu.memory_space<vmem>>[vector<16xi32>, vector<16xi32>], vector<16xf32>,
    %multiple_of3A_600 = arith.constant 8128 : i32
    %multiple_of3A_601 = tpu.assume_multiple %multiple_of3A_600, 8 : i32
    %mul3A_602 = arith.mulf %gather3A_596, %gather3A_598 : vector<16xf32>
    %mul3A_603 = arith.mulf %gather3A_597, %gather3A_599 : vector<16xf32>
    %add3A_604 = arith.addf %mul3A_602, %mul3A_603 : vector<16xf32>
    %swap3A_605 = arith.index_cast %multiple_of3A_601 : i32 to index
    %swap3A_606 = tpu.vector_load %arg11[%swap3A_605] {strides = array<i32>} : memref<8192xf32, #tpu.memory_space<vmem>>, vector<16xf32>,
    tpu.vector_store %arg11[%swap3A_605], %add3A_604 {strides = array<i32>} : memref<8192xf32, #tpu.memory_space<vmem>>, vector<16xf32>,
    %slice3A_607 = vector.extract_strided_slice %get3A_282 {offsets = [5], sizes = [1], strides = [1]} : vector<16xi32> to vector<1xi32>
    %squeeze3A_608 = vector.extract %slice3A_607[0] : i32 from vector<1xi32>
    %and3A_609 = arith.constant 127 : i32
    %and3A_610 = arith.andi %squeeze3A_608, %and3A_609 : i32
    %broadcast_in_dim3A_611 = vector.broadcast %and3A_610 : i32 to vector<16xi32>
    %slice3A_612 = vector.extract_strided_slice %get3A_284 {offsets = [5], sizes = [1], strides = [1]} : vector<16xi32> to vector<1xi32>
    %squeeze3A_613 = vector.extract %slice3A_612[0] : i32 from vector<1xi32>
    %and3A_614 = arith.constant 127 : i32
    %and3A_615 = arith.andi %squeeze3A_613, %and3A_614 : i32
    %broadcast_in_dim3A_616 = vector.broadcast %and3A_615 : i32 to vector<16xi32>
    %add3A_617 = arith.constant 160 : i32
    %add3A_618 = vector.broadcast %add3A_617 : i32 to vector<16xi32>
    %add3A_619 = arith.addi %iota3A, %add3A_618 : vector<16xi32>
    %add3A_620 = arith.constant 16 : i32
    %add3A_621 = vector.broadcast %add3A_620 : i32 to vector<16xi32>
    %add3A_622 = arith.addi %add3A_619, %add3A_621 : vector<16xi32>
    %gather3A_623 = tpu.vector_load_idx %arg9[%add3A_619, %broadcast_in_dim3A_611] : memref<256x128xf32, #tpu.memory_space<vmem>>[vector<16xi32>, vector<16xi32>], vector<16xf32>,
    %gather3A_624 = tpu.vector_load_idx %arg9[%add3A_622, %broadcast_in_dim3A_611] : memref<256x128xf32, #tpu.memory_space<vmem>>[vector<16xi32>, vector<16xi32>], vector<16xf32>,
    %gather3A_625 = tpu.vector_load_idx %arg10[%add3A_619, %broadcast_in_dim3A_616] : memref<256x128xf32, #tpu.memory_space<vmem>>[vector<16xi32>, vector<16xi32>], vector<16xf32>,
    %gather3A_626 = tpu.vector_load_idx %arg10[%add3A_622, %broadcast_in_dim3A_616] : memref<256x128xf32, #tpu.memory_space<vmem>>[vector<16xi32>, vector<16xi32>], vector<16xf32>,
    %multiple_of3A_627 = arith.constant 8144 : i32
    %multiple_of3A_628 = tpu.assume_multiple %multiple_of3A_627, 8 : i32
    %mul3A_629 = arith.mulf %gather3A_623, %gather3A_625 : vector<16xf32>
    %mul3A_630 = arith.mulf %gather3A_624, %gather3A_626 : vector<16xf32>
    %add3A_631 = arith.addf %mul3A_629, %mul3A_630 : vector<16xf32>
    %swap3A_632 = arith.index_cast %multiple_of3A_628 : i32 to index
    %swap3A_633 = tpu.vector_load %arg11[%swap3A_632] {strides = array<i32>} : memref<8192xf32, #tpu.memory_space<vmem>>, vector<16xf32>,
    tpu.vector_store %arg11[%swap3A_632], %add3A_631 {strides = array<i32>} : memref<8192xf32, #tpu.memory_space<vmem>>, vector<16xf32>,
    %slice3A_634 = vector.extract_strided_slice %get3A_282 {offsets = [6], sizes = [1], strides = [1]} : vector<16xi32> to vector<1xi32>
    %squeeze3A_635 = vector.extract %slice3A_634[0] : i32 from vector<1xi32>
    %and3A_636 = arith.constant 127 : i32
    %and3A_637 = arith.andi %squeeze3A_635, %and3A_636 : i32
    %broadcast_in_dim3A_638 = vector.broadcast %and3A_637 : i32 to vector<16xi32>
    %slice3A_639 = vector.extract_strided_slice %get3A_284 {offsets = [6], sizes = [1], strides = [1]} : vector<16xi32> to vector<1xi32>
    %squeeze3A_640 = vector.extract %slice3A_639[0] : i32 from vector<1xi32>
    %and3A_641 = arith.constant 127 : i32
    %and3A_642 = arith.andi %squeeze3A_640, %and3A_641 : i32
    %broadcast_in_dim3A_643 = vector.broadcast %and3A_642 : i32 to vector<16xi32>
    %add3A_644 = arith.constant 192 : i32
    %add3A_645 = vector.broadcast %add3A_644 : i32 to vector<16xi32>
    %add3A_646 = arith.addi %iota3A, %add3A_645 : vector<16xi32>
    %add3A_647 = arith.constant 16 : i32
    %add3A_648 = vector.broadcast %add3A_647 : i32 to vector<16xi32>
    %add3A_649 = arith.addi %add3A_646, %add3A_648 : vector<16xi32>
    %gather3A_650 = tpu.vector_load_idx %arg9[%add3A_646, %broadcast_in_dim3A_638] : memref<256x128xf32, #tpu.memory_space<vmem>>[vector<16xi32>, vector<16xi32>], vector<16xf32>,
    %gather3A_651 = tpu.vector_load_idx %arg9[%add3A_649, %broadcast_in_dim3A_638] : memref<256x128xf32, #tpu.memory_space<vmem>>[vector<16xi32>, vector<16xi32>], vector<16xf32>,
    %gather3A_652 = tpu.vector_load_idx %arg10[%add3A_646, %broadcast_in_dim3A_643] : memref<256x128xf32, #tpu.memory_space<vmem>>[vector<16xi32>, vector<16xi32>], vector<16xf32>,
    %gather3A_653 = tpu.vector_load_idx %arg10[%add3A_649, %broadcast_in_dim3A_643] : memref<256x128xf32, #tpu.memory_space<vmem>>[vector<16xi32>, vector<16xi32>], vector<16xf32>,
    %multiple_of3A_654 = arith.constant 8160 : i32
    %multiple_of3A_655 = tpu.assume_multiple %multiple_of3A_654, 8 : i32
    %mul3A_656 = arith.mulf %gather3A_650, %gather3A_652 : vector<16xf32>
    %mul3A_657 = arith.mulf %gather3A_651, %gather3A_653 : vector<16xf32>
    %add3A_658 = arith.addf %mul3A_656, %mul3A_657 : vector<16xf32>
    %swap3A_659 = arith.index_cast %multiple_of3A_655 : i32 to index
    %swap3A_660 = tpu.vector_load %arg11[%swap3A_659] {strides = array<i32>} : memref<8192xf32, #tpu.memory_space<vmem>>, vector<16xf32>,
    tpu.vector_store %arg11[%swap3A_659], %add3A_658 {strides = array<i32>} : memref<8192xf32, #tpu.memory_space<vmem>>, vector<16xf32>,
    %slice3A_661 = vector.extract_strided_slice %get3A_282 {offsets = [7], sizes = [1], strides = [1]} : vector<16xi32> to vector<1xi32>
    %squeeze3A_662 = vector.extract %slice3A_661[0] : i32 from vector<1xi32>
    %and3A_663 = arith.constant 127 : i32
    %and3A_664 = arith.andi %squeeze3A_662, %and3A_663 : i32
    %broadcast_in_dim3A_665 = vector.broadcast %and3A_664 : i32 to vector<16xi32>
    %slice3A_666 = vector.extract_strided_slice %get3A_284 {offsets = [7], sizes = [1], strides = [1]} : vector<16xi32> to vector<1xi32>
    %squeeze3A_667 = vector.extract %slice3A_666[0] : i32 from vector<1xi32>
    %and3A_668 = arith.constant 127 : i32
    %and3A_669 = arith.andi %squeeze3A_667, %and3A_668 : i32
    %broadcast_in_dim3A_670 = vector.broadcast %and3A_669 : i32 to vector<16xi32>
    %add3A_671 = arith.constant 224 : i32
    %add3A_672 = vector.broadcast %add3A_671 : i32 to vector<16xi32>
    %add3A_673 = arith.addi %iota3A, %add3A_672 : vector<16xi32>
    %add3A_674 = arith.constant 16 : i32
    %add3A_675 = vector.broadcast %add3A_674 : i32 to vector<16xi32>
    %add3A_676 = arith.addi %add3A_673, %add3A_675 : vector<16xi32>
    %gather3A_677 = tpu.vector_load_idx %arg9[%add3A_673, %broadcast_in_dim3A_665] : memref<256x128xf32, #tpu.memory_space<vmem>>[vector<16xi32>, vector<16xi32>], vector<16xf32>,
    %gather3A_678 = tpu.vector_load_idx %arg9[%add3A_676, %broadcast_in_dim3A_665] : memref<256x128xf32, #tpu.memory_space<vmem>>[vector<16xi32>, vector<16xi32>], vector<16xf32>,
    %gather3A_679 = tpu.vector_load_idx %arg10[%add3A_673, %broadcast_in_dim3A_670] : memref<256x128xf32, #tpu.memory_space<vmem>>[vector<16xi32>, vector<16xi32>], vector<16xf32>,
    %gather3A_680 = tpu.vector_load_idx %arg10[%add3A_676, %broadcast_in_dim3A_670] : memref<256x128xf32, #tpu.memory_space<vmem>>[vector<16xi32>, vector<16xi32>], vector<16xf32>,
    %multiple_of3A_681 = arith.constant 8176 : i32
    %multiple_of3A_682 = tpu.assume_multiple %multiple_of3A_681, 8 : i32
    %mul3A_683 = arith.mulf %gather3A_677, %gather3A_679 : vector<16xf32>
    %mul3A_684 = arith.mulf %gather3A_678, %gather3A_680 : vector<16xf32>
    %add3A_685 = arith.addf %mul3A_683, %mul3A_684 : vector<16xf32>
    %swap3A_686 = arith.index_cast %multiple_of3A_682 : i32 to index
    %swap3A_687 = tpu.vector_load %arg11[%swap3A_686] {strides = array<i32>} : memref<8192xf32, #tpu.memory_space<vmem>>, vector<16xf32>,
    tpu.vector_store %arg11[%swap3A_686], %add3A_685 {strides = array<i32>} : memref<8192xf32, #tpu.memory_space<vmem>>, vector<16xf32>,
    %scan3A_688 = arith.constant 0 : i32
    %scan3A_689 = arith.constant 32 : i32
    %scan3A_690 = arith.addi %scan3A_688, %scan3A_689 : i32
    %scan3A_691 = arith.constant 1 : i32
    scf.for %scan3A_693 = %scan3A_688 to %scan3A_690 step %scan3A_691  : i32 {
      %mul3A_694 = arith.constant 16 : i32
      %mul3A_695 = arith.muli %scan3A_693, %mul3A_694 : i32
      %add3A_696 = arith.constant 0 : i32
      %add3A_697 = arith.addi %add3A_696, %mul3A_695 : i32
      %add3A_698 = vector.broadcast %add3A_697 : i32 to vector<16xi32>
      %add3A_699 = arith.addi %iota3A, %add3A_698 : vector<16xi32>
      %mul3A_700 = arith.constant 16 : i32
      %mul3A_701 = vector.broadcast %mul3A_700 : i32 to vector<16xi32>
      %mul3A_702 = arith.muli %add3A_699, %mul3A_701 : vector<16xi32>
      %add3A_703 = arith.constant 0 : i32
      %add3A_704 = vector.broadcast %add3A_703 : i32 to vector<16xi32>
      %add3A_705 = arith.addi %mul3A_702, %add3A_704 : vector<16xi32>
      %gather3A_706 = tpu.vector_load_idx %arg11[%add3A_705] : memref<8192xf32, #tpu.memory_space<vmem>>[vector<16xi32>], vector<16xf32>,
      %add3A_707 = arith.constant 1 : i32
      %add3A_708 = vector.broadcast %add3A_707 : i32 to vector<16xi32>
      %add3A_709 = arith.addi %mul3A_702, %add3A_708 : vector<16xi32>
      %gather3A_710 = tpu.vector_load_idx %arg11[%add3A_709] : memref<8192xf32, #tpu.memory_space<vmem>>[vector<16xi32>], vector<16xf32>,
      %add3A_711 = arith.addf %gather3A_706, %gather3A_710 : vector<16xf32>
      %add3A_712 = arith.constant 2 : i32
      %add3A_713 = vector.broadcast %add3A_712 : i32 to vector<16xi32>
      %add3A_714 = arith.addi %mul3A_702, %add3A_713 : vector<16xi32>
      %gather3A_715 = tpu.vector_load_idx %arg11[%add3A_714] : memref<8192xf32, #tpu.memory_space<vmem>>[vector<16xi32>], vector<16xf32>,
      %add3A_716 = arith.addf %add3A_711, %gather3A_715 : vector<16xf32>
      %add3A_717 = arith.constant 3 : i32
      %add3A_718 = vector.broadcast %add3A_717 : i32 to vector<16xi32>
      %add3A_719 = arith.addi %mul3A_702, %add3A_718 : vector<16xi32>
      %gather3A_720 = tpu.vector_load_idx %arg11[%add3A_719] : memref<8192xf32, #tpu.memory_space<vmem>>[vector<16xi32>], vector<16xf32>,
      %add3A_721 = arith.addf %add3A_716, %gather3A_720 : vector<16xf32>
      %add3A_722 = arith.constant 4 : i32
      %add3A_723 = vector.broadcast %add3A_722 : i32 to vector<16xi32>
      %add3A_724 = arith.addi %mul3A_702, %add3A_723 : vector<16xi32>
      %gather3A_725 = tpu.vector_load_idx %arg11[%add3A_724] : memref<8192xf32, #tpu.memory_space<vmem>>[vector<16xi32>], vector<16xf32>,
      %add3A_726 = arith.addf %add3A_721, %gather3A_725 : vector<16xf32>
      %add3A_727 = arith.constant 5 : i32
      %add3A_728 = vector.broadcast %add3A_727 : i32 to vector<16xi32>
      %add3A_729 = arith.addi %mul3A_702, %add3A_728 : vector<16xi32>
      %gather3A_730 = tpu.vector_load_idx %arg11[%add3A_729] : memref<8192xf32, #tpu.memory_space<vmem>>[vector<16xi32>], vector<16xf32>,
      %add3A_731 = arith.addf %add3A_726, %gather3A_730 : vector<16xf32>
      %add3A_732 = arith.constant 6 : i32
      %add3A_733 = vector.broadcast %add3A_732 : i32 to vector<16xi32>
      %add3A_734 = arith.addi %mul3A_702, %add3A_733 : vector<16xi32>
      %gather3A_735 = tpu.vector_load_idx %arg11[%add3A_734] : memref<8192xf32, #tpu.memory_space<vmem>>[vector<16xi32>], vector<16xf32>,
      %add3A_736 = arith.addf %add3A_731, %gather3A_735 : vector<16xf32>
      %add3A_737 = arith.constant 7 : i32
      %add3A_738 = vector.broadcast %add3A_737 : i32 to vector<16xi32>
      %add3A_739 = arith.addi %mul3A_702, %add3A_738 : vector<16xi32>
      %gather3A_740 = tpu.vector_load_idx %arg11[%add3A_739] : memref<8192xf32, #tpu.memory_space<vmem>>[vector<16xi32>], vector<16xf32>,
      %add3A_741 = arith.addf %add3A_736, %gather3A_740 : vector<16xf32>
      %add3A_742 = arith.constant 8 : i32
      %add3A_743 = vector.broadcast %add3A_742 : i32 to vector<16xi32>
      %add3A_744 = arith.addi %mul3A_702, %add3A_743 : vector<16xi32>
      %gather3A_745 = tpu.vector_load_idx %arg11[%add3A_744] : memref<8192xf32, #tpu.memory_space<vmem>>[vector<16xi32>], vector<16xf32>,
      %add3A_746 = arith.addf %add3A_741, %gather3A_745 : vector<16xf32>
      %add3A_747 = arith.constant 9 : i32
      %add3A_748 = vector.broadcast %add3A_747 : i32 to vector<16xi32>
      %add3A_749 = arith.addi %mul3A_702, %add3A_748 : vector<16xi32>
      %gather3A_750 = tpu.vector_load_idx %arg11[%add3A_749] : memref<8192xf32, #tpu.memory_space<vmem>>[vector<16xi32>], vector<16xf32>,
      %add3A_751 = arith.addf %add3A_746, %gather3A_750 : vector<16xf32>
      %add3A_752 = arith.constant 10 : i32
      %add3A_753 = vector.broadcast %add3A_752 : i32 to vector<16xi32>
      %add3A_754 = arith.addi %mul3A_702, %add3A_753 : vector<16xi32>
      %gather3A_755 = tpu.vector_load_idx %arg11[%add3A_754] : memref<8192xf32, #tpu.memory_space<vmem>>[vector<16xi32>], vector<16xf32>,
      %add3A_756 = arith.addf %add3A_751, %gather3A_755 : vector<16xf32>
      %add3A_757 = arith.constant 11 : i32
      %add3A_758 = vector.broadcast %add3A_757 : i32 to vector<16xi32>
      %add3A_759 = arith.addi %mul3A_702, %add3A_758 : vector<16xi32>
      %gather3A_760 = tpu.vector_load_idx %arg11[%add3A_759] : memref<8192xf32, #tpu.memory_space<vmem>>[vector<16xi32>], vector<16xf32>,
      %add3A_761 = arith.addf %add3A_756, %gather3A_760 : vector<16xf32>
      %add3A_762 = arith.constant 12 : i32
      %add3A_763 = vector.broadcast %add3A_762 : i32 to vector<16xi32>
      %add3A_764 = arith.addi %mul3A_702, %add3A_763 : vector<16xi32>
      %gather3A_765 = tpu.vector_load_idx %arg11[%add3A_764] : memref<8192xf32, #tpu.memory_space<vmem>>[vector<16xi32>], vector<16xf32>,
      %add3A_766 = arith.addf %add3A_761, %gather3A_765 : vector<16xf32>
      %add3A_767 = arith.constant 13 : i32
      %add3A_768 = vector.broadcast %add3A_767 : i32 to vector<16xi32>
      %add3A_769 = arith.addi %mul3A_702, %add3A_768 : vector<16xi32>
      %gather3A_770 = tpu.vector_load_idx %arg11[%add3A_769] : memref<8192xf32, #tpu.memory_space<vmem>>[vector<16xi32>], vector<16xf32>,
      %add3A_771 = arith.addf %add3A_766, %gather3A_770 : vector<16xf32>
      %add3A_772 = arith.constant 14 : i32
      %add3A_773 = vector.broadcast %add3A_772 : i32 to vector<16xi32>
      %add3A_774 = arith.addi %mul3A_702, %add3A_773 : vector<16xi32>
      %gather3A_775 = tpu.vector_load_idx %arg11[%add3A_774] : memref<8192xf32, #tpu.memory_space<vmem>>[vector<16xi32>], vector<16xf32>,
      %add3A_776 = arith.addf %add3A_771, %gather3A_775 : vector<16xf32>
      %add3A_777 = arith.constant 15 : i32
      %add3A_778 = vector.broadcast %add3A_777 : i32 to vector<16xi32>
      %add3A_779 = arith.addi %mul3A_702, %add3A_778 : vector<16xi32>
      %gather3A_780 = tpu.vector_load_idx %arg11[%add3A_779] : memref<8192xf32, #tpu.memory_space<vmem>>[vector<16xi32>], vector<16xf32>,
      %add3A_781 = arith.addf %add3A_776, %gather3A_780 : vector<16xf32>
      %swap3A_782 = arith.index_cast %add3A_697 : i32 to index
      %swap3A_783 = tpu.vector_load %arg12[%swap3A_782] {strides = array<i32>} : memref<512xf32, #tpu.memory_space<vmem>>, vector<16xf32>,
      tpu.vector_store %arg12[%swap3A_782], %add3A_781 {strides = array<i32>} : memref<512xf32, #tpu.memory_space<vmem>>, vector<16xf32>,
    }
    %scan3A_692 = arith.constant 32 : i32
    "tpu.region"() ({
      %run_scoped3A = tpu.sem_alloc : memref<!tpu.dma_semaphore, #tpu.memory_space<semaphore_mem>>
      %dma_start3A_693 = tpu.memref_slice %arg6[%mul3A_2] : memref<16384xf32, #tpu.memory_space<hbm>> -> memref<512xf32, #tpu.memory_space<hbm>>
      %dma_start3A_694 = tpu.memref_slice %arg6[%mul3A_2] : memref<16384xf32, #tpu.memory_space<hbm>> -> memref<512xf32, #tpu.memory_space<hbm>>
      tpu.enqueue_dma source(%arg12 : memref<512xf32, #tpu.memory_space<vmem>>) target(%dma_start3A_694 : memref<512xf32, #tpu.memory_space<hbm>>) target_semaphore(%run_scoped3A : memref<!tpu.dma_semaphore, #tpu.memory_space<semaphore_mem>>)
      %dma_wait3A_695 = tpu.memref_slice %arg6[%mul3A_2] : memref<16384xf32, #tpu.memory_space<hbm>> -> memref<512xf32, #tpu.memory_space<hbm>>
      %dma_wait3A_696 = tpu.memref_slice %arg6[%mul3A_2] : memref<16384xf32, #tpu.memory_space<hbm>> -> memref<512xf32, #tpu.memory_space<hbm>>
      tpu.wait_dma2 semaphore(%run_scoped3A : memref<!tpu.dma_semaphore, #tpu.memory_space<semaphore_mem>>) src(%arg12 : memref<512xf32, #tpu.memory_space<vmem>>) dst(%dma_wait3A_696 : memref<512xf32, #tpu.memory_space<hbm>>)
      tpu.yield
    }) : () -> ()
    return
  }
}

</mosaic_0001>

<sc_bundles>
// kernel: kernel.3.cloned.1.call-start
scs
__scs_entry_jumppad:
0x0: {  	(pc) =	sbr.rel $0x88, $3  }
0x1: {  	(tag) =	ssettag $0x0;
	lr =	simm.s32 $0x1  }
0x2: {  	[smem:$0x3F9D] =	sst lr;
	_ =	strace $0xD0000000  }
0x3: {  	_ = 	snop  }
0x4: {  	_ = 	snop  }
0x5: {  	_ = 	snop  }
0x6: {  	_ = 	snop  }
0x7: {  	_ = 	snop  }
__scs_overlays_trampoline_lowered:
0x8: {  	[smem:$0x3FAC] =	sst s0  }
0x9: {  	[smem:$0x3FAD] =	sst s1  }
0xa: {  	[smem:$0x3FAE] =	sst s2  }
0xb: {  	[smem:$0x3FAF] =	sst s3  }
0xc: {  	[smem:$0x3FB0] =	sst s4  }
0xd: {  	[smem:$0x3FB1] =	sst s5  }
0xe: {  	[smem:$0x3FB2] =	sst s6  }
0xf: {  	[smem:$0x3FB3] =	sst s7  }
0x10: {  	[smem:$0x3FB4] =	sst s8  }
0x11: {  	[smem:$0x3FB5] =	sst s9;
	s0 =	simm.s32 @!p0 $0x0  }
0x12: {  	s1 =	sld [smem:$0x3F9B];
	s0 =	simm.s32 @p0 $0x1  }
0x13: {  	[smem:$0x3FB6] =	sst s0;
	s0 =	simm.s32 @!p1 $0x0  }
0x14: {  	s2 =	sld [smem:$0x3F9A];
	s0 =	simm.s32 @p1 $0x1  }
0x15: {  	[smem:$0x3FB7] =	sst s0;
	s0 =	simm.s32 @!p2 $0x0  }
0x16: {  	s3 =	sld [smem:$0x3FDB];
	s0 =	simm.s32 @p2 $0x1  }
0x17: {  	s4 =	simm.s32 $0x1BF5;
	[smem:$0x3FB9] =	sst s0  }
0x18: {  	s0 =	sld [smem:$0x3F9C];
	_ =	swait.ge [sflag:s4], $0x0  }
0x19: {  	s7 =	sld [smem:$0x3F9D]  }
0x1a: {  	s8 =	sadd.s32 $0xFFFFE003, lr  }
0x1b: {  	s9 =	sadd.s32 $0xFFFFFEF7, lr;
	s5 =	simm.s32 $0xFFFFFFFF;
	p2 =	slt.u32 s8, $0xFFFFF086  }
0x1c: {  	p1 =	slt.u32 s9, $0xF7A;
	s5 =	simm.s32 @!p2 $0x0  }
0x1d: {  	s5 =	simm.s32 @p1 $0x1;
	p0 =	seq.s32 s7, s2  }
0x1e: {  	s7 =	smul.u32 @!p0 $0xF7A, s2;
	p2 =	seq.s32 @!p0 s5, $0x0  }
0x1f: {  	s9 =	smul.u32 $0xF7A, s1;
	s8 =	simm.s32 @!p0 $0x1BF5;
	p2 =	por !p2, p0  }
0x20: {  	[sflag:s8] =	ssyncset.s32 @!p0 $0xFFFFF086;
	s6 =	sadd.s32 @!p0 s3, s7;
	s7 =	simm.s32 @!p0 $0x108  }
0x21: {  	s3 =	sadd.s32 s3, s9;
	s6 =	sadd.s32 @!p0 $0x88, s6;
	s7 =	simm.s32 @p2 $0x1082  }
0x22: {  	[simem:s7], [sflag:s8] =	dma.local @!p0 [hbm:s6], $0xF7A  }
0x23: {  	s9 =	sor.u32 $0xD0000000, s2;
	s6 =	simm.s32 $0x108;
	_ =	swait.ge @!p0 [sflag:s8], $0x0  }
0x24: {  	s3 =	sadd.s32 $0x88, s3;
	s6 =	simm.s32 @!p1 $0x1082;
	[sflag:s4] =	ssyncset.s32 $0xFFFFF086  }
0x25: {  	[simem:s6], [sflag:s4] =	dma.local [hbm:s3], $0xF7A  }
0x26: {  	[smem:$0x3F9D] =	sst s1;
	(tag) =	ssettag s2;
	_ =	strace s9  }
0x27: {  	s1 =	sld [smem:$0x3FAD]  }
0x28: {  	s2 =	sld [smem:$0x3FAE]  }
0x29: {  	s4 =	sld [smem:$0x3FB0]  }
0x2a: {  	p0 =	seq.s32 s5, $0x0;
	s5 =	sld [smem:$0x3FB1]  }
0x2b: {  	s6 =	sld [smem:$0x3FB2]  }
0x2c: {  	s7 =	sld [smem:$0x3FB3]  }
0x2d: {  	s3 =	simm.s32 $0x108;
	s8 =	sld [smem:$0x3FB4]  }
0x2e: {  	s3 =	simm.s32 @!p0 $0x1082;
	s9 =	sld [smem:$0x3FB5]  }
0x2f: {  	lr =	sadd.s32 s0, s3;
	s0 =	sld [smem:$0x3FAC]  }
0x30: {  	s3 =	sld [smem:$0x3FAF]  }
0x31: {  	[smem:$0x3FB8] =	sst s10  }
0x32: {  	s10 =	sld [smem:$0x3FB6];
	_ =	sdelay $0x3  }
0x33: {  	p0 =	seq.s32 s10, $0x1;
	s10 =	sld [smem:$0x3FB8];
	_ =	sdelay $0x3  }
0x34: {  	[smem:$0x3FB8] =	sst s10  }
0x35: {  	s10 =	sld [smem:$0x3FB7];
	_ =	sdelay $0x3  }
0x36: {  	p1 =	seq.s32 s10, $0x1;
	s10 =	sld [smem:$0x3FB8];
	_ =	sdelay $0x3  }
0x37: {  	[smem:$0x3FB8] =	sst s10  }
0x38: {  	s10 =	sld [smem:$0x3FB9]  }
0x39: {  	_ = 	snop;
	(pc) =	sbr.ind lr, $3  }
0x3a: {  	_ = 	snop  }
0x3b: {  	_ = 	snop  }
0x3c: {  	p2 =	seq.s32 s10, $0x1;
	s10 =	sld [smem:$0x3FB8]  }
0x3d: {  	_ =	shalt  }
0x3e: {  	_ =	shalt  }
0x3f: {  	_ =	shalt  }
0x40: {  	_ =	shalt  }
0x41: {  	_ =	shalt  }
0x42: {  	_ =	shalt  }
0x43: {  	_ =	shalt  }
0x44: {  	_ =	shalt  }
0x45: {  	_ =	shalt  }
0x46: {  	_ =	shalt  }
0x47: {  	_ =	shalt  }
0x48: {  	_ =	shalt  }
0x49: {  	_ =	shalt  }
0x4a: {  	_ =	shalt  }
0x4b: {  	_ =	shalt  }
0x4c: {  	_ =	shalt  }
0x4d: {  	_ =	shalt  }
0x4e: {  	_ =	shalt  }
0x4f: {  	_ =	shalt  }
0x50: {  	_ =	shalt  }
0x51: {  	_ =	shalt  }
0x52: {  	_ =	shalt  }
0x53: {  	_ =	shalt  }
0x54: {  	_ =	shalt  }
0x55: {  	_ =	shalt  }
0x56: {  	_ =	shalt  }
0x57: {  	_ =	shalt  }
0x58: {  	_ =	shalt  }
0x59: {  	_ =	shalt  }
0x5a: {  	_ =	shalt  }
0x5b: {  	_ =	shalt  }
0x5c: {  	_ =	shalt  }
0x5d: {  	_ =	shalt  }
0x5e: {  	_ =	shalt  }
0x5f: {  	_ =	shalt  }
0x60: {  	_ =	shalt  }
0x61: {  	_ =	shalt  }
0x62: {  	_ =	shalt  }
0x63: {  	_ =	shalt  }
0x64: {  	_ =	shalt  }
0x65: {  	_ =	shalt  }
0x66: {  	_ =	shalt  }
0x67: {  	_ =	shalt  }
0x68: {  	_ =	shalt  }
0x69: {  	_ =	shalt  }
0x6a: {  	_ =	shalt  }
0x6b: {  	_ =	shalt  }
0x6c: {  	_ =	shalt  }
0x6d: {  	_ =	shalt  }
0x6e: {  	_ =	shalt  }
0x6f: {  	_ =	shalt  }
0x70: {  	_ =	shalt  }
0x71: {  	_ =	shalt  }
0x72: {  	_ =	shalt  }
0x73: {  	_ =	shalt  }
0x74: {  	_ =	shalt  }
0x75: {  	_ =	shalt  }
0x76: {  	_ =	shalt  }
0x77: {  	_ =	shalt  }
0x78: {  	_ =	shalt  }
0x79: {  	_ =	shalt  }
0x7a: {  	_ =	shalt  }
0x7b: {  	_ =	shalt  }
0x7c: {  	_ =	shalt  }
0x7d: {  	_ =	shalt  }
0x7e: {  	_ =	shalt  }
0x7f: {  	_ =	shalt  }
0x80: {  	_ =	shalt  }
0x81: {  	_ =	shalt  }
0x82: {  	_ =	shalt  }
0x83: {  	_ =	shalt  }
0x84: {  	_ =	shalt  }
0x85: {  	_ =	shalt  }
0x86: {  	_ =	shalt  }
0x87: {  	_ =	shalt  }
.Lfunc_end0:
.L_simem_size_0:
called_computation_lowered:
.L_overlay_start_0:
0x88: {  	s2 =	sld [smem:$0x3FD9]  }
0x89: {  	s3 =	sld [smem:$0x3FFE];
	_ =	sdelay $0x1  }
0x8a: {  	s1 =	srdreg.scid  }
0x8b: {  	s0 =	sand.u32 $0x1, s1  }
0x8c: {  	s18 =	sshll.u32 s0, $0xA;
	s2 =	sadd.s32 s3, s2  }
0x8d: {  	s2 =	sadd.s32 s2, s18  }
0x8e: {  	[smem:$0x3FC4] =	sst s2  }
0x8f: {  	_ = 	snop  }
0x90: {  	s2 =	sld [smem:$0x3FC9]  }
0x91: {  	s19 =	sld [smem:$0x3FC8]  }
0x92: {  	s4 =	sld [smem:$0x3FC7]  }
0x93: {  	s5 =	sld [smem:$0x3FC6]  }
0x94: {  	s6 =	sld [smem:$0x3FD0];
	(tm) =	ssettm $0x1  }
0x95: {  	s7 =	sld [smem:$0x3FFB];
	_ =	sdelay $0x3  }
0x96: {  	_ =	strace s7  }
0x97: {  	s7 =	sld [smem:$0x3FFC];
	_ =	sdelay $0x3  }
0x98: {  	_ =	strace s7  }
0x99: {  	s7 =	sld [smem:$0x3FFD];
	_ =	sdelay $0x3  }
0x9a: {  	_ =	strace s7  }
0x9b: {  	_ =	strace $0x8FFFFFFF  }
0x9c: {  	s20 =	sld [smem:$0x3FDB];
	_ =	sdelay $0x1  }
0x9d: {  	s8 =	simm.s32 $_scs_section_size  }
0x9e: {  	s9 =	simm.s32 $_size__tile_overlayer_lowered;
	s10 =	simm.s32 $_tile_overlayer_lowered  }
0x9f: {  	s23 =	simm.s32 $0x1BFF;
	s22 =	sshll.u32 s10, $0x1;
	s7 =	sadd.s32 s8, s20  }
0xa0: {  	s11 =	simm.s32 $0x0;
	s21 =	sshll.u32 s9, $0x1;
	s9 =	sadd.s32 s22, s7  }
0xa1: {  	[timem:s11], [sflag:s23] =	dma.local [hbm:s9], s21  }
0xa2: {  	_ =	swait.ge [sflag:s23], s21  }
0xa3: {  	s8 =	ssub.s32 $0x0, s21;
	[sflag:s23] =	ssyncset.done $0x0  }
0xa4: {  	[sflag:s23] =	ssyncadd.s32 s8;
	_ =	sdelay $0x1  }
0xa5: {  	s24 =	simm.s32 $0x1B8B  }
0xa6: {  	_ =	swait.ge [sflag:s24], $0x1  }
0xa7: {  	[sflag:s24] =	ssyncset.done $0x0  }
0xa8: {  	s25 =	simm.s32 $0x1B8E;
	[sflag:s24] =	ssyncadd.s32 $0xFFFFFFFF  }
0xa9: {  	s26 =	simm.s32 $execute0_lowered;
	[smem:$0x3FD2] =	sst s25  }
0xaa: {  	s8 =	sshll.u32 s26, $0x1;
	_ =	strace $0x80000046;
	[dreg:$0x1] =	wrdreg $0xFFFFFFFF  }
0xab: {  	s28 =	simm.s32 $_size_execute0_lowered;
	s7 =	sadd.s32 s7, s8;
	[dreg:$0x0] =	wrdreg $0x0  }
0xac: {  	s8 =	sshll.u32 s28, $0x1;
	[dreg:$0x2] =	wrdreg s7  }
0xad: {  	[dreg:$0x3] =	wrdreg s8  }
0xae: {  	[dreg:$0x4] =	wrdreg $0xC0  }
0xaf: {  	_ =	task [dreg:s11], $0x5FFFF  }
0xb0: {  	[dreg:$0x1] =	wrdreg $0xFFFFFFFF  }
0xb1: {  	[dreg:$0x0] =	wrdreg $0x60  }
0xb2: {  	[dreg:$0x2] =	wrdreg s2  }
0xb3: {  	[dreg:$0x3] =	wrdreg s19  }
0xb4: {  	[dreg:$0x4] =	wrdreg s4  }
0xb5: {  	[dreg:$0x5] =	wrdreg s5  }
0xb6: {  	[dreg:$0x6] =	wrdreg s6  }
0xb7: {  	[dreg:$0x7] =	wrdreg $0x9  }
0xb8: {  	_ =	task.clear_ibuf [dreg:s11], $0x8FFFF;
	_ =	strace $0x90000046  }
0xb9: {  	s29 =	simm.s32 $0x9;
	_ =	strace $0x80000048  }
0xba: {  	_ =	swait.ge [sflag:s29], $0x1  }
0xbb: {  	[sflag:s29] =	ssyncadd.s32 $0xFFFFFFFF  }
0xbc: {  	_ =	strace $0x90000048  }
0xbd: {  	_ =	sfence  }
0xbe: {  	s30 =	sld [smem:$0x0];
	_ =	sdelay $0x2  }
0xbf: {  	s31 =	sshll.u32 s1, $0xD;
	s1 =	sshrl.u32 s1, $0x2  }
0xc0: {  	s3 =	sand.u32 $0x4000, s31;
	s1 =	sadd.s32 s1, s30  }
0xc1: {  	s0 =	sor.u32 s3, s0;
	s1 =	sshll.u32 s1, $0x11  }
0xc2: {  	s0 =	sor.u32 s1, s0  }
0xc3: {  	s0 =	sadd.s32 $0x8F2B, s0  }
0xc4: {  	[sflag:s0] =	ssyncadd.remote.s32 $0x1  }
0xc5: {  	_ =	sfence.sel $0xFFFF  }
0xc6: {  	[dreg:$0x0] =	wrdreg $0xFFFFFFFF;
	(pc) =	sbr.abs _section_cstart, $3  }
0xc7: {  	[dreg:$0x1] =	wrdreg $0xFFFFFFFF  }
0xc8: {  	_ =	task.clear_ibuf [dreg:s11], $0x2FFFF;
	_ =	strace $0x9FFFFFFF  }
0xc9: {  	(tm) =	ssettm $0x7FFFFFFF  }
tec
execute0_lowered:
.L_overlay_start_1:
0x0: {  	(tag) =	ssettag $0x1  }
0x1: {  	s0 =	rddreg [dreg:$0x0]  }
0x2: {  	s1 =	rddreg [dreg:$0x1]  }
0x3: {  	s26 =	rddreg [dreg:$0x2]  }
0x4: {  	s30 =	rddreg [dreg:$0x3]  }
0x5: {  	s2 =	rddreg [dreg:$0x4]  }
0x6: {  	s3 =	srdreg.scid;
	s7 =	simm.s32 $0x0;
	s5 =	stileid.u32  }
0x7: {  	s21 =	simm.s32 $0x400;
	s31 =	simm.s32 $0x7A1400;
	s15 =	simm.s32 $0x500  }
0x8: {  	s22 =	simm.s32 $0x8500;
	s19 =	simm.s32 $0x1500;
	s20 =	simm.s32 $0x9500  }
0x9: {  	s28 =	simm.s32 $0xB500;
	s29 =	simm.s32 $0x4500;
	s8 =	simm.s32 $0xE500  }
0xa: {  	s9 =	simm.s32 $0x7500;
	s10 =	simm.s32 $0xF500;
	s11 =	simm.s32 $0x1  }
0xb: {  	s12 =	simm.s32 $0x3;
	s3 =	sand.u32 $0x1, s3;
	s5 =	sshll.u32 s5, $0x7  }
0xc: {  	v16 =	vlaneseq.u32;
	[smem:$0x7FF] =	sst s7;
	s4 =	ssub.s32 $0x2, s3;
	s3 =	sshll.u32 s3, $0x6  }
0xd: {  	v0 =	vmul.u32 $0x80, v16;
	_ =	strace $0x80000047;
	s6 =	sshrl.u32 s4, $0x1;
	s3 =	sor.u32 s3, s5  }
0xe: {  	v16 =	vmul.u32 $0x10, v16;
	s5 =	simm.s32 $0xD500;
	s4 =	ssub.s32 s4, s6;
	s0 =	sadd.s32 s0, s3  }
0xf: {  	v1 =	vor.u32 $0x800, v0;
	v2 =	vor.u32 $0x1000, v0;
	v3 =	vor.u32 $0x1800, v0;
	s23 =	sadd.s32 s1, s3;
	s24 =	sadd.s32 s2, s3;
	[dreg:$0xd] =	wrdreg s0  }
0x10: {  	v4 =	vor.u32 $0x2000, v0;
	v5 =	vor.u32 $0x2800, v0;
	v6 =	vor.u32 $0x3000, v0;
	s1 =	simm.s32 $0x5;
	s3 =	simm.s32 $0xC500;
	[dreg:$0xe] =	wrdreg s23  }
0x11: {  	v7 =	vor.u32 $0x3800, v0;
	v8 =	vor.u32 $0x4000, v0;
	v9 =	vor.u32 $0x4800, v0;
	s6 =	simm.s32 $0x6500;
	s2 =	simm.s32 $0x0;
	[dreg:$0xf] =	wrdreg s24  }
0x12: {  	v10 =	vor.u32 $0x5000, v0;
	v11 =	vor.u32 $0x5800, v0;
	v12 =	vor.u32 $0x6000, v0;
	s25 =	smax.u32 s4, $0x1;
	s23 =	simm.s32 $0x2500;
	s24 =	simm.s32 $0xA500  }
0x13: {  	v13 =	vor.u32 $0x6800, v0;
	v14 =	vor.u32 $0x7000, v0;
	v15 =	vor.u32 $0x7800, v0;
	s4 =	simm.s32 $0x5500;
	[dreg:$0x10] =	wrdreg s25;
	s25 =	simm.s32 $0x3500  }
.LBB2_1:
0x14: {  	[dreg:$0x11] =	wrdreg s2  }
0x15: {  	s0 =	rddreg [dreg:$0xd]  }
0x16: {  	[tilespmem:s7], [sflag:$0x5] =	stream.linear.gather [hbm4b:s0+s7], $0x200, $0x38;
	[tilespmem:$0x12700] =	vst v63  }
0x17: {  	_ =	swait.ge [sflag:s1], $0x200  }
0x18: {  	[sflag:s1] =	ssyncset.done $0x0  }
0x19: {  	s18 =	simm.s32 $0x280;
	s17 =	rddreg [dreg:$0xe];
	[sflag:s1] =	ssyncadd.s32 $0xFFFFFE00  }
0x1a: {  	[tilespmem:s18], [sflag:$0x5] =	stream.linear.gather [hbm4b:s17+s7], $0x200, $0x38;
	[tilespmem:$0x12700] =	vst v63  }
0x1b: {  	_ =	swait.ge [sflag:s1], $0x200  }
0x1c: {  	[sflag:s1] =	ssyncset.done $0x0  }
0x1d: {  	[sflag:s1] =	ssyncadd.s32 $0xFFFFFE00  }
0x1e: {  	v17 =	vld [tilespmem:$0x0];
	_ =	sdelay $0x1  }
0x1f: {  	v18 =	vld [tilespmem:$0x280];
	_ =	sdelay $0x2  }
0x20: {  	(v2sf) =	vpush v17, $0x0;
	_ =	sdelay $0x1  }
0x21: {  	(v2sf) =	vpush v18, $0x0;
	_ =	sdelay $0x2  }
0x22: {  	(v2sf) =	vpush v17, $0x1;
	_ =	sdelay $0x2  }
0x23: {  	(v2sf) =	vpush v18, $0x1;
	_ =	sdelay $0x2  }
0x24: {  	(v2sf) =	vpush v17, $0x2;
	_ =	sdelay $0x2  }
0x25: {  	(v2sf) =	vpush v18, $0x2  }
0x26: {  	s1 =	spop (v2sf)  }
0x27: {  	s0 =	sand.u32 $0xFFFFF80, s1  }
0x28: {  	(v2sf) =	vpush v17, $0x3;
	s2 =	spop (v2sf);
	s0 =	sadd.s32 s26, s0  }
0x29: {  	[tilespmem:s15], [sflag:$0x1] =	stream.strided.gather [hbm4b:s0+s21], $0x1000, s31, s21, $0x38;
	[tilespmem:$0x12700] =	vst v63  }
0x2a: {  	s0 =	sand.u32 $0xFFFFF80, s2  }
0x2b: {  	(v2sf) =	vpush v18, $0x3;
	s7 =	spop (v2sf);
	s0 =	sadd.s32 s30, s0  }
0x2c: {  	[tilespmem:s22], [sflag:$0x3] =	stream.strided.gather [hbm4b:s0+s21], $0x1000, s31, s21, $0x38;
	[tilespmem:$0x12700] =	vst v63  }
0x2d: {  	s0 =	sand.u32 $0xFFFFF80, s7  }
0x2e: {  	(v2sf) =	vpush v17, $0x4;
	s13 =	spop (v2sf);
	s0 =	sadd.s32 s26, s0  }
0x2f: {  	[tilespmem:s19], [sflag:$0x1] =	stream.strided.gather [hbm4b:s0+s21], $0x1000, s31, s21, $0x38;
	[tilespmem:$0x12700] =	vst v63  }
0x30: {  	s0 =	sand.u32 $0xFFFFF80, s13  }
0x31: {  	(v2sf) =	vpush v18, $0x4;
	s14 =	spop (v2sf);
	s0 =	sadd.s32 s30, s0  }
0x32: {  	[tilespmem:s20], [sflag:$0x3] =	stream.strided.gather [hbm4b:s0+s21], $0x1000, s31, s21, $0x38;
	[tilespmem:$0x12700] =	vst v63  }
0x33: {  	s0 =	sand.u32 $0xFFFFF80, s14  }
0x34: {  	s16 =	spop (v2sf);
	s0 =	sadd.s32 s26, s0  }
0x35: {  	[tilespmem:s23], [sflag:$0x1] =	stream.strided.gather [hbm4b:s0+s21], $0x1000, s31, s21, $0x38;
	[tilespmem:$0x12700] =	vst v63  }
0x36: {  	(v2sf) =	vpush v17, $0x5;
	s0 =	sand.u32 $0xFFFFF80, s16  }
0x37: {  	s17 =	spop (v2sf);
	s0 =	sadd.s32 s30, s0  }
0x38: {  	[tilespmem:s24], [sflag:$0x3] =	stream.strided.gather [hbm4b:s0+s21], $0x1000, s31, s21, $0x38;
	[tilespmem:$0x12700] =	vst v63  }
0x39: {  	s0 =	sand.u32 $0xFFFFF80, s17  }
0x3a: {  	(v2sf) =	vpush v18, $0x5;
	s18 =	spop (v2sf);
	s0 =	sadd.s32 s26, s0  }
0x3b: {  	[tilespmem:s25], [sflag:$0x1] =	stream.strided.gather [hbm4b:s0+s21], $0x1000, s31, s21, $0x38;
	[tilespmem:$0x12700] =	vst v63  }
0x3c: {  	s0 =	sand.u32 $0xFFFFF80, s18  }
0x3d: {  	s1 =	spop (v2sf);
	s0 =	sadd.s32 s30, s0  }
0x3e: {  	(v2sf) =	vpush v17, $0x6;
	[tilespmem:s28], [sflag:$0x3] =	stream.strided.gather [hbm4b:s0+s21], $0x1000, s31, s21, $0x38;
	[tilespmem:$0x12700] =	vst v63  }
0x3f: {  	s0 =	sand.u32 $0xFFFFF80, s1  }
0x40: {  	(v2sf) =	vpush v18, $0x6;
	s2 =	spop (v2sf);
	s0 =	sadd.s32 s26, s0  }
0x41: {  	[tilespmem:s29], [sflag:$0x2] =	stream.strided.gather [hbm4b:s0+s21], $0x1000, s31, s21, $0x38;
	[tilespmem:$0x12700] =	vst v63  }
0x42: {  	s0 =	sand.u32 $0xFFFFF80, s2  }
0x43: {  	(v2sf) =	vpush v17, $0x7;
	s0 =	sadd.s32 s30, s0  }
0x44: {  	[tilespmem:s3], [sflag:$0x4] =	stream.strided.gather [hbm4b:s0+s21], $0x1000, s31, s21, $0x38;
	[tilespmem:$0x12700] =	vst v63  }
0x45: {  	s3 =	spop (v2sf)  }
0x46: {  	(v2sf) =	vpush v18, $0x7;
	s0 =	sand.u32 $0xFFFFF80, s3  }
0x47: {  	s0 =	sadd.s32 s26, s0  }
0x48: {  	[tilespmem:s4], [sflag:$0x2] =	stream.strided.gather [hbm4b:s0+s21], $0x1000, s31, s21, $0x38;
	[tilespmem:$0x12700] =	vst v63  }
0x49: {  	s4 =	spop (v2sf)  }
0x4a: {  	s0 =	sand.u32 $0xFFFFF80, s4  }
0x4b: {  	s0 =	sadd.s32 s30, s0  }
0x4c: {  	[tilespmem:s5], [sflag:$0x4] =	stream.strided.gather [hbm4b:s0+s21], $0x1000, s31, s21, $0x38;
	[tilespmem:$0x12700] =	vst v63  }
0x4d: {  	s5 =	spop (v2sf)  }
0x4e: {  	s0 =	sand.u32 $0xFFFFF80, s5  }
0x4f: {  	s7 =	spop (v2sf);
	s0 =	sadd.s32 s26, s0  }
0x50: {  	[tilespmem:s6], [sflag:$0x2] =	stream.strided.gather [hbm4b:s0+s21], $0x1000, s31, s21, $0x38;
	[tilespmem:$0x12700] =	vst v63  }
0x51: {  	s0 =	sand.u32 $0xFFFFF80, s7  }
0x52: {  	s13 =	spop (v2sf);
	s0 =	sadd.s32 s30, s0  }
0x53: {  	[tilespmem:s8], [sflag:$0x4] =	stream.strided.gather [hbm4b:s0+s21], $0x1000, s31, s21, $0x38;
	[tilespmem:$0x12700] =	vst v63  }
0x54: {  	s0 =	sand.u32 $0xFFFFF80, s13  }
0x55: {  	s14 =	spop (v2sf);
	s0 =	sadd.s32 s26, s0  }
0x56: {  	[tilespmem:s9], [sflag:$0x2] =	stream.strided.gather [hbm4b:s0+s21], $0x1000, s31, s21, $0x38;
	[tilespmem:$0x12700] =	vst v63  }
0x57: {  	s0 =	sand.u32 $0xFFFFF80, s14  }
0x58: {  	s16 =	simm.s32 $0x0;
	s0 =	sadd.s32 s30, s0  }
0x59: {  	[tilespmem:s10], [sflag:$0x4] =	stream.strided.gather [hbm4b:s0+s21], $0x1000, s31, s21, $0x38;
	[tilespmem:$0x12700] =	vst v63  }
0x5a: {  	v17 =	vld [tilespmem:s16+$0x288]  }
0x5b: {  	v18 =	vld [tilespmem:s16+$0x8];
	_ =	sdelay $0x1  }
0x5c: {  	v19 =	vld [tilespmem:s16+$0x0]  }
0x5d: {  	v20 =	vld [tilespmem:s16+$0x280];
	_ =	swait.ge [sflag:s11], $0x1000  }
0x5e: {  	[sflag:s11] =	ssyncset.done $0x0;
	(v2sf) =	vpush v17, $0x0  }
0x5f: {  	[sflag:s11] =	ssyncadd.s32 $0xFFFFF000;
	(v2sf) =	vpush v18, $0x0  }
0x60: {  	_ =	swait.ge [sflag:s12], $0x1000  }
0x61: {  	(v2sf) =	vpush v19, $0x0  }
0x62: {  	[sflag:s12] =	ssyncset.done $0x0;
	(v2sf) =	vpush v20, $0x0  }
0x63: {  	[sflag:s12] =	ssyncadd.s32 $0xFFFFF000;
	(v2sf) =	vpush v20, $0x1  }
0x64: {  	_ =	swait.ge [sflag:s11], $0x1000  }
0x65: {  	(v2sf) =	vpush v19, $0x1  }
0x66: {  	[sflag:s11] =	ssyncset.done $0x0;
	(v2sf) =	vpush v20, $0x2  }
0x67: {  	[sflag:s11] =	ssyncadd.s32 $0xFFFFF000;
	(v2sf) =	vpush v19, $0x2  }
0x68: {  	_ =	swait.ge [sflag:s12], $0x1000  }
0x69: {  	(v2sf) =	vpush v20, $0x3  }
0x6a: {  	[sflag:s12] =	ssyncset.done $0x0;
	(v2sf) =	vpush v19, $0x3  }
0x6b: {  	[sflag:s12] =	ssyncadd.s32 $0xFFFFF000;
	(v2sf) =	vpush v18, $0x1  }
0x6c: {  	_ =	swait.ge [sflag:s11], $0x1000  }
0x6d: {  	(v2sf) =	vpush v17, $0x1  }
0x6e: {  	[sflag:s11] =	ssyncset.done $0x0;
	(v2sf) =	vpush v18, $0x2  }
0x6f: {  	[sflag:s11] =	ssyncadd.s32 $0xFFFFF000;
	(v2sf) =	vpush v17, $0x2  }
0x70: {  	_ =	swait.ge [sflag:s12], $0x1000  }
0x71: {  	(v2sf) =	vpush v18, $0x3  }
0x72: {  	[sflag:s12] =	ssyncset.done $0x0;
	s0 =	spop (v2sf);
	(v2sf) =	vpush v17, $0x3  }
0x73: {  	[sflag:s12] =	ssyncadd.s32 $0xFFFFF000;
	s17 =	spop (v2sf);
	(v2sf) =	vpush v20, $0x4  }
0x74: {  	_ =	swait.ge [sflag:s11], $0x1000  }
0x75: {  	s3 =	spop (v2sf);
	(v2sf) =	vpush v19, $0x4  }
0x76: {  	s2 =	sand.u32 $0x7F, s3;
	s4 =	spop (v2sf);
	(v2sf) =	vpush v20, $0x5  }
0x77: {  	[sflag:s11] =	ssyncset.done $0x0;
	v21 =	vor.u32 s2, v0;
	s5 =	spop (v2sf);
	(v2sf) =	vpush v19, $0x5  }
0x78: {  	[sflag:s11] =	ssyncadd.s32 $0xFFFFF000;
	s3 =	sand.u32 $0x7F, s4;
	v24 =	vor.u32 s2, v1;
	s6 =	spop (v2sf);
	(v2sf) =	vpush v19, $0x6  }
0x79: {  	v22 =	vor.u32 s3, v1;
	_ =	swait.ge [sflag:s12], $0x1000  }
0x7a: {  	v23 =	vor.u32 s3, v0;
	[sflag:s12] =	ssyncset.done $0x0  }
0x7b: {  	[sflag:s12] =	ssyncadd.s32 $0xFFFFF000  }
0x7c: {  	v21 =	vld.idx.msk [tilespmem:v21+s15+$0x0], $0xffff  }
0x7d: {  	v24 =	vld.idx.msk [tilespmem:v24+s15+$0x0], $0xffff  }
0x7e: {  	v22 =	vld.idx.msk [tilespmem:v22+s22+$0x0], $0xffff  }
0x7f: {  	v23 =	vld.idx.msk [tilespmem:v23+s22+$0x0], $0xffff;
	_ =	sdelay $0x3  }
0x80: {  	s7 =	sand.u32 $0x7F, s5  }
0x81: {  	s8 =	sand.u32 $0x7F, s6;
	v21 =	vmul.f32 v23, v21;
	v22 =	vmul.f32 v22, v24;
	v23 =	vor.u32 s7, v2  }
0x82: {  	v59 =	vor.u32 s8, v2  }
0x83: {  	v25 =	vor.u32 s8, v3;
	v21 =	vadd.f32 v22, v21  }
0x84: {  	s6 =	simm.s32 $0x10540;
	v22 =	vor.u32 s7, v3  }
0x85: {  	[tilespmem:s6+$0xFFFFFFC0] =	vst v21  }
0x86: {  	v21 =	vld.idx.msk [tilespmem:v23+s22+$0x0], $0xffff  }
0x87: {  	v23 =	vld.idx.msk [tilespmem:v59+s15+$0x0], $0xffff  }
0x88: {  	v60 =	vld.idx.msk [tilespmem:v25+s15+$0x0], $0xffff  }
0x89: {  	v22 =	vld.idx.msk [tilespmem:v22+s22+$0x0], $0xffff;
	_ =	sdelay $0x2  }
0x8a: {  	s9 =	spop (v2sf)  }
0x8b: {  	s2 =	sand.u32 $0x7F, s9;
	s10 =	spop (v2sf)  }
0x8c: {  	s3 =	sand.u32 $0x7F, s10;
	v21 =	vmul.f32 v21, v23;
	v23 =	vor.u32 s2, v4;
	v22 =	vmul.f32 v22, v60  }
0x8d: {  	v61 =	vor.u32 s3, v5  }
0x8e: {  	v62 =	vor.u32 s2, v5;
	v21 =	vadd.f32 v22, v21  }
0x8f: {  	v22 =	vor.u32 s3, v4  }
0x90: {  	[tilespmem:s6+$0xFFFFFFD0] =	vst v21  }
0x91: {  	v21 =	vld.idx.msk [tilespmem:v23+s22+$0x0], $0xffff  }
0x92: {  	v23 =	vld.idx.msk [tilespmem:v61+s15+$0x0], $0xffff  }
0x93: {  	v63 =	vld.idx.msk [tilespmem:v62+s22+$0x0], $0xffff  }
0x94: {  	v22 =	vld.idx.msk [tilespmem:v22+s15+$0x0], $0xffff;
	_ =	sdelay $0x2  }
0x95: {  	(v2sf) =	vpush v20, $0x6;
	s11 =	spop (v2sf)  }
0x96: {  	(v2sf) =	vpush v19, $0x7;
	s2 =	sand.u32 $0x7F, s11  }
0x97: {  	s12 =	spop (v2sf);
	v21 =	vmul.f32 v21, v22;
	v22 =	vmul.f32 v63, v23;
	v23 =	vor.u32 s2, v6  }
0x98: {  	(v2sf) =	vpush v20, $0x7;
	v19 =	vor.u32 s2, v7;
	s3 =	sand.u32 $0x7F, s12  }
0x99: {  	(v2sf) =	vpush v18, $0x4;
	v20 =	vadd.f32 v22, v21;
	v21 =	vor.u32 s3, v7  }
0x9a: {  	v22 =	vor.u32 s3, v6;
	s3 =	spop (v2sf)  }
0x9b: {  	(v2sf) =	vpush v17, $0x4;
	s5 =	spop (v2sf);
	[tilespmem:s6+$0xFFFFFFE0] =	vst v20  }
0x9c: {  	s8 =	spop (v2sf);
	v20 =	vld.idx.msk [tilespmem:v23+s22+$0x0], $0xffff  }
0x9d: {  	(v2sf) =	vpush v18, $0x5;
	v19 =	vld.idx.msk [tilespmem:v19+s22+$0x0], $0xffff;
	s9 =	spop (v2sf)  }
0x9e: {  	s11 =	spop (v2sf);
	v21 =	vld.idx.msk [tilespmem:v21+s15+$0x0], $0xffff  }
0x9f: {  	(v2sf) =	vpush v17, $0x5;
	v22 =	vld.idx.msk [tilespmem:v22+s15+$0x0], $0xffff;
	s12 =	spop (v2sf)  }
0xa0: {  	s16 =	spop (v2sf)  }
0xa1: {  	(v2sf) =	vpush v18, $0x6;
	s18 =	spop (v2sf)  }
0xa2: {  	s14 =	spop (v2sf)  }
0xa3: {  	(v2sf) =	vpush v17, $0x6;
	s10 =	spop (v2sf)  }
0xa4: {  	v19 =	vmul.f32 v19, v21;
	v20 =	vmul.f32 v20, v22;
	s7 =	spop (v2sf)  }
0xa5: {  	(v2sf) =	vpush v18, $0x7;
	s4 =	spop (v2sf)  }
0xa6: {  	v19 =	vadd.f32 v19, v20;
	s1 =	spop (v2sf)  }
0xa7: {  	s13 =	sand.u32 $0xFFFFF80, s17;
	(v2sf) =	vpush v17, $0x7;
	s2 =	spop (v2sf)  }
0xa8: {  	s17 =	sand.u32 $0xFFFFF80, s0;
	s13 =	sadd.s32 s26, s13;
	[tilespmem:s6+$0xFFFFFFF0] =	vst v19;
	s0 =	spop (v2sf)  }
0xa9: {  	[tilespmem:s15], [sflag:$0x1] =	stream.strided.gather [hbm4b:s13+s21], $0x1000, s31, s21, $0x38;
	[tilespmem:$0x12700] =	vst v63  }
0xaa: {  	s17 =	sadd.s32 s30, s17;
	s13 =	sand.u32 $0xFFFFF80, s3;
	s3 =	spop (v2sf)  }
0xab: {  	[tilespmem:s22], [sflag:$0x3] =	stream.strided.gather [hbm4b:s17+s21], $0x1000, s31, s21, $0x38;
	[tilespmem:$0x12700] =	vst v63  }
0xac: {  	s13 =	sadd.s32 s26, s13;
	s17 =	sand.u32 $0xFFFFF80, s5;
	s5 =	spop (v2sf)  }
0xad: {  	[tilespmem:s19], [sflag:$0x1] =	stream.strided.gather [hbm4b:s13+s21], $0x1000, s31, s21, $0x38;
	[tilespmem:$0x12700] =	vst v63  }
0xae: {  	s17 =	sadd.s32 s30, s17;
	s19 =	sand.u32 $0xFFFFF80, s8;
	s8 =	spop (v2sf)  }
0xaf: {  	[tilespmem:s20], [sflag:$0x3] =	stream.strided.gather [hbm4b:s17+s21], $0x1000, s31, s21, $0x38;
	[tilespmem:$0x12700] =	vst v63  }
0xb0: {  	s19 =	sadd.s32 s26, s19;
	s17 =	sand.u32 $0xFFFFF80, s9;
	s9 =	spop (v2sf)  }
0xb1: {  	[tilespmem:s23], [sflag:$0x1] =	stream.strided.gather [hbm4b:s19+s21], $0x1000, s31, s21, $0x38;
	[tilespmem:$0x12700] =	vst v63  }
0xb2: {  	s20 =	sand.u32 $0xFFFFF80, s11;
	s11 =	spop (v2sf);
	s23 =	sadd.s32 s30, s17  }
0xb3: {  	[tilespmem:s24], [sflag:$0x3] =	stream.strided.gather [hbm4b:s23+s21], $0x1000, s31, s21, $0x38;
	[tilespmem:$0x12700] =	vst v63  }
0xb4: {  	s19 =	sadd.s32 s26, s20;
	s24 =	sand.u32 $0xFFFFF80, s12;
	s12 =	spop (v2sf)  }
0xb5: {  	[tilespmem:s25], [sflag:$0x1] =	stream.strided.gather [hbm4b:s19+s21], $0x1000, s31, s21, $0x38;
	[tilespmem:$0x12700] =	vst v63  }
0xb6: {  	s20 =	sadd.s32 s30, s24;
	s23 =	spop (v2sf);
	s24 =	simm.s32 $0x2  }
0xb7: {  	[tilespmem:s28], [sflag:$0x3] =	stream.strided.gather [hbm4b:s20+s21], $0x1000, s31, s21, $0x38;
	[tilespmem:$0x12700] =	vst v63  }
0xb8: {  	_ =	swait.ge [sflag:s24], $0x1000  }
0xb9: {  	[sflag:s24] =	ssyncset.done $0x0  }
0xba: {  	s25 =	simm.s32 $0x4;
	[sflag:s24] =	ssyncadd.s32 $0xFFFFF000  }
0xbb: {  	_ =	swait.ge [sflag:s25], $0x1000  }
0xbc: {  	[sflag:s25] =	ssyncset.done $0x0  }
0xbd: {  	[sflag:s25] =	ssyncadd.s32 $0xFFFFF000  }
0xbe: {  	_ =	swait.ge [sflag:s24], $0x1000  }
0xbf: {  	[sflag:s24] =	ssyncset.done $0x0  }
0xc0: {  	[sflag:s24] =	ssyncadd.s32 $0xFFFFF000  }
0xc1: {  	_ =	swait.ge [sflag:s25], $0x1000  }
0xc2: {  	[sflag:s25] =	ssyncset.done $0x0  }
0xc3: {  	[sflag:s25] =	ssyncadd.s32 $0xFFFFF000  }
0xc4: {  	_ =	swait.ge [sflag:s24], $0x1000  }
0xc5: {  	[sflag:s24] =	ssyncset.done $0x0  }
0xc6: {  	[sflag:s24] =	ssyncadd.s32 $0xFFFFF000  }
0xc7: {  	_ =	swait.ge [sflag:s25], $0x1000  }
0xc8: {  	[sflag:s25] =	ssyncset.done $0x0  }
0xc9: {  	[sflag:s25] =	ssyncadd.s32 $0xFFFFF000  }
0xca: {  	s16 =	sand.u32 $0x7F, s16;
	_ =	swait.ge [sflag:s24], $0x1000  }
0xcb: {  	v17 =	vor.u32 s16, v9;
	s28 =	sand.u32 $0x7F, s18;
	[sflag:s24] =	ssyncset.done $0x0  }
0xcc: {  	v18 =	vor.u32 s28, v9;
	[sflag:s24] =	ssyncadd.s32 $0xFFFFF000  }
0xcd: {  	v19 =	vor.u32 s16, v8;
	_ =	swait.ge [sflag:s25], $0x1000  }
0xce: {  	v20 =	vor.u32 s28, v8;
	[sflag:s25] =	ssyncset.done $0x0  }
0xcf: {  	[sflag:s25] =	ssyncadd.s32 $0xFFFFF000  }
0xd0: {  	v17 =	vld.idx.msk [tilespmem:v17+s22+$0x0], $0xffff  }
0xd1: {  	v18 =	vld.idx.msk [tilespmem:v18+s15+$0x0], $0xffff  }
0xd2: {  	v19 =	vld.idx.msk [tilespmem:v19+s22+$0x0], $0xffff  }
0xd3: {  	v20 =	vld.idx.msk [tilespmem:v20+s15+$0x0], $0xffff;
	_ =	sdelay $0x3  }
0xd4: {  	s14 =	sand.u32 $0x7F, s14  }
0xd5: {  	v17 =	vmul.f32 v17, v18;
	v18 =	vmul.f32 v19, v20;
	v19 =	vor.u32 s14, v11  }
0xd6: {  	s10 =	sand.u32 $0x7F, s10;
	v20 =	vor.u32 s14, v10  }
0xd7: {  	v21 =	vor.u32 s10, v11;
	v17 =	vadd.f32 v17, v18  }
0xd8: {  	v18 =	vor.u32 s10, v10  }
0xd9: {  	[tilespmem:s6+$0x0] =	vst v17  }
0xda: {  	v17 =	vld.idx.msk [tilespmem:v19+s22+$0x0], $0xffff  }
0xdb: {  	v19 =	vld.idx.msk [tilespmem:v20+s22+$0x0], $0xffff  }
0xdc: {  	v20 =	vld.idx.msk [tilespmem:v21+s15+$0x0], $0xffff  }
0xdd: {  	v18 =	vld.idx.msk [tilespmem:v18+s15+$0x0], $0xffff;
	_ =	sdelay $0x3  }
0xde: {  	s7 =	sand.u32 $0x7F, s7  }
0xdf: {  	v17 =	vmul.f32 v17, v20;
	v18 =	vmul.f32 v19, v18;
	v19 =	vor.u32 s7, v12  }
0xe0: {  	s4 =	sand.u32 $0x7F, s4;
	v20 =	vor.u32 s7, v13  }
0xe1: {  	v21 =	vor.u32 s4, v12;
	v17 =	vadd.f32 v17, v18  }
0xe2: {  	v18 =	vor.u32 s4, v13  }
0xe3: {  	[tilespmem:s6+$0x10] =	vst v17  }
0xe4: {  	v17 =	vld.idx.msk [tilespmem:v19+s15+$0x0], $0xffff  }
0xe5: {  	v19 =	vld.idx.msk [tilespmem:v20+s15+$0x0], $0xffff  }
0xe6: {  	v20 =	vld.idx.msk [tilespmem:v21+s22+$0x0], $0xffff  }
0xe7: {  	v18 =	vld.idx.msk [tilespmem:v18+s22+$0x0], $0xffff;
	_ =	sdelay $0x3  }
0xe8: {  	s1 =	sand.u32 $0x7F, s1  }
0xe9: {  	s2 =	sand.u32 $0x7F, s2;
	v17 =	vmul.f32 v20, v17;
	v18 =	vmul.f32 v18, v19;
	v19 =	vor.u32 s1, v14  }
0xea: {  	v21 =	vor.u32 s2, v15  }
0xeb: {  	v17 =	vadd.f32 v18, v17  }
0xec: {  	s16 =	sand.u32 $0xFFFFF80, s8  }
0xed: {  	s17 =	sand.u32 $0xFFFFF80, s5;
	s19 =	sand.u32 $0xFFFFF80, s3;
	s5 =	sand.u32 $0xFFFFF80, s23;
	[tilespmem:s6+$0x20] =	vst v17  }
0xee: {  	s3 =	simm.s32 $0x10540;
	s18 =	sand.u32 $0xFFFFF80, s0;
	s20 =	sand.u32 $0xFFFFF80, s9;
	v17 =	vld.idx.msk [tilespmem:v19+s15+$0x0], $0xffff  }
0xef: {  	s7 =	simm.s32 $0x20;
	s4 =	sand.u32 $0xFFFFF80, s11;
	s11 =	sand.u32 $0xFFFFF80, s12;
	v20 =	vor.u32 s1, v15;
	v18 =	vor.u32 s2, v14;
	v19 =	vld.idx.msk [tilespmem:v21+s22+$0x0], $0xffff  }
.LBB2_2:
0xf0: {  	_ =	sdelay $0x3  }
0xf1: {  	v20 =	vld.idx.msk [tilespmem:v20+s15+$0x0], $0xffff  }
0xf2: {  	v18 =	vld.idx.msk [tilespmem:v18+s22+$0x0], $0xffff;
	_ =	sdelay $0x4  }
0xf3: {  	v19 =	vmul.f32 v19, v20;
	v17 =	vmul.f32 v18, v17;
	_ =	sdelay $0x1  }
0xf4: {  	v17 =	vadd.f32 v19, v17;
	_ =	sdelay $0x1  }
0xf5: {  	s1 =	sadd.s32 s26, s18;
	[tilespmem:s3+$0x30] =	vst v17  }
0xf6: {  	[tilespmem:s29], [sflag:$0x2] =	stream.strided.gather [hbm4b:s1+s21], $0x1000, s31, s21, $0x38;
	[tilespmem:$0x12700] =	vst v63  }
0xf7: {  	s2 =	sadd.s32 s30, s19;
	s8 =	simm.s32 $0xC500  }
0xf8: {  	[tilespmem:s8], [sflag:$0x4] =	stream.strided.gather [hbm4b:s2+s21], $0x1000, s31, s21, $0x38;
	[tilespmem:$0x12700] =	vst v63  }
0xf9: {  	s28 =	sadd.s32 s26, s17;
	s10 =	simm.s32 $0x5500  }
0xfa: {  	[tilespmem:s10], [sflag:$0x2] =	stream.strided.gather [hbm4b:s28+s21], $0x1000, s31, s21, $0x38;
	[tilespmem:$0x12700] =	vst v63  }
0xfb: {  	s9 =	sadd.s32 s30, s16;
	s13 =	simm.s32 $0xD500  }
0xfc: {  	[tilespmem:s13], [sflag:$0x4] =	stream.strided.gather [hbm4b:s9+s21], $0x1000, s31, s21, $0x38;
	[tilespmem:$0x12700] =	vst v63  }
0xfd: {  	s12 =	sadd.s32 s26, s20;
	s16 =	simm.s32 $0x6500  }
0xfe: {  	[tilespmem:s16], [sflag:$0x2] =	stream.strided.gather [hbm4b:s12+s21], $0x1000, s31, s21, $0x38;
	[tilespmem:$0x12700] =	vst v63  }
0xff: {  	s14 =	sadd.s32 s30, s4;
	s18 =	simm.s32 $0xE500  }
0x100: {  	[tilespmem:s18], [sflag:$0x4] =	stream.strided.gather [hbm4b:s14+s21], $0x1000, s31, s21, $0x38;
	[tilespmem:$0x12700] =	vst v63  }
0x101: {  	s0 =	smov.u32 s7;
	s17 =	sadd.s32 s26, s11;
	s20 =	simm.s32 $0x7500  }
0x102: {  	[tilespmem:s20], [sflag:$0x2] =	stream.strided.gather [hbm4b:s17+s21], $0x1000, s31, s21, $0x38;
	[tilespmem:$0x12700] =	vst v63  }
0x103: {  	s19 =	sadd.s32 s30, s5;
	s23 =	simm.s32 $0xF500;
	s0 =	sshra.s32 s0, $0x2  }
0x104: {  	[tilespmem:s23], [sflag:$0x4] =	stream.strided.gather [hbm4b:s19+s21], $0x1000, s31, s21, $0x38;
	[tilespmem:$0x12700] =	vst v63  }
0x105: {  	v17 =	vld [tilespmem:s0+$0x288]  }
0x106: {  	s6 =	sadd.s32 $0x80, s6;
	v18 =	vld [tilespmem:s0+$0x8]  }
0x107: {  	s25 =	smov.u32 s6  }
0x108: {  	s24 =	simm.s32 $0x1;
	[dreg:$0x6] =	wrdreg s25;
	v19 =	vld [tilespmem:s0+$0x0]  }
0x109: {  	v20 =	vld [tilespmem:s0+$0x280];
	_ =	swait.ge [sflag:s24], $0x1000  }
0x10a: {  	[sflag:s24] =	ssyncset.done $0x0;
	(v2sf) =	vpush v17, $0x0  }
0x10b: {  	s25 =	simm.s32 $0x3;
	[sflag:s24] =	ssyncadd.s32 $0xFFFFF000;
	(v2sf) =	vpush v18, $0x0  }
0x10c: {  	_ =	swait.ge [sflag:s25], $0x1000  }
0x10d: {  	(v2sf) =	vpush v19, $0x0  }
0x10e: {  	[sflag:s25] =	ssyncset.done $0x0;
	(v2sf) =	vpush v20, $0x0  }
0x10f: {  	[sflag:s25] =	ssyncadd.s32 $0xFFFFF000;
	(v2sf) =	vpush v20, $0x1  }
0x110: {  	_ =	swait.ge [sflag:s24], $0x1000  }
0x111: {  	(v2sf) =	vpush v19, $0x1  }
0x112: {  	[sflag:s24] =	ssyncset.done $0x0;
	(v2sf) =	vpush v20, $0x2  }
0x113: {  	[sflag:s24] =	ssyncadd.s32 $0xFFFFF000;
	(v2sf) =	vpush v19, $0x2  }
0x114: {  	_ =	swait.ge [sflag:s25], $0x1000  }
0x115: {  	(v2sf) =	vpush v20, $0x3  }
0x116: {  	[sflag:s25] =	ssyncset.done $0x0;
	(v2sf) =	vpush v19, $0x3  }
0x117: {  	[sflag:s25] =	ssyncadd.s32 $0xFFFFF000;
	(v2sf) =	vpush v18, $0x1  }
0x118: {  	_ =	swait.ge [sflag:s24], $0x1000  }
0x119: {  	(v2sf) =	vpush v17, $0x1  }
0x11a: {  	[sflag:s24] =	ssyncset.done $0x0;
	(v2sf) =	vpush v18, $0x2  }
0x11b: {  	[sflag:s24] =	ssyncadd.s32 $0xFFFFF000;
	(v2sf) =	vpush v17, $0x2  }
0x11c: {  	_ =	swait.ge [sflag:s25], $0x1000  }
0x11d: {  	(v2sf) =	vpush v18, $0x3;
	s28 =	spop (v2sf)  }
0x11e: {  	[sflag:s25] =	ssyncset.done $0x0;
	(v2sf) =	vpush v17, $0x3;
	s0 =	sand.u32 $0xFFFFF80, s28  }
0x11f: {  	[sflag:s25] =	ssyncadd.s32 $0xFFFFF000;
	s1 =	spop (v2sf);
	[dreg:$0x9] =	wrdreg s0;
	(v2sf) =	vpush v20, $0x4  }
0x120: {  	_ =	swait.ge [sflag:s24], $0x1000  }
0x121: {  	s2 =	spop (v2sf);
	(v2sf) =	vpush v19, $0x4  }
0x122: {  	s5 =	spop (v2sf);
	(v2sf) =	vpush v20, $0x5  }
0x123: {  	[sflag:s24] =	ssyncset.done $0x0;
	s0 =	sand.u32 $0x7F, s2;
	s8 =	spop (v2sf);
	(v2sf) =	vpush v19, $0x5  }
0x124: {  	[sflag:s24] =	ssyncadd.s32 $0xFFFFF000;
	s2 =	sand.u32 $0x7F, s5;
	v21 =	vor.u32 s0, v0;
	s9 =	spop (v2sf);
	(v2sf) =	vpush v19, $0x6  }
0x125: {  	v24 =	vor.u32 s2, v1;
	_ =	swait.ge [sflag:s25], $0x1000  }
0x126: {  	v23 =	vor.u32 s2, v0;
	s10 =	spop (v2sf);
	(v2sf) =	vpush v20, $0x6  }
0x127: {  	v22 =	vor.u32 s0, v1;
	[sflag:s25] =	ssyncset.done $0x0;
	s11 =	spop (v2sf);
	(v2sf) =	vpush v19, $0x7  }
0x128: {  	[sflag:s25] =	ssyncadd.s32 $0xFFFFF000;
	s12 =	spop (v2sf);
	(v2sf) =	vpush v20, $0x7  }
0x129: {  	v19 =	vld.idx.msk [tilespmem:v21+s15+$0x0], $0xffff;
	s15 =	spop (v2sf);
	(v2sf) =	vpush v18, $0x4  }
0x12a: {  	s13 =	sand.u32 $0x7F, s10;
	s10 =	sand.u32 $0x7F, s12;
	v20 =	vld.idx.msk [tilespmem:v24+s22+$0x0], $0xffff;
	s16 =	spop (v2sf);
	(v2sf) =	vpush v17, $0x4  }
0x12b: {  	v21 =	vld.idx.msk [tilespmem:v23+s22+$0x0], $0xffff;
	s12 =	sand.u32 $0x7F, s15;
	s15 =	simm.s32 $0x500;
	s17 =	spop (v2sf);
	(v2sf) =	vpush v18, $0x5  }
0x12c: {  	v22 =	vld.idx.msk [tilespmem:v22+s15+$0x0], $0xffff;
	s18 =	spop (v2sf);
	(v2sf) =	vpush v17, $0x5  }
0x12d: {  	s19 =	spop (v2sf);
	(v2sf) =	vpush v18, $0x6  }
0x12e: {  	s20 =	spop (v2sf);
	(v2sf) =	vpush v17, $0x6  }
0x12f: {  	s5 =	sand.u32 $0x7F, s9;
	s9 =	spop (v2sf);
	(v2sf) =	vpush v18, $0x7  }
0x130: {  	s4 =	sand.u32 $0x7F, s8;
	s23 =	spop (v2sf);
	(v2sf) =	vpush v17, $0x7  }
0x131: {  	v17 =	vmul.f32 v21, v19;
	v18 =	vmul.f32 v20, v22;
	v19 =	vor.u32 s4, v2  }
0x132: {  	v20 =	vor.u32 s5, v2  }
0x133: {  	v21 =	vor.u32 s5, v3;
	v17 =	vadd.f32 v18, v17  }
0x134: {  	v18 =	vor.u32 s4, v3  }
0x135: {  	s22 =	sand.u32 $0xFFFFF80, s9;
	s9 =	simm.s32 $0x8500;
	[tilespmem:s6+$0xFFFFFFC0] =	vst v17  }
0x136: {  	v17 =	vld.idx.msk [tilespmem:v19+s9+$0x0], $0xffff  }
0x137: {  	v19 =	vld.idx.msk [tilespmem:v20+s15+$0x0], $0xffff  }
0x138: {  	v20 =	vld.idx.msk [tilespmem:v21+s15+$0x0], $0xffff  }
0x139: {  	v18 =	vld.idx.msk [tilespmem:v18+s9+$0x0], $0xffff;
	_ =	sdelay $0x4  }
0x13a: {  	s14 =	sand.u32 $0x7F, s11;
	v17 =	vmul.f32 v17, v19;
	v19 =	vor.u32 s13, v4;
	v18 =	vmul.f32 v18, v20  }
0x13b: {  	v20 =	vor.u32 s14, v5  }
0x13c: {  	v21 =	vor.u32 s13, v5;
	v17 =	vadd.f32 v18, v17  }
0x13d: {  	v18 =	vor.u32 s14, v4  }
0x13e: {  	[tilespmem:s6+$0xFFFFFFD0] =	vst v17  }
0x13f: {  	v17 =	vld.idx.msk [tilespmem:v19+s9+$0x0], $0xffff  }
0x140: {  	v19 =	vld.idx.msk [tilespmem:v20+s15+$0x0], $0xffff  }
0x141: {  	v20 =	vld.idx.msk [tilespmem:v21+s9+$0x0], $0xffff  }
0x142: {  	v18 =	vld.idx.msk [tilespmem:v18+s15+$0x0], $0xffff;
	_ =	sdelay $0x4  }
0x143: {  	v17 =	vmul.f32 v17, v18;
	v18 =	vmul.f32 v20, v19;
	v19 =	vor.u32 s10, v6  }
0x144: {  	v20 =	vor.u32 s10, v7  }
0x145: {  	v21 =	vor.u32 s12, v6;
	v17 =	vadd.f32 v18, v17  }
0x146: {  	v18 =	vor.u32 s12, v7  }
0x147: {  	[tilespmem:s6+$0xFFFFFFE0] =	vst v17  }
0x148: {  	s1 =	sand.u32 $0xFFFFF80, s1;
	s24 =	spop (v2sf);
	v17 =	vld.idx.msk [tilespmem:v19+s9+$0x0], $0xffff  }
0x149: {  	s1 =	sadd.s32 s26, s1;
	s8 =	simm.s32 $0x400;
	s25 =	spop (v2sf);
	v19 =	vld.idx.msk [tilespmem:v20+s9+$0x0], $0xffff  }
0x14a: {  	s2 =	simm.s32 $0x7A1400;
	s0 =	sand.u32 $0xFFFFF80, s16;
	s11 =	spop (v2sf);
	v20 =	vld.idx.msk [tilespmem:v21+s15+$0x0], $0xffff  }
0x14b: {  	[dreg:$0xa] =	wrdreg s0;
	s21 =	sand.u32 $0xFFFFF80, s17;
	s16 =	spop (v2sf);
	v18 =	vld.idx.msk [tilespmem:v18+s15+$0x0], $0xffff  }
0x14c: {  	s31 =	sand.u32 $0xFFFFF80, s18;
	s3 =	sand.u32 $0xFFFFF80, s20;
	s17 =	spop (v2sf)  }
0x14d: {  	s0 =	sand.u32 $0xFFFFF80, s19;
	[dreg:$0xb] =	wrdreg s3;
	s18 =	spop (v2sf)  }
0x14e: {  	s0 =	sadd.s32 s30, s0;
	[dreg:$0xc] =	wrdreg s22;
	s19 =	spop (v2sf)  }
0x14f: {  	s28 =	sand.u32 $0x7F, s23;
	s29 =	sand.u32 $0x7F, s24;
	s20 =	spop (v2sf)  }
0x150: {  	s24 =	sand.u32 $0x7F, s11;
	s23 =	sand.u32 $0x7F, s16;
	s5 =	spop (v2sf);
	v17 =	vmul.f32 v17, v20;
	v18 =	vmul.f32 v19, v18  }
0x151: {  	[dreg:$0x7] =	wrdreg s18;
	s4 =	sand.u32 $0x7F, s19;
	s11 =	spop (v2sf)  }
0x152: {  	s22 =	sand.u32 $0x7F, s17;
	[dreg:$0x8] =	wrdreg s4;
	s16 =	spop (v2sf);
	v17 =	vadd.f32 v18, v17  }
0x153: {  	s18 =	sand.u32 $0xFFFFF80, s20;
	s13 =	rddreg [dreg:$0xa];
	s20 =	spop (v2sf)  }
0x154: {  	s19 =	sand.u32 $0xFFFFF80, s5;
	s5 =	spop (v2sf);
	s12 =	rddreg [dreg:$0x9];
	[tilespmem:s6+$0xFFFFFFF0] =	vst v17  }
0x155: {  	[tilespmem:s15], [sflag:$0x1] =	stream.strided.gather [hbm4b:s1+s8], $0x1000, s2, s8, $0x38;
	[tilespmem:$0x12700] =	vst v63  }
0x156: {  	s17 =	sand.u32 $0xFFFFF80, s11;
	s4 =	sand.u32 $0xFFFFF80, s5;
	s1 =	sadd.s32 s30, s12  }
0x157: {  	[tilespmem:s9], [sflag:$0x3] =	stream.strided.gather [hbm4b:s1+s8], $0x1000, s2, s8, $0x38;
	[tilespmem:$0x12700] =	vst v63  }
0x158: {  	s11 =	spop (v2sf);
	s14 =	simm.s32 $0x1500;
	s1 =	sadd.s32 s26, s13  }
0x159: {  	[tilespmem:s14], [sflag:$0x1] =	stream.strided.gather [hbm4b:s1+s8], $0x1000, s2, s8, $0x38;
	[tilespmem:$0x12700] =	vst v63  }
0x15a: {  	s10 =	sadd.s32 s30, s21;
	s21 =	simm.s32 $0x400;
	s12 =	simm.s32 $0x9500  }
0x15b: {  	[tilespmem:s12], [sflag:$0x3] =	stream.strided.gather [hbm4b:s10+s21], $0x1000, s2, s21, $0x38;
	[tilespmem:$0x12700] =	vst v63  }
0x15c: {  	s13 =	sadd.s32 s26, s31;
	s31 =	simm.s32 $0x7A1400;
	s14 =	simm.s32 $0x2500  }
0x15d: {  	[tilespmem:s14], [sflag:$0x1] =	stream.strided.gather [hbm4b:s13+s21], $0x1000, s31, s21, $0x38;
	[tilespmem:$0x12700] =	vst v63  }
0x15e: {  	s5 =	spop (v2sf);
	s8 =	rddreg [dreg:$0xb];
	s2 =	simm.s32 $0xA500  }
0x15f: {  	[tilespmem:s2], [sflag:$0x3] =	stream.strided.gather [hbm4b:s0+s21], $0x1000, s31, s21, $0x38;
	[tilespmem:$0x12700] =	vst v63  }
0x160: {  	s10 =	simm.s32 $0x3500;
	s12 =	rddreg [dreg:$0xc];
	s0 =	sadd.s32 s26, s8  }
0x161: {  	[tilespmem:s10], [sflag:$0x1] =	stream.strided.gather [hbm4b:s0+s21], $0x1000, s31, s21, $0x38;
	[tilespmem:$0x12700] =	vst v63  }
0x162: {  	s13 =	simm.s32 $0xB500;
	s14 =	simm.s32 $0x2;
	s0 =	sadd.s32 s30, s12  }
0x163: {  	[tilespmem:s13], [sflag:$0x3] =	stream.strided.gather [hbm4b:s0+s21], $0x1000, s31, s21, $0x38;
	[tilespmem:$0x12700] =	vst v63  }
0x164: {  	_ =	swait.ge [sflag:s14], $0x1000  }
0x165: {  	[sflag:s14] =	ssyncset.done $0x0  }
0x166: {  	s3 =	simm.s32 $0x4;
	[sflag:s14] =	ssyncadd.s32 $0xFFFFF000  }
0x167: {  	_ =	swait.ge [sflag:s3], $0x1000  }
0x168: {  	[sflag:s3] =	ssyncset.done $0x0  }
0x169: {  	[sflag:s3] =	ssyncadd.s32 $0xFFFFF000  }
0x16a: {  	_ =	swait.ge [sflag:s14], $0x1000  }
0x16b: {  	[sflag:s14] =	ssyncset.done $0x0  }
0x16c: {  	[sflag:s14] =	ssyncadd.s32 $0xFFFFF000  }
0x16d: {  	_ =	swait.ge [sflag:s3], $0x1000  }
0x16e: {  	[sflag:s3] =	ssyncset.done $0x0  }
0x16f: {  	[sflag:s3] =	ssyncadd.s32 $0xFFFFF000  }
0x170: {  	_ =	swait.ge [sflag:s14], $0x1000  }
0x171: {  	[sflag:s14] =	ssyncset.done $0x0  }
0x172: {  	[sflag:s14] =	ssyncadd.s32 $0xFFFFF000  }
0x173: {  	_ =	swait.ge [sflag:s3], $0x1000  }
0x174: {  	[sflag:s3] =	ssyncset.done $0x0  }
0x175: {  	[sflag:s3] =	ssyncadd.s32 $0xFFFFF000  }
0x176: {  	_ =	swait.ge [sflag:s14], $0x1000  }
0x177: {  	v17 =	vor.u32 s28, v9;
	[sflag:s14] =	ssyncset.done $0x0  }
0x178: {  	v18 =	vor.u32 s29, v9;
	[sflag:s14] =	ssyncadd.s32 $0xFFFFF000  }
0x179: {  	v19 =	vor.u32 s28, v8;
	s2 =	simm.s32 $0x4;
	_ =	swait.ge [sflag:s3], $0x1000  }
0x17a: {  	v20 =	vor.u32 s29, v8;
	[sflag:s2] =	ssyncset.done $0x0  }
0x17b: {  	[sflag:s2] =	ssyncadd.s32 $0xFFFFF000  }
0x17c: {  	s15 =	simm.s32 $0x500;
	v17 =	vld.idx.msk [tilespmem:v17+s9+$0x0], $0xffff  }
0x17d: {  	v18 =	vld.idx.msk [tilespmem:v18+s15+$0x0], $0xffff  }
0x17e: {  	v19 =	vld.idx.msk [tilespmem:v19+s9+$0x0], $0xffff  }
0x17f: {  	v20 =	vld.idx.msk [tilespmem:v20+s15+$0x0], $0xffff;
	_ =	sdelay $0x3  }
0x180: {  	s25 =	sand.u32 $0x7F, s25  }
0x181: {  	v17 =	vmul.f32 v17, v18;
	v18 =	vmul.f32 v19, v20;
	v19 =	vor.u32 s25, v11  }
0x182: {  	v20 =	vor.u32 s25, v10  }
0x183: {  	v21 =	vor.u32 s24, v11;
	v17 =	vadd.f32 v17, v18  }
0x184: {  	v18 =	vor.u32 s24, v10  }
0x185: {  	[tilespmem:s6+$0x0] =	vst v17  }
0x186: {  	v17 =	vld.idx.msk [tilespmem:v19+s9+$0x0], $0xffff  }
0x187: {  	v19 =	vld.idx.msk [tilespmem:v20+s9+$0x0], $0xffff  }
0x188: {  	v20 =	vld.idx.msk [tilespmem:v21+s15+$0x0], $0xffff  }
0x189: {  	v18 =	vld.idx.msk [tilespmem:v18+s15+$0x0], $0xffff;
	_ =	sdelay $0x4  }
0x18a: {  	v17 =	vmul.f32 v17, v20;
	v18 =	vmul.f32 v19, v18;
	v19 =	vor.u32 s23, v12  }
0x18b: {  	v20 =	vor.u32 s23, v13  }
0x18c: {  	v21 =	vor.u32 s22, v12;
	v17 =	vadd.f32 v17, v18  }
0x18d: {  	v18 =	vor.u32 s22, v13  }
0x18e: {  	[tilespmem:s6+$0x10] =	vst v17  }
0x18f: {  	v17 =	vld.idx.msk [tilespmem:v19+s15+$0x0], $0xffff  }
0x190: {  	s22 =	simm.s32 $0x8500;
	v19 =	vld.idx.msk [tilespmem:v20+s15+$0x0], $0xffff  }
0x191: {  	v20 =	vld.idx.msk [tilespmem:v21+s22+$0x0], $0xffff  }
0x192: {  	v18 =	vld.idx.msk [tilespmem:v18+s22+$0x0], $0xffff;
	_ =	sdelay $0x2  }
0x193: {  	s25 =	rddreg [dreg:$0x7]  }
0x194: {  	s0 =	sand.u32 $0x7F, s25  }
0x195: {  	s28 =	rddreg [dreg:$0x8];
	v17 =	vmul.f32 v20, v17;
	v18 =	vmul.f32 v18, v19;
	v19 =	vor.u32 s0, v14  }
0x196: {  	p0 =	sne.s32 s7, $0x7C0;
	v21 =	vor.u32 s28, v15  }
.Ltmp0:
0x197: {  	v17 =	vadd.f32 v18, v17;
	(pc) =	sbr.rel @p0 .LBB2_2-.Ltmp0, $4  }
0x198: {  	_ = 	snop  }
0x199: {  	s7 =	sadd.s32 $0x20, s7;
	[tilespmem:s6+$0x20] =	vst v17  }
0x19a: {  	s16 =	sand.u32 $0xFFFFF80, s16;
	s20 =	sand.u32 $0xFFFFF80, s20;
	s11 =	sand.u32 $0xFFFFF80, s11;
	v17 =	vld.idx.msk [tilespmem:v19+s15+$0x0], $0xffff  }
0x19b: {  	s5 =	sand.u32 $0xFFFFF80, s5;
	s29 =	simm.s32 $0x4500;
	s3 =	rddreg [dreg:$0x6];
	v20 =	vor.u32 s0, v15;
	v18 =	vor.u32 s28, v14;
	v19 =	vld.idx.msk [tilespmem:v21+s22+$0x0], $0xffff  }
0x19c: {  	_ =	sdelay $0x3  }
0x19d: {  	v20 =	vld.idx.msk [tilespmem:v20+s15+$0x0], $0xffff  }
0x19e: {  	v18 =	vld.idx.msk [tilespmem:v18+s22+$0x0], $0xffff;
	_ =	sdelay $0x4  }
0x19f: {  	v19 =	vmul.f32 v19, v20;
	v17 =	vmul.f32 v18, v17;
	_ =	sdelay $0x1  }
0x1a0: {  	v17 =	vadd.f32 v19, v17;
	_ =	sdelay $0x1  }
0x1a1: {  	s0 =	sadd.s32 s26, s18;
	[tilespmem:s3+$0x30] =	vst v17  }
0x1a2: {  	[tilespmem:s29], [sflag:$0x2] =	stream.strided.gather [hbm4b:s0+s21], $0x1000, s31, s21, $0x38;
	[tilespmem:$0x12700] =	vst v63  }
0x1a3: {  	s8 =	sadd.s32 s30, s19;
	s1 =	simm.s32 $0xC500  }
0x1a4: {  	[tilespmem:s1], [sflag:$0x4] =	stream.strided.gather [hbm4b:s8+s21], $0x1000, s31, s21, $0x38;
	[tilespmem:$0x12700] =	vst v63  }
0x1a5: {  	s9 =	sadd.s32 s26, s17;
	s10 =	simm.s32 $0x5500  }
0x1a6: {  	[tilespmem:s10], [sflag:$0x2] =	stream.strided.gather [hbm4b:s9+s21], $0x1000, s31, s21, $0x38;
	[tilespmem:$0x12700] =	vst v63  }
0x1a7: {  	s12 =	sadd.s32 s30, s16;
	s13 =	simm.s32 $0xD500  }
0x1a8: {  	[tilespmem:s13], [sflag:$0x4] =	stream.strided.gather [hbm4b:s12+s21], $0x1000, s31, s21, $0x38;
	[tilespmem:$0x12700] =	vst v63  }
0x1a9: {  	s14 =	sadd.s32 s26, s20;
	s16 =	simm.s32 $0x6500  }
0x1aa: {  	[tilespmem:s16], [sflag:$0x2] =	stream.strided.gather [hbm4b:s14+s21], $0x1000, s31, s21, $0x38;
	[tilespmem:$0x12700] =	vst v63  }
0x1ab: {  	s17 =	sadd.s32 s30, s4;
	s18 =	simm.s32 $0xE500  }
0x1ac: {  	[tilespmem:s18], [sflag:$0x4] =	stream.strided.gather [hbm4b:s17+s21], $0x1000, s31, s21, $0x38;
	[tilespmem:$0x12700] =	vst v63  }
0x1ad: {  	s19 =	sadd.s32 s26, s11;
	s20 =	simm.s32 $0x7500  }
0x1ae: {  	[tilespmem:s20], [sflag:$0x2] =	stream.strided.gather [hbm4b:s19+s21], $0x1000, s31, s21, $0x38;
	[tilespmem:$0x12700] =	vst v63  }
0x1af: {  	s23 =	sadd.s32 s30, s5;
	s24 =	simm.s32 $0xF500  }
0x1b0: {  	[tilespmem:s24], [sflag:$0x4] =	stream.strided.gather [hbm4b:s23+s21], $0x1000, s31, s21, $0x38;
	[tilespmem:$0x12700] =	vst v63  }
0x1b1: {  	s25 =	simm.s32 $0x1;
	v18 =	vld [tilespmem:$0x1F8]  }
0x1b2: {  	v17 =	vld [tilespmem:$0x478];
	_ =	swait.ge [sflag:s25], $0x1000  }
0x1b3: {  	[sflag:s25] =	ssyncset.done $0x0  }
0x1b4: {  	s28 =	simm.s32 $0x3;
	[sflag:s25] =	ssyncadd.s32 $0xFFFFF000  }
0x1b5: {  	_ =	swait.ge [sflag:s28], $0x1000  }
0x1b6: {  	[sflag:s28] =	ssyncset.done $0x0  }
0x1b7: {  	[sflag:s28] =	ssyncadd.s32 $0xFFFFF000  }
0x1b8: {  	_ =	swait.ge [sflag:s25], $0x1000  }
0x1b9: {  	[sflag:s25] =	ssyncset.done $0x0  }
0x1ba: {  	[sflag:s25] =	ssyncadd.s32 $0xFFFFF000  }
0x1bb: {  	_ =	swait.ge [sflag:s28], $0x1000  }
0x1bc: {  	[sflag:s28] =	ssyncset.done $0x0  }
0x1bd: {  	[sflag:s28] =	ssyncadd.s32 $0xFFFFF000  }
0x1be: {  	_ =	swait.ge [sflag:s25], $0x1000  }
0x1bf: {  	[sflag:s25] =	ssyncset.done $0x0  }
0x1c0: {  	[sflag:s25] =	ssyncadd.s32 $0xFFFFF000  }
0x1c1: {  	_ =	swait.ge [sflag:s28], $0x1000  }
0x1c2: {  	[sflag:s28] =	ssyncset.done $0x0  }
0x1c3: {  	[sflag:s28] =	ssyncadd.s32 $0xFFFFF000  }
0x1c4: {  	_ =	swait.ge [sflag:s25], $0x1000  }
0x1c5: {  	[sflag:s25] =	ssyncset.done $0x0  }
0x1c6: {  	[sflag:s25] =	ssyncadd.s32 $0xFFFFF000  }
0x1c7: {  	_ =	swait.ge [sflag:s28], $0x1000  }
0x1c8: {  	(v2sf) =	vpush v18, $0x0;
	_ =	sdelay $0x1  }
0x1c9: {  	(v2sf) =	vpush v17, $0x0;
	_ =	sdelay $0xa  }
0x1ca: {  	(v2sf) =	vpush v18, $0x1;
	_ =	sdelay $0x1  }
0x1cb: {  	s4 =	spop (v2sf);
	(v2sf) =	vpush v17, $0x1  }
0x1cc: {  	s0 =	sand.u32 $0x7F, s4  }
0x1cd: {  	s5 =	spop (v2sf);
	v19 =	vor.u32 s0, v0  }
0x1ce: {  	s1 =	sand.u32 $0x7F, s5;
	v20 =	vor.u32 s0, v1  }
0x1cf: {  	v21 =	vor.u32 s1, v0  }
0x1d0: {  	[sflag:s28] =	ssyncset.done $0x0;
	v22 =	vor.u32 s1, v1  }
0x1d1: {  	[sflag:s28] =	ssyncadd.s32 $0xFFFFF000  }
0x1d2: {  	v19 =	vld.idx.msk [tilespmem:v19+s15+$0x0], $0xffff  }
0x1d3: {  	v20 =	vld.idx.msk [tilespmem:v20+s15+$0x0], $0xffff  }
0x1d4: {  	v21 =	vld.idx.msk [tilespmem:v21+s22+$0x0], $0xffff  }
0x1d5: {  	v22 =	vld.idx.msk [tilespmem:v22+s22+$0x0], $0xffff  }
0x1d6: {  	(v2sf) =	vpush v18, $0x2;
	_ =	sdelay $0x1  }
0x1d7: {  	s6 =	spop (v2sf);
	(v2sf) =	vpush v17, $0x2  }
0x1d8: {  	s0 =	sand.u32 $0x7F, s6  }
0x1d9: {  	v19 =	vmul.f32 v21, v19;
	v20 =	vmul.f32 v22, v20;
	v21 =	vor.u32 s0, v2;
	s7 =	spop (v2sf)  }
0x1da: {  	v22 =	vor.u32 s0, v3;
	s1 =	sand.u32 $0x7F, s7  }
0x1db: {  	v19 =	vadd.f32 v20, v19;
	v20 =	vor.u32 s1, v2  }
0x1dc: {  	v23 =	vor.u32 s1, v3  }
0x1dd: {  	[tilespmem:$0x12480] =	vst v19  }
0x1de: {  	v19 =	vld.idx.msk [tilespmem:v21+s15+$0x0], $0xffff  }
0x1df: {  	v21 =	vld.idx.msk [tilespmem:v22+s15+$0x0], $0xffff  }
0x1e0: {  	v20 =	vld.idx.msk [tilespmem:v20+s22+$0x0], $0xffff  }
0x1e1: {  	v22 =	vld.idx.msk [tilespmem:v23+s22+$0x0], $0xffff  }
0x1e2: {  	(v2sf) =	vpush v18, $0x3;
	_ =	sdelay $0x1  }
0x1e3: {  	s8 =	spop (v2sf);
	(v2sf) =	vpush v17, $0x3  }
0x1e4: {  	s0 =	sand.u32 $0x7F, s8  }
0x1e5: {  	s9 =	spop (v2sf);
	v19 =	vmul.f32 v20, v19;
	v20 =	vmul.f32 v22, v21;
	v21 =	vor.u32 s0, v4  }
0x1e6: {  	s1 =	sand.u32 $0x7F, s9;
	v22 =	vor.u32 s0, v5  }
0x1e7: {  	v23 =	vor.u32 s1, v5;
	v19 =	vadd.f32 v20, v19  }
0x1e8: {  	v20 =	vor.u32 s1, v4  }
0x1e9: {  	[tilespmem:$0x12490] =	vst v19  }
0x1ea: {  	v19 =	vld.idx.msk [tilespmem:v21+s15+$0x0], $0xffff  }
0x1eb: {  	v21 =	vld.idx.msk [tilespmem:v22+s15+$0x0], $0xffff  }
0x1ec: {  	v22 =	vld.idx.msk [tilespmem:v23+s22+$0x0], $0xffff  }
0x1ed: {  	v20 =	vld.idx.msk [tilespmem:v20+s22+$0x0], $0xffff;
	_ =	sdelay $0x2  }
0x1ee: {  	s10 =	spop (v2sf)  }
0x1ef: {  	s0 =	sand.u32 $0x7F, s10  }
0x1f0: {  	s11 =	spop (v2sf);
	v19 =	vmul.f32 v20, v19;
	v20 =	vmul.f32 v22, v21;
	v21 =	vor.u32 s0, v6  }
0x1f1: {  	s1 =	sand.u32 $0x7F, s11;
	v22 =	vor.u32 s0, v7  }
0x1f2: {  	v23 =	vor.u32 s1, v7;
	v19 =	vadd.f32 v20, v19  }
0x1f3: {  	v20 =	vor.u32 s1, v6  }
0x1f4: {  	[tilespmem:$0x124A0] =	vst v19  }
0x1f5: {  	v19 =	vld.idx.msk [tilespmem:v21+s15+$0x0], $0xffff  }
0x1f6: {  	v21 =	vld.idx.msk [tilespmem:v22+s15+$0x0], $0xffff  }
0x1f7: {  	v22 =	vld.idx.msk [tilespmem:v23+s22+$0x0], $0xffff  }
0x1f8: {  	v20 =	vld.idx.msk [tilespmem:v20+s22+$0x0], $0xffff;
	_ =	sdelay $0x4  }
0x1f9: {  	v19 =	vmul.f32 v20, v19;
	v20 =	vmul.f32 v22, v21;
	_ =	sdelay $0x1  }
0x1fa: {  	v19 =	vadd.f32 v20, v19;
	_ =	sdelay $0x1  }
0x1fb: {  	s12 =	simm.s32 $0x2;
	[tilespmem:$0x124B0] =	vst v19  }
0x1fc: {  	_ =	swait.ge [sflag:s12], $0x1000  }
0x1fd: {  	[sflag:s12] =	ssyncset.done $0x0  }
0x1fe: {  	[sflag:s12] =	ssyncadd.s32 $0xFFFFF000  }
0x1ff: {  	_ =	swait.ge [sflag:s2], $0x1000  }
0x200: {  	[sflag:s2] =	ssyncset.done $0x0  }
0x201: {  	[sflag:s2] =	ssyncadd.s32 $0xFFFFF000  }
0x202: {  	_ =	swait.ge [sflag:s12], $0x1000  }
0x203: {  	[sflag:s12] =	ssyncset.done $0x0  }
0x204: {  	[sflag:s12] =	ssyncadd.s32 $0xFFFFF000  }
0x205: {  	_ =	swait.ge [sflag:s2], $0x1000  }
0x206: {  	[sflag:s2] =	ssyncset.done $0x0  }
0x207: {  	[sflag:s2] =	ssyncadd.s32 $0xFFFFF000  }
0x208: {  	_ =	swait.ge [sflag:s12], $0x1000  }
0x209: {  	[sflag:s12] =	ssyncset.done $0x0  }
0x20a: {  	[sflag:s12] =	ssyncadd.s32 $0xFFFFF000  }
0x20b: {  	_ =	swait.ge [sflag:s2], $0x1000  }
0x20c: {  	[sflag:s2] =	ssyncset.done $0x0  }
0x20d: {  	[sflag:s2] =	ssyncadd.s32 $0xFFFFF000  }
0x20e: {  	_ =	swait.ge [sflag:s12], $0x1000  }
0x20f: {  	[sflag:s12] =	ssyncset.done $0x0  }
0x210: {  	[sflag:s12] =	ssyncadd.s32 $0xFFFFF000  }
0x211: {  	_ =	swait.ge [sflag:s2], $0x1000  }
0x212: {  	(v2sf) =	vpush v18, $0x4;
	_ =	sdelay $0x1  }
0x213: {  	(v2sf) =	vpush v17, $0x4;
	_ =	sdelay $0xa  }
0x214: {  	(v2sf) =	vpush v18, $0x5;
	_ =	sdelay $0x1  }
0x215: {  	s13 =	spop (v2sf);
	(v2sf) =	vpush v17, $0x5  }
0x216: {  	s0 =	sand.u32 $0x7F, s13  }
0x217: {  	s14 =	spop (v2sf);
	v19 =	vor.u32 s0, v8  }
0x218: {  	s1 =	sand.u32 $0x7F, s14;
	v20 =	vor.u32 s0, v9  }
0x219: {  	v21 =	vor.u32 s1, v8  }
0x21a: {  	[sflag:s2] =	ssyncset.done $0x0;
	v22 =	vor.u32 s1, v9  }
0x21b: {  	[sflag:s2] =	ssyncadd.s32 $0xFFFFF000  }
0x21c: {  	v19 =	vld.idx.msk [tilespmem:v19+s15+$0x0], $0xffff  }
0x21d: {  	v20 =	vld.idx.msk [tilespmem:v20+s15+$0x0], $0xffff  }
0x21e: {  	v21 =	vld.idx.msk [tilespmem:v21+s22+$0x0], $0xffff  }
0x21f: {  	v22 =	vld.idx.msk [tilespmem:v22+s22+$0x0], $0xffff  }
0x220: {  	(v2sf) =	vpush v18, $0x6;
	_ =	sdelay $0x1  }
0x221: {  	s16 =	spop (v2sf);
	(v2sf) =	vpush v17, $0x6  }
0x222: {  	s0 =	sand.u32 $0x7F, s16  }
0x223: {  	v19 =	vmul.f32 v21, v19;
	v20 =	vmul.f32 v22, v20;
	v21 =	vor.u32 s0, v10;
	s17 =	spop (v2sf)  }
0x224: {  	v22 =	vor.u32 s0, v11;
	s1 =	sand.u32 $0x7F, s17  }
0x225: {  	v19 =	vadd.f32 v20, v19;
	v20 =	vor.u32 s1, v10  }
0x226: {  	v23 =	vor.u32 s1, v11  }
0x227: {  	[tilespmem:$0x124C0] =	vst v19  }
0x228: {  	v19 =	vld.idx.msk [tilespmem:v21+s15+$0x0], $0xffff  }
0x229: {  	v21 =	vld.idx.msk [tilespmem:v22+s15+$0x0], $0xffff  }
0x22a: {  	v20 =	vld.idx.msk [tilespmem:v20+s22+$0x0], $0xffff  }
0x22b: {  	v22 =	vld.idx.msk [tilespmem:v23+s22+$0x0], $0xffff  }
0x22c: {  	(v2sf) =	vpush v18, $0x7;
	_ =	sdelay $0x1  }
0x22d: {  	s18 =	spop (v2sf);
	(v2sf) =	vpush v17, $0x7  }
0x22e: {  	s0 =	sand.u32 $0x7F, s18  }
0x22f: {  	s19 =	spop (v2sf);
	v17 =	vmul.f32 v20, v19;
	v18 =	vmul.f32 v22, v21;
	v19 =	vor.u32 s0, v12  }
0x230: {  	s1 =	sand.u32 $0x7F, s19;
	v20 =	vor.u32 s0, v13  }
0x231: {  	v21 =	vor.u32 s1, v13;
	v17 =	vadd.f32 v18, v17  }
0x232: {  	v18 =	vor.u32 s1, v12  }
0x233: {  	[tilespmem:$0x124D0] =	vst v17  }
0x234: {  	v17 =	vld.idx.msk [tilespmem:v19+s15+$0x0], $0xffff  }
0x235: {  	v19 =	vld.idx.msk [tilespmem:v20+s15+$0x0], $0xffff  }
0x236: {  	v20 =	vld.idx.msk [tilespmem:v21+s22+$0x0], $0xffff  }
0x237: {  	v18 =	vld.idx.msk [tilespmem:v18+s22+$0x0], $0xffff;
	_ =	sdelay $0x2  }
0x238: {  	s20 =	spop (v2sf)  }
0x239: {  	s0 =	sand.u32 $0x7F, s20  }
0x23a: {  	s23 =	spop (v2sf);
	v17 =	vmul.f32 v18, v17;
	v18 =	vmul.f32 v20, v19;
	v19 =	vor.u32 s0, v14  }
0x23b: {  	s1 =	sand.u32 $0x7F, s23;
	v20 =	vor.u32 s0, v15  }
0x23c: {  	v21 =	vor.u32 s1, v15;
	v17 =	vadd.f32 v18, v17  }
0x23d: {  	v18 =	vor.u32 s1, v14  }
0x23e: {  	[tilespmem:$0x124E0] =	vst v17  }
0x23f: {  	v17 =	vld.idx.msk [tilespmem:v19+s15+$0x0], $0xffff  }
0x240: {  	v19 =	vld.idx.msk [tilespmem:v20+s15+$0x0], $0xffff  }
0x241: {  	v20 =	vld.idx.msk [tilespmem:v21+s22+$0x0], $0xffff  }
0x242: {  	v18 =	vld.idx.msk [tilespmem:v18+s22+$0x0], $0xffff  }
0x243: {  	s24 =	simm.s32 $0x0  }
0x244: {  	v21 =	vmov s24  }
0x245: {  	v21 =	vshll.u32 v21, $0x4  }
0x246: {  	v21 =	vor.u32 v16, v21  }
0x247: {  	v17 =	vmul.f32 v18, v17;
	v18 =	vmul.f32 v20, v19;
	v19 =	vor.u32 $0x1, v21;
	_ =	sdelay $0x1  }
0x248: {  	v17 =	vadd.f32 v18, v17  }
0x249: {  	v18 =	vor.u32 $0x2, v21  }
0x24a: {  	s2 =	simm.s32 $0x10500;
	[tilespmem:$0x124F0] =	vst v17  }
0x24b: {  	v17 =	vld.idx.msk [tilespmem:v19+s2+$0x0], $0xffff;
	v19 =	vor.u32 $0x3, v21  }
0x24c: {  	v20 =	vld.idx.msk [tilespmem:v21+s2+$0x0], $0xffff  }
0x24d: {  	v22 =	vor.u32 $0x4, v21  }
0x24e: {  	v18 =	vld.idx.msk [tilespmem:v18+s2+$0x0], $0xffff  }
0x24f: {  	v23 =	vor.u32 $0x5, v21  }
0x250: {  	v19 =	vld.idx.msk [tilespmem:v19+s2+$0x0], $0xffff  }
0x251: {  	v24 =	vor.u32 $0x6, v21;
	v17 =	vadd.f32 v17, v20  }
0x252: {  	v20 =	vld.idx.msk [tilespmem:v22+s2+$0x0], $0xffff  }
0x253: {  	v22 =	vor.u32 $0x7, v21;
	v17 =	vadd.f32 v18, v17  }
0x254: {  	v18 =	vld.idx.msk [tilespmem:v23+s2+$0x0], $0xffff  }
0x255: {  	v23 =	vor.u32 $0x8, v21;
	v17 =	vadd.f32 v19, v17  }
0x256: {  	v19 =	vld.idx.msk [tilespmem:v24+s2+$0x0], $0xffff  }
0x257: {  	v59 =	vor.u32 $0x9, v21;
	v17 =	vadd.f32 v20, v17  }
0x258: {  	v20 =	vld.idx.msk [tilespmem:v22+s2+$0x0], $0xffff  }
0x259: {  	v22 =	vor.u32 $0xA, v21;
	v17 =	vadd.f32 v18, v17  }
0x25a: {  	v18 =	vld.idx.msk [tilespmem:v23+s2+$0x0], $0xffff  }
0x25b: {  	v23 =	vor.u32 $0xB, v21;
	v17 =	vadd.f32 v19, v17  }
0x25c: {  	v19 =	vld.idx.msk [tilespmem:v59+s2+$0x0], $0xffff  }
0x25d: {  	v60 =	vor.u32 $0xC, v21;
	v17 =	vadd.f32 v20, v17  }
0x25e: {  	v20 =	vld.idx.msk [tilespmem:v22+s2+$0x0], $0xffff  }
0x25f: {  	v22 =	vor.u32 $0xD, v21;
	v17 =	vadd.f32 v18, v17  }
0x260: {  	v18 =	vld.idx.msk [tilespmem:v23+s2+$0x0], $0xffff  }
0x261: {  	v23 =	vor.u32 $0xE, v21;
	v17 =	vadd.f32 v19, v17  }
0x262: {  	v19 =	vld.idx.msk [tilespmem:v60+s2+$0x0], $0xffff  }
0x263: {  	v21 =	vor.u32 $0xF, v21;
	v17 =	vadd.f32 v20, v17  }
0x264: {  	v20 =	vld.idx.msk [tilespmem:v22+s2+$0x0], $0xffff  }
0x265: {  	v17 =	vadd.f32 v18, v17  }
0x266: {  	v18 =	vld.idx.msk [tilespmem:v23+s2+$0x0], $0xffff  }
0x267: {  	s25 =	simm.s32 $0x10;
	v17 =	vadd.f32 v19, v17  }
0x268: {  	v19 =	vld.idx.msk [tilespmem:v21+s2+$0x0], $0xffff;
	v21 =	vmov s25  }
0x269: {  	v21 =	vshll.u32 v21, $0x4;
	v17 =	vadd.f32 v20, v17  }
0x26a: {  	v20 =	vor.u32 v16, v21  }
0x26b: {  	v21 =	vor.u32 $0x1, v20;
	v17 =	vadd.f32 v18, v17;
	_ =	sdelay $0x1  }
0x26c: {  	v17 =	vadd.f32 v19, v17  }
0x26d: {  	s0 =	simm.s32 $0x12500;
	v18 =	vor.u32 $0x2, v20  }
0x26e: {  	[tilespmem:s0+$0x0] =	vst v17  }
0x26f: {  	v19 =	vor.u32 $0x3, v20;
	v17 =	vld.idx.msk [tilespmem:v21+s2+$0x0], $0xffff  }
0x270: {  	v21 =	vld.idx.msk [tilespmem:v20+s2+$0x0], $0xffff  }
0x271: {  	v22 =	vor.u32 $0x4, v20  }
0x272: {  	v18 =	vld.idx.msk [tilespmem:v18+s2+$0x0], $0xffff  }
0x273: {  	v23 =	vor.u32 $0x5, v20  }
0x274: {  	v19 =	vld.idx.msk [tilespmem:v19+s2+$0x0], $0xffff  }
0x275: {  	v61 =	vor.u32 $0x6, v20;
	v17 =	vadd.f32 v17, v21  }
0x276: {  	v21 =	vld.idx.msk [tilespmem:v22+s2+$0x0], $0xffff  }
0x277: {  	v22 =	vor.u32 $0x7, v20;
	v17 =	vadd.f32 v18, v17  }
0x278: {  	v18 =	vld.idx.msk [tilespmem:v23+s2+$0x0], $0xffff  }
0x279: {  	v23 =	vor.u32 $0x8, v20;
	v17 =	vadd.f32 v19, v17  }
0x27a: {  	v19 =	vld.idx.msk [tilespmem:v61+s2+$0x0], $0xffff  }
0x27b: {  	v62 =	vor.u32 $0x9, v20;
	v17 =	vadd.f32 v21, v17  }
0x27c: {  	v21 =	vld.idx.msk [tilespmem:v22+s2+$0x0], $0xffff  }
0x27d: {  	v22 =	vor.u32 $0xA, v20;
	v17 =	vadd.f32 v18, v17  }
0x27e: {  	v18 =	vld.idx.msk [tilespmem:v23+s2+$0x0], $0xffff  }
0x27f: {  	v23 =	vor.u32 $0xB, v20;
	v17 =	vadd.f32 v19, v17  }
0x280: {  	v19 =	vld.idx.msk [tilespmem:v62+s2+$0x0], $0xffff  }
0x281: {  	v63 =	vor.u32 $0xC, v20;
	v17 =	vadd.f32 v21, v17  }
0x282: {  	v21 =	vld.idx.msk [tilespmem:v22+s2+$0x0], $0xffff  }
0x283: {  	v17 =	vadd.f32 v18, v17  }
0x284: {  	v22 =	vor.u32 $0xD, v20;
	v18 =	vld.idx.msk [tilespmem:v23+s2+$0x0], $0xffff  }
0x285: {  	v17 =	vadd.f32 v19, v17  }
0x286: {  	v23 =	vor.u32 $0xE, v20;
	v19 =	vld.idx.msk [tilespmem:v63+s2+$0x0], $0xffff  }
0x287: {  	v17 =	vadd.f32 v21, v17  }
0x288: {  	v20 =	vor.u32 $0xF, v20  }
0x289: {  	v21 =	vld.idx.msk [tilespmem:v22+s2+$0x0], $0xffff;
	v17 =	vadd.f32 v18, v17;
	_ =	sdelay $0x1  }
0x28a: {  	s3 =	simm.s32 $0xC500;
	s28 =	simm.s32 $0x20;
	v19 =	vadd.f32 v19, v17;
	v17 =	vld.idx.msk [tilespmem:v23+s2+$0x0], $0xffff  }
0x28b: {  	s4 =	simm.s32 $0x5500;
	s5 =	simm.s32 $0xD500;
	s6 =	simm.s32 $0x6500  }
0x28c: {  	s8 =	simm.s32 $0xE500;
	s9 =	simm.s32 $0x7500;
	s10 =	simm.s32 $0xF500;
	v22 =	vmov s28;
	v18 =	vld.idx.msk [tilespmem:v20+s2+$0x0], $0xffff  }
0x28d: {  	s11 =	simm.s32 $0x1;
	s12 =	simm.s32 $0x3;
	s1 =	simm.s32 $0x30;
	v20 =	vshll.u32 v22, $0x4;
	v19 =	vadd.f32 v21, v19  }
.LBB2_4:
0x28e: {  	p0 =	sne.s32 s1, $0x1F0;
	v20 =	vor.u32 v16, v20  }
0x28f: {  	v21 =	vor.u32 $0x1, v20;
	v17 =	vadd.f32 v17, v19;
	_ =	sdelay $0x1  }
0x290: {  	v17 =	vadd.f32 v18, v17  }
0x291: {  	s0 =	sadd.s32 $0x10, s0;
	v18 =	vor.u32 $0x2, v20  }
0x292: {  	[tilespmem:s0+$0x0] =	vst v17  }
0x293: {  	v19 =	vor.u32 $0x3, v20;
	v17 =	vld.idx.msk [tilespmem:v21+s2+$0x0], $0xffff  }
0x294: {  	v21 =	vld.idx.msk [tilespmem:v20+s2+$0x0], $0xffff  }
0x295: {  	v22 =	vor.u32 $0x4, v20  }
0x296: {  	v18 =	vld.idx.msk [tilespmem:v18+s2+$0x0], $0xffff  }
0x297: {  	v23 =	vor.u32 $0x5, v20  }
0x298: {  	v19 =	vld.idx.msk [tilespmem:v19+s2+$0x0], $0xffff  }
0x299: {  	v24 =	vor.u32 $0x6, v20  }
0x29a: {  	v17 =	vadd.f32 v17, v21;
	v21 =	vld.idx.msk [tilespmem:v22+s2+$0x0], $0xffff  }
0x29b: {  	v22 =	vor.u32 $0x7, v20  }
0x29c: {  	v17 =	vadd.f32 v18, v17;
	v18 =	vld.idx.msk [tilespmem:v23+s2+$0x0], $0xffff  }
0x29d: {  	v23 =	vor.u32 $0x8, v20  }
0x29e: {  	v17 =	vadd.f32 v19, v17;
	v19 =	vld.idx.msk [tilespmem:v24+s2+$0x0], $0xffff  }
0x29f: {  	v24 =	vor.u32 $0x9, v20  }
0x2a0: {  	v17 =	vadd.f32 v21, v17;
	v21 =	vld.idx.msk [tilespmem:v22+s2+$0x0], $0xffff  }
0x2a1: {  	v22 =	vor.u32 $0xA, v20  }
0x2a2: {  	v17 =	vadd.f32 v18, v17;
	v18 =	vld.idx.msk [tilespmem:v23+s2+$0x0], $0xffff  }
0x2a3: {  	v23 =	vor.u32 $0xB, v20  }
0x2a4: {  	v17 =	vadd.f32 v19, v17;
	v19 =	vld.idx.msk [tilespmem:v24+s2+$0x0], $0xffff  }
0x2a5: {  	v24 =	vor.u32 $0xC, v20  }
0x2a6: {  	v17 =	vadd.f32 v21, v17;
	v21 =	vld.idx.msk [tilespmem:v22+s2+$0x0], $0xffff  }
0x2a7: {  	v22 =	vor.u32 $0xD, v20  }
0x2a8: {  	v17 =	vadd.f32 v18, v17;
	v18 =	vld.idx.msk [tilespmem:v23+s2+$0x0], $0xffff  }
0x2a9: {  	v23 =	vor.u32 $0xE, v20  }
0x2aa: {  	v17 =	vadd.f32 v19, v17;
	v19 =	vld.idx.msk [tilespmem:v24+s2+$0x0], $0xffff  }
0x2ab: {  	v20 =	vor.u32 $0xF, v20  }
0x2ac: {  	v17 =	vadd.f32 v21, v17;
	v21 =	vld.idx.msk [tilespmem:v22+s2+$0x0], $0xffff;
	_ =	sdelay $0x1  }
.Ltmp1:
0x2ad: {  	v18 =	vadd.f32 v18, v17;
	v17 =	vld.idx.msk [tilespmem:v23+s2+$0x0], $0xffff;
	(pc) =	sbr.rel @p0 .LBB2_4-.Ltmp1, $4  }
0x2ae: {  	_ = 	snop  }
0x2af: {  	v19 =	vadd.f32 v19, v18;
	v18 =	vld.idx.msk [tilespmem:v20+s2+$0x0], $0xffff  }
0x2b0: {  	v20 =	vmov s1  }
0x2b1: {  	s1 =	sadd.s32 $0x10, s1;
	v20 =	vshll.u32 v20, $0x4;
	v19 =	vadd.f32 v21, v19  }
0x2b2: {  	v20 =	vor.u32 v16, v20  }
0x2b3: {  	v21 =	vor.u32 $0x1, v20;
	v17 =	vadd.f32 v17, v19;
	_ =	sdelay $0x1  }
0x2b4: {  	v17 =	vadd.f32 v18, v17  }
0x2b5: {  	s0 =	sadd.s32 $0x10, s0;
	v18 =	vor.u32 $0x2, v20  }
0x2b6: {  	[tilespmem:s0+$0x0] =	vst v17  }
0x2b7: {  	v19 =	vor.u32 $0x3, v20;
	v17 =	vld.idx.msk [tilespmem:v21+s2+$0x0], $0xffff  }
0x2b8: {  	v51 =	vld.idx.msk [tilespmem:v20+s2+$0x0], $0xffff  }
0x2b9: {  	v22 =	vor.u32 $0x4, v20  }
0x2ba: {  	v18 =	vld.idx.msk [tilespmem:v18+s2+$0x0], $0xffff  }
0x2bb: {  	v23 =	vor.u32 $0x5, v20  }
0x2bc: {  	v19 =	vld.idx.msk [tilespmem:v19+s2+$0x0], $0xffff  }
0x2bd: {  	v24 =	vor.u32 $0x6, v20;
	v17 =	vadd.f32 v17, v51  }
0x2be: {  	v52 =	vld.idx.msk [tilespmem:v22+s2+$0x0], $0xffff  }
0x2bf: {  	v53 =	vor.u32 $0x7, v20;
	v17 =	vadd.f32 v18, v17  }
0x2c0: {  	v18 =	vld.idx.msk [tilespmem:v23+s2+$0x0], $0xffff  }
0x2c1: {  	v54 =	vor.u32 $0x8, v20;
	v17 =	vadd.f32 v19, v17  }
0x2c2: {  	v19 =	vld.idx.msk [tilespmem:v24+s2+$0x0], $0xffff  }
0x2c3: {  	v55 =	vor.u32 $0x9, v20;
	v17 =	vadd.f32 v52, v17  }
0x2c4: {  	v56 =	vld.idx.msk [tilespmem:v53+s2+$0x0], $0xffff  }
0x2c5: {  	v57 =	vor.u32 $0xA, v20;
	v17 =	vadd.f32 v18, v17  }
0x2c6: {  	v18 =	vld.idx.msk [tilespmem:v54+s2+$0x0], $0xffff  }
0x2c7: {  	v58 =	vor.u32 $0xB, v20;
	v17 =	vadd.f32 v19, v17  }
0x2c8: {  	v19 =	vld.idx.msk [tilespmem:v55+s2+$0x0], $0xffff  }
0x2c9: {  	v59 =	vor.u32 $0xC, v20;
	v17 =	vadd.f32 v56, v17  }
0x2ca: {  	v60 =	vld.idx.msk [tilespmem:v57+s2+$0x0], $0xffff  }
0x2cb: {  	v61 =	vor.u32 $0xD, v20;
	v17 =	vadd.f32 v18, v17  }
0x2cc: {  	v18 =	vld.idx.msk [tilespmem:v58+s2+$0x0], $0xffff  }
0x2cd: {  	v62 =	vor.u32 $0xE, v20;
	v17 =	vadd.f32 v19, v17  }
0x2ce: {  	v19 =	vld.idx.msk [tilespmem:v59+s2+$0x0], $0xffff  }
0x2cf: {  	v20 =	vor.u32 $0xF, v20;
	v17 =	vadd.f32 v60, v17  }
0x2d0: {  	v63 =	vld.idx.msk [tilespmem:v61+s2+$0x0], $0xffff  }
0x2d1: {  	v17 =	vadd.f32 v18, v17  }
0x2d2: {  	v18 =	vld.idx.msk [tilespmem:v62+s2+$0x0], $0xffff  }
0x2d3: {  	v17 =	vadd.f32 v19, v17  }
0x2d4: {  	v19 =	vld.idx.msk [tilespmem:v20+s2+$0x0], $0xffff  }
0x2d5: {  	v17 =	vadd.f32 v63, v17;
	_ =	sdelay $0x1  }
0x2d6: {  	v17 =	vadd.f32 v18, v17;
	_ =	sdelay $0x1  }
0x2d7: {  	v17 =	vadd.f32 v19, v17  }
0x2d8: {  	s0 =	sadd.s32 $0x10, s0  }
0x2d9: {  	s7 =	simm.s32 $0x0;
	s23 =	rddreg [dreg:$0xf];
	s1 =	simm.s32 $0x12500;
	[tilespmem:s0+$0x0] =	vst v17  }
0x2da: {  	[hbm4b:s23+s7] =	stream.linear.scatter [tilespmem:s1], [sflag:$0x5], $0x200, $0x38;
	[tilespmem:$0x12700] =	vst v63  }
0x2db: {  	s1 =	simm.s32 $0x5  }
0x2dc: {  	_ =	swait.ge [sflag:s1], $0x200  }
0x2dd: {  	s24 =	rddreg [dreg:$0x11]  }
0x2de: {  	s25 =	rddreg [dreg:$0x10];
	s2 =	sadd.s32 $0x1, s24  }
0x2df: {  	p0 =	sne.s32 s2, s25  }
.Ltmp2:
0x2e0: {  	_ = 	snop;
	(pc) =	sbr.rel @p0 .LBB2_1-.Ltmp2, $4  }
0x2e1: {  	_ = 	snop  }
0x2e2: {  	s19 =	simm.s32 $0x1500;
	s20 =	simm.s32 $0x9500  }
0x2e3: {  	s28 =	simm.s32 $0xB500;
	s23 =	simm.s32 $0x2500;
	[sflag:s1] =	ssyncset.done $0x0  }
0x2e4: {  	[sflag:s1] =	ssyncadd.s32 $0xFFFFFE00;
	s24 =	simm.s32 $0xA500;
	s25 =	simm.s32 $0x3500  }
0x2e5: {  	_ =	sfence.sel $0x180000  }
0x2e6: {  	[bflag:$0x0] =	sbarrier.arrive $0xFFFF  }
0x2e7: {  	_ =	strace $0x90000047  }
0x2e8: {  	s0 =	stileid.u32;
	[bflag:$0x2] =	sbarrier.arrive $0xFFFF  }
0x2e9: {  	p0 =	sne.s32 s0, $0x0;
	s0 =	rddreg [dreg:$0x5]  }
0x2ea: {  	s0 =	sadd.s32 @!p0 $0x100000, s0  }
0x2eb: {  	[sflag:s0] =	ssyncadd.tile.s32 @!p0 $0x1;
	_ =	shalt  }
.Lfunc_end2:
_tile_overlayer_lowered:
.L_overlay_start_2:
0x2ec: {  	(tag) =	ssettag $0x2  }
0x2ed: {  	s0 =	rddreg [dreg:$0x0];
	s2 =	stileid.u32  }
0x2ee: {  	s1 =	rddreg [dreg:$0x1];
	p0 =	sne.s32 s2, $0x0  }
0x2ef: {  	s3 =	rddreg [dreg:$0x2];
	[bflag:$0x3] =	sbarrier.arrive $0xFFFF;
	s2 =	simm.s32 @!p0 $0x1C05  }
0x2f0: {  	[timem:s3], [sflag:s2] =	dma.local @!p0 [hbm:s0], s1  }
0x2f1: {  	s0 =	simm.s32 @!p0 $0x5  }
0x2f2: {  	_ =	swait.ge @!p0 [sflag:s0], s1  }
0x2f3: {  	s1 =	ssub.s32 @!p0 $0x0, s1;
	[sflag:s0] =	ssyncset.done @!p0 $0x0  }
0x2f4: {  	[sflag:s0] =	ssyncadd.s32 @!p0 s1  }
0x2f5: {  	[bflag:$0x3] =	sbarrier.arrive $0xFFFF  }
0x2f6: {  	_ =	shalt  }

</sc_bundles>
